<compile_context>
chip_gen: v7x
topology: tpu7x:2x2x1
jax: 0.10.2.dev20260603
libtpu: 0.0.44.dev20260713+nightly
codegen_flags: <defaults>
</compile_context>

<pallas_src>
import functools

import jax
import jax.numpy as jnp
from jax import lax
from jax.experimental import pallas as pl
from jax.experimental.pallas import tpu as pltpu
from jax.experimental.pallas import tpu_sc as plsc

VOCAB = 1000000
EMBED = 16
BATCH = 16384
HIST = 200

NC = 2
NS = 16
L = 16
NW = NC * NS
B_PER_W = BATCH // NW
NACC = B_PER_W // L
SLAB_L = 4
SLAB = SLAB_L * B_PER_W
N_IT = HIST // SLAB_L

_TV_COLS = 65536


def _tv_body(tbl_ref, v_ref, out_ref):
  z = jax.lax.dot_general(v_ref[...], tbl_ref[...], (((1,), (0,)), ((), ())),
                          preferred_element_type=jnp.float32)
  out_ref[...] = z[0]


def _table_matvec(table_t, v):
  return pl.pallas_call(
      _tv_body,
      grid=(pl.cdiv(VOCAB, _TV_COLS),),
      in_specs=[
          pl.BlockSpec((EMBED, _TV_COLS), lambda i: (0, i)),
          pl.BlockSpec((1, EMBED), lambda i: (0, 0)),
      ],
      out_specs=pl.BlockSpec((_TV_COLS,), lambda i: (i,)),
      out_shape=jax.ShapeDtypeStruct((VOCAB,), jnp.float32),
  )(table_t, v)


def _make_sc_kernel():
  mesh = plsc.VectorSubcoreMesh(core_axis_name="c", subcore_axis_name="s")

  @functools.partial(
      pl.kernel,
      mesh=mesh,
      compiler_params=pltpu.CompilerParams(use_tc_tiling_on_sc=False),
      out_type=jax.ShapeDtypeStruct((BATCH,), jnp.float32),
      scratch_types=[
          pltpu.VMEM_SHARED((VOCAB,), jnp.float32),
          pltpu.VMEM((SLAB,), jnp.int32),
          pltpu.VMEM((SLAB,), jnp.int32),
          pltpu.VMEM((SLAB,), jnp.float32),
          pltpu.VMEM((SLAB,), jnp.float32),
          pltpu.VMEM((L,), jnp.float32),
          pltpu.VMEM((B_PER_W,), jnp.float32),
          pltpu.SemaphoreType.DMA,
          pltpu.SemaphoreType.DMA,
          pltpu.SemaphoreType.DMA,
          pltpu.SemaphoreType.DMA,
      ],
  )
  def sc_pool(xtflat, tvals, cc, out, shared_t, xs0, xs1, val0, val1, cc_v,
              out_v, sx0, sx1, sg0, sg1):
    sid = lax.axis_index("s")
    wid = sid * NC + lax.axis_index("c")
    col0 = wid * B_PER_W
    xsb = (xs0, xs1)
    sxb = (sx0, sx1)
    valb = (val0, val1)
    sgb = (sg0, sg1)
    pltpu.sync_copy(cc, cc_v)
    ccvec = cc_v[...]
    inv = jnp.float32(1.0 / HIST)

    def stage(it, b):
      for q in range(SLAB_L):
        pltpu.async_copy(
            xtflat.at[pl.ds((it * SLAB_L + q) * BATCH + col0, B_PER_W)],
            xsb[b].at[pl.ds(q * B_PER_W, B_PER_W)], sxb[b])

    def stage_wait(b):
      pltpu.make_async_copy(xtflat.at[pl.ds(0, SLAB)], xsb[b],
                            sxb[b]).wait()

    def g_start(b):
      pltpu.async_copy(shared_t.at[xsb[b]], valb[b], sgb[b])

    def g_wait(b):
      pltpu.make_async_copy(shared_t.at[xsb[b]], valb[b], sgb[b]).wait()

    stage(0, 0)
    stage(1, 1)

    @pl.when(sid == 0)
    def _():
      pltpu.sync_copy(tvals, shared_t)

    plsc.subcore_barrier()
    stage_wait(0)
    g_start(0)

    def pair_body(lp, accs):
      for half in (0, 1):
        it = lp * 2 + half
        b = half
        nb = 1 - half

        @pl.when(it + 1 < N_IT)
        def _():
          stage_wait(nb)
          g_start(nb)

        g_wait(b)

        @pl.when(it + 2 < N_IT)
        def _():
          stage(it + 2, b)

        vv = valb[b]
        for q in range(SLAB_L):
          accs = tuple(accs[j] + vv[pl.ds((q * NACC + j) * L, L)]
                       for j in range(NACC))
      return accs

    zero = jnp.zeros((L,), jnp.float32)
    accs = lax.fori_loop(0, N_IT // 2, pair_body, (zero,) * NACC)
    for j in range(NACC):
      z = accs[j] * inv + ccvec
      out_v[pl.ds(j * L, L)] = 1.0 / (1.0 + jnp.exp(-z))
    pltpu.sync_copy(out_v, out.at[pl.ds(col0, B_PER_W)])

  return sc_pool


_SC_POOL = _make_sc_kernel()


def kernel(x, table, W1, b1, W2, b2):
  v = (W2 @ W1).reshape(1, EMBED).astype(jnp.float32)
  c = (W2 @ b1 + b2).reshape(())
  cc = jnp.full((L,), c, jnp.float32)
  tvals = _table_matvec(table.T, v)
  out = _SC_POOL(x.T.reshape(-1), tvals, cc)
  return out.reshape(BATCH, 1)

# --- scband reference (transcript-rebuilt; emitter-appended) ---
"""Pipeline reference for scband-simple-classifier-5600637354392 (READ-ONLY COPY).

The authoritative reference and input builder live on the scoring server;
editing this copy changes nothing except your own understanding.
"""

import jax, jax.numpy as jnp
import numpy as np

VOCAB = 1000000
EMBED = 16
HIDDEN = 8
BATCH = 16384
HIST = 200

def setup_inputs(seed: int = 0) -> dict:
    key = jax.random.key(seed)
    k_x, k_emb, k_w1, k_b1, k_w2, k_b2 = jax.random.split(key, 6)
    x = jax.random.randint(k_x, (BATCH, HIST), 0, VOCAB, dtype=jnp.int64 if jax.config.jax_enable_x64 else jnp.int32).astype(jnp.int32)
    table = jax.random.normal(k_emb, (VOCAB, EMBED), dtype=jnp.float32)
    # nn.Linear default init: U(-1/sqrt(fan_in), 1/sqrt(fan_in))
    lim1 = 1.0 / np.sqrt(EMBED)
    W1 = jax.random.uniform(k_w1, (HIDDEN, EMBED), minval=-lim1, maxval=lim1, dtype=jnp.float32)
    b1 = jax.random.uniform(k_b1, (HIDDEN,), minval=-lim1, maxval=lim1, dtype=jnp.float32)
    lim2 = 1.0 / np.sqrt(HIDDEN)
    W2 = jax.random.uniform(k_w2, (1, HIDDEN), minval=-lim2, maxval=lim2, dtype=jnp.float32)
    b2 = jax.random.uniform(k_b2, (1,), minval=-lim2, maxval=lim2, dtype=jnp.float32)
    return {"x": x, "table": table, "W1": W1, "b1": b1, "W2": W2, "b2": b2}

def reference(x, table, W1, b1, W2, b2):
    embedded = jnp.take(table, x, axis=0)            # [B, L, E]
    pooled = jnp.mean(embedded, axis=1)              # [B, E]
    h = pooled @ W1.T + b1                           # [B, H]
    out = h @ W2.T + b2                              # [B, 1]
    return jax.nn.sigmoid(out)

if __name__ == "__main__":
    import jax
    _d = setup_inputs()
    print(jax.jit(kernel)(*tuple(_d.values())))

</pallas_src>

<mosaic_0001>
#map = affine_map<(d0, d1) -> (0)>
module attributes {stable_mosaic.version = 14 : i64} {
  func.func @sc_pool(%arg0: i32, %arg1: i32, %arg2: memref<3276800xi32, #tpu.memory_space<hbm>>, %arg3: memref<1000000xf32, #tpu.memory_space<hbm>>, %arg4: memref<16xf32, #tpu.memory_space<hbm>>, %arg5: memref<16384xf32, #tpu.memory_space<hbm>>, %arg6: memref<1000000xf32, #tpu.memory_space<vmem_shared>>, %arg7: memref<2048xi32, #tpu.memory_space<vmem>>, %arg8: memref<2048xi32, #tpu.memory_space<vmem>>, %arg9: memref<2048xf32, #tpu.memory_space<vmem>>, %arg10: memref<2048xf32, #tpu.memory_space<vmem>>, %arg11: memref<16xf32, #tpu.memory_space<vmem>>, %arg12: memref<512xf32, #tpu.memory_space<vmem>>, %arg13: memref<!tpu.dma_semaphore, #tpu.memory_space<semaphore_mem>>, %arg14: memref<!tpu.dma_semaphore, #tpu.memory_space<semaphore_mem>>, %arg15: memref<!tpu.dma_semaphore, #tpu.memory_space<semaphore_mem>>, %arg16: memref<!tpu.dma_semaphore, #tpu.memory_space<semaphore_mem>>) attributes {dimension_semantics = [#tpu.dimension_semantics<core_parallel>, #tpu.dimension_semantics<subcore_parallel>], iteration_bounds = array<i64: 2, 16>, scalar_prefetch = 0 : i64, scratch_operands = 11 : i64, tpu.core_type = #tpu.core_type<sc_vector_subcore>, window_params = [{transform_indices = #map}, {transform_indices = #map}, {transform_indices = #map}, {transform_indices = #map}]} {
    %mul3A = arith.constant 2 : i32
    %mul3A_0 = arith.muli %arg1, %mul3A : i32
    %add3A = arith.addi %mul3A_0, %arg0 : i32
    %mul3A_1 = arith.constant 512 : i32
    %mul3A_2 = arith.muli %add3A, %mul3A_1 : i32
    "tpu.region"() ({
      %run_scoped3A = tpu.sem_alloc : memref<!tpu.dma_semaphore, #tpu.memory_space<semaphore_mem>>
      tpu.enqueue_dma source(%arg4 : memref<16xf32, #tpu.memory_space<hbm>>) target(%arg11 : memref<16xf32, #tpu.memory_space<vmem>>) target_semaphore(%run_scoped3A : memref<!tpu.dma_semaphore, #tpu.memory_space<semaphore_mem>>)
      tpu.wait_dma2 semaphore(%run_scoped3A : memref<!tpu.dma_semaphore, #tpu.memory_space<semaphore_mem>>) src(%arg4 : memref<16xf32, #tpu.memory_space<hbm>>) dst(%arg11 : memref<16xf32, #tpu.memory_space<vmem>>)
      tpu.yield
    }) : () -> ()
    %get3A = arith.constant 0 : index
    %get3A_3 = tpu.vector_load %arg11[%get3A] {strides = array<i32>} : memref<16xf32, #tpu.memory_space<vmem>>, vector<16xf32>,
    %get3A_4 = vector.shape_cast %get3A_3 : vector<16xf32> to vector<16xf32>
    %add3A_5 = arith.constant 0 : i32
    %add3A_6 = arith.addi %add3A_5, %mul3A_2 : i32
    %dma_start3A = arith.constant 0 : i32
    %dma_start3A_7 = tpu.memref_slice %arg7[%dma_start3A] : memref<2048xi32, #tpu.memory_space<vmem>> -> memref<512xi32, #tpu.memory_space<vmem>>
    %dma_start3A_8 = tpu.memref_slice %arg2[%add3A_6] : memref<3276800xi32, #tpu.memory_space<hbm>> -> memref<512xi32, #tpu.memory_space<hbm>>
    %dma_start3A_9 = arith.constant 0 : i32
    %dma_start3A_10 = tpu.memref_slice %arg7[%dma_start3A_9] : memref<2048xi32, #tpu.memory_space<vmem>> -> memref<512xi32, #tpu.memory_space<vmem>>
    %dma_start3A_11 = tpu.memref_slice %arg2[%add3A_6] : memref<3276800xi32, #tpu.memory_space<hbm>> -> memref<512xi32, #tpu.memory_space<hbm>>
    tpu.enqueue_dma source(%dma_start3A_11 : memref<512xi32, #tpu.memory_space<hbm>>) target(%dma_start3A_10 : memref<512xi32, #tpu.memory_space<vmem>>) target_semaphore(%arg13 : memref<!tpu.dma_semaphore, #tpu.memory_space<semaphore_mem>>)
    %add3A_12 = arith.constant 16384 : i32
    %add3A_13 = arith.addi %add3A_12, %mul3A_2 : i32
    %dma_start3A_14 = arith.constant 512 : i32
    %dma_start3A_15 = tpu.memref_slice %arg7[%dma_start3A_14] : memref<2048xi32, #tpu.memory_space<vmem>> -> memref<512xi32, #tpu.memory_space<vmem>>
    %dma_start3A_16 = tpu.memref_slice %arg2[%add3A_13] : memref<3276800xi32, #tpu.memory_space<hbm>> -> memref<512xi32, #tpu.memory_space<hbm>>
    %dma_start3A_17 = arith.constant 512 : i32
    %dma_start3A_18 = tpu.memref_slice %arg7[%dma_start3A_17] : memref<2048xi32, #tpu.memory_space<vmem>> -> memref<512xi32, #tpu.memory_space<vmem>>
    %dma_start3A_19 = tpu.memref_slice %arg2[%add3A_13] : memref<3276800xi32, #tpu.memory_space<hbm>> -> memref<512xi32, #tpu.memory_space<hbm>>
    tpu.enqueue_dma source(%dma_start3A_19 : memref<512xi32, #tpu.memory_space<hbm>>) target(%dma_start3A_18 : memref<512xi32, #tpu.memory_space<vmem>>) target_semaphore(%arg13 : memref<!tpu.dma_semaphore, #tpu.memory_space<semaphore_mem>>)
    %add3A_20 = arith.constant 32768 : i32
    %add3A_21 = arith.addi %add3A_20, %mul3A_2 : i32
    %dma_start3A_22 = arith.constant 1024 : i32
    %dma_start3A_23 = tpu.memref_slice %arg7[%dma_start3A_22] : memref<2048xi32, #tpu.memory_space<vmem>> -> memref<512xi32, #tpu.memory_space<vmem>>
    %dma_start3A_24 = tpu.memref_slice %arg2[%add3A_21] : memref<3276800xi32, #tpu.memory_space<hbm>> -> memref<512xi32, #tpu.memory_space<hbm>>
    %dma_start3A_25 = arith.constant 1024 : i32
    %dma_start3A_26 = tpu.memref_slice %arg7[%dma_start3A_25] : memref<2048xi32, #tpu.memory_space<vmem>> -> memref<512xi32, #tpu.memory_space<vmem>>
    %dma_start3A_27 = tpu.memref_slice %arg2[%add3A_21] : memref<3276800xi32, #tpu.memory_space<hbm>> -> memref<512xi32, #tpu.memory_space<hbm>>
    tpu.enqueue_dma source(%dma_start3A_27 : memref<512xi32, #tpu.memory_space<hbm>>) target(%dma_start3A_26 : memref<512xi32, #tpu.memory_space<vmem>>) target_semaphore(%arg13 : memref<!tpu.dma_semaphore, #tpu.memory_space<semaphore_mem>>)
    %add3A_28 = arith.constant 49152 : i32
    %add3A_29 = arith.addi %add3A_28, %mul3A_2 : i32
    %dma_start3A_30 = arith.constant 1536 : i32
    %dma_start3A_31 = tpu.memref_slice %arg7[%dma_start3A_30] : memref<2048xi32, #tpu.memory_space<vmem>> -> memref<512xi32, #tpu.memory_space<vmem>>
    %dma_start3A_32 = tpu.memref_slice %arg2[%add3A_29] : memref<3276800xi32, #tpu.memory_space<hbm>> -> memref<512xi32, #tpu.memory_space<hbm>>
    %dma_start3A_33 = arith.constant 1536 : i32
    %dma_start3A_34 = tpu.memref_slice %arg7[%dma_start3A_33] : memref<2048xi32, #tpu.memory_space<vmem>> -> memref<512xi32, #tpu.memory_space<vmem>>
    %dma_start3A_35 = tpu.memref_slice %arg2[%add3A_29] : memref<3276800xi32, #tpu.memory_space<hbm>> -> memref<512xi32, #tpu.memory_space<hbm>>
    tpu.enqueue_dma source(%dma_start3A_35 : memref<512xi32, #tpu.memory_space<hbm>>) target(%dma_start3A_34 : memref<512xi32, #tpu.memory_space<vmem>>) target_semaphore(%arg13 : memref<!tpu.dma_semaphore, #tpu.memory_space<semaphore_mem>>)
    %add3A_36 = arith.constant 65536 : i32
    %add3A_37 = arith.addi %add3A_36, %mul3A_2 : i32
    %dma_start3A_38 = arith.constant 0 : i32
    %dma_start3A_39 = tpu.memref_slice %arg8[%dma_start3A_38] : memref<2048xi32, #tpu.memory_space<vmem>> -> memref<512xi32, #tpu.memory_space<vmem>>
    %dma_start3A_40 = tpu.memref_slice %arg2[%add3A_37] : memref<3276800xi32, #tpu.memory_space<hbm>> -> memref<512xi32, #tpu.memory_space<hbm>>
    %dma_start3A_41 = arith.constant 0 : i32
    %dma_start3A_42 = tpu.memref_slice %arg8[%dma_start3A_41] : memref<2048xi32, #tpu.memory_space<vmem>> -> memref<512xi32, #tpu.memory_space<vmem>>
    %dma_start3A_43 = tpu.memref_slice %arg2[%add3A_37] : memref<3276800xi32, #tpu.memory_space<hbm>> -> memref<512xi32, #tpu.memory_space<hbm>>
    tpu.enqueue_dma source(%dma_start3A_43 : memref<512xi32, #tpu.memory_space<hbm>>) target(%dma_start3A_42 : memref<512xi32, #tpu.memory_space<vmem>>) target_semaphore(%arg14 : memref<!tpu.dma_semaphore, #tpu.memory_space<semaphore_mem>>)
    %add3A_44 = arith.constant 81920 : i32
    %add3A_45 = arith.addi %add3A_44, %mul3A_2 : i32
    %dma_start3A_46 = arith.constant 512 : i32
    %dma_start3A_47 = tpu.memref_slice %arg8[%dma_start3A_46] : memref<2048xi32, #tpu.memory_space<vmem>> -> memref<512xi32, #tpu.memory_space<vmem>>
    %dma_start3A_48 = tpu.memref_slice %arg2[%add3A_45] : memref<3276800xi32, #tpu.memory_space<hbm>> -> memref<512xi32, #tpu.memory_space<hbm>>
    %dma_start3A_49 = arith.constant 512 : i32
    %dma_start3A_50 = tpu.memref_slice %arg8[%dma_start3A_49] : memref<2048xi32, #tpu.memory_space<vmem>> -> memref<512xi32, #tpu.memory_space<vmem>>
    %dma_start3A_51 = tpu.memref_slice %arg2[%add3A_45] : memref<3276800xi32, #tpu.memory_space<hbm>> -> memref<512xi32, #tpu.memory_space<hbm>>
    tpu.enqueue_dma source(%dma_start3A_51 : memref<512xi32, #tpu.memory_space<hbm>>) target(%dma_start3A_50 : memref<512xi32, #tpu.memory_space<vmem>>) target_semaphore(%arg14 : memref<!tpu.dma_semaphore, #tpu.memory_space<semaphore_mem>>)
    %add3A_52 = arith.constant 98304 : i32
    %add3A_53 = arith.addi %add3A_52, %mul3A_2 : i32
    %dma_start3A_54 = arith.constant 1024 : i32
    %dma_start3A_55 = tpu.memref_slice %arg8[%dma_start3A_54] : memref<2048xi32, #tpu.memory_space<vmem>> -> memref<512xi32, #tpu.memory_space<vmem>>
    %dma_start3A_56 = tpu.memref_slice %arg2[%add3A_53] : memref<3276800xi32, #tpu.memory_space<hbm>> -> memref<512xi32, #tpu.memory_space<hbm>>
    %dma_start3A_57 = arith.constant 1024 : i32
    %dma_start3A_58 = tpu.memref_slice %arg8[%dma_start3A_57] : memref<2048xi32, #tpu.memory_space<vmem>> -> memref<512xi32, #tpu.memory_space<vmem>>
    %dma_start3A_59 = tpu.memref_slice %arg2[%add3A_53] : memref<3276800xi32, #tpu.memory_space<hbm>> -> memref<512xi32, #tpu.memory_space<hbm>>
    tpu.enqueue_dma source(%dma_start3A_59 : memref<512xi32, #tpu.memory_space<hbm>>) target(%dma_start3A_58 : memref<512xi32, #tpu.memory_space<vmem>>) target_semaphore(%arg14 : memref<!tpu.dma_semaphore, #tpu.memory_space<semaphore_mem>>)
    %add3A_60 = arith.constant 114688 : i32
    %add3A_61 = arith.addi %add3A_60, %mul3A_2 : i32
    %dma_start3A_62 = arith.constant 1536 : i32
    %dma_start3A_63 = tpu.memref_slice %arg8[%dma_start3A_62] : memref<2048xi32, #tpu.memory_space<vmem>> -> memref<512xi32, #tpu.memory_space<vmem>>
    %dma_start3A_64 = tpu.memref_slice %arg2[%add3A_61] : memref<3276800xi32, #tpu.memory_space<hbm>> -> memref<512xi32, #tpu.memory_space<hbm>>
    %dma_start3A_65 = arith.constant 1536 : i32
    %dma_start3A_66 = tpu.memref_slice %arg8[%dma_start3A_65] : memref<2048xi32, #tpu.memory_space<vmem>> -> memref<512xi32, #tpu.memory_space<vmem>>
    %dma_start3A_67 = tpu.memref_slice %arg2[%add3A_61] : memref<3276800xi32, #tpu.memory_space<hbm>> -> memref<512xi32, #tpu.memory_space<hbm>>
    tpu.enqueue_dma source(%dma_start3A_67 : memref<512xi32, #tpu.memory_space<hbm>>) target(%dma_start3A_66 : memref<512xi32, #tpu.memory_space<vmem>>) target_semaphore(%arg14 : memref<!tpu.dma_semaphore, #tpu.memory_space<semaphore_mem>>)
    %eq3A = arith.constant 0 : i32
    %eq3A_68 = arith.cmpi eq, %arg1, %eq3A : i32
    %convert_element_type3A = arith.extui %eq3A_68 : i1 to i32
    %cond3A = arith.constant 0 : i32
    %cond3A_69 = arith.cmpi ne, %convert_element_type3A, %cond3A : i32
    scf.if %cond3A_69 {
      "tpu.region"() ({
        %run_scoped3A = tpu.sem_alloc : memref<!tpu.dma_semaphore, #tpu.memory_space<semaphore_mem>>
        tpu.enqueue_dma source(%arg3 : memref<1000000xf32, #tpu.memory_space<hbm>>) target(%arg6 : memref<1000000xf32, #tpu.memory_space<vmem_shared>>) target_semaphore(%run_scoped3A : memref<!tpu.dma_semaphore, #tpu.memory_space<semaphore_mem>>)
        tpu.wait_dma2 semaphore(%run_scoped3A : memref<!tpu.dma_semaphore, #tpu.memory_space<semaphore_mem>>) src(%arg3 : memref<1000000xf32, #tpu.memory_space<hbm>>) dst(%arg6 : memref<1000000xf32, #tpu.memory_space<vmem_shared>>)
        tpu.yield
      }) : () -> ()
    } else {
    }
    %barrier3A = arith.constant 0 : index
    tpu.barrier barrier_id(%barrier3A)
    %dma_wait3A = arith.constant 0 : i32
    %dma_wait3A_70 = tpu.memref_slice %arg2[%dma_wait3A] : memref<3276800xi32, #tpu.memory_space<hbm>> -> memref<2048xi32, #tpu.memory_space<hbm>>
    %dma_wait3A_71 = arith.constant 0 : i32
    %dma_wait3A_72 = tpu.memref_slice %arg2[%dma_wait3A_71] : memref<3276800xi32, #tpu.memory_space<hbm>> -> memref<2048xi32, #tpu.memory_space<hbm>>
    tpu.wait_dma2 semaphore(%arg13 : memref<!tpu.dma_semaphore, #tpu.memory_space<semaphore_mem>>) src(%dma_wait3A_72 : memref<2048xi32, #tpu.memory_space<hbm>>) dst(%arg7 : memref<2048xi32, #tpu.memory_space<vmem>>)
    %dma_start3A_73 = arith.constant 0 : i32
    %dma_start3A_74 = tpu.memref_slice %arg6[%dma_start3A_73] : memref<1000000xf32, #tpu.memory_space<vmem_shared>> -> memref<1000000xf32, #tpu.memory_space<vmem_shared>>
    tpu.enqueue_indirect_dma source(%dma_start3A_74 : memref<1000000xf32, #tpu.memory_space<vmem_shared>>) target(%arg9 : memref<2048xf32, #tpu.memory_space<vmem>>) offsets(%arg7 : memref<2048xi32, #tpu.memory_space<vmem>>) semaphore(%arg15 : memref<!tpu.dma_semaphore, #tpu.memory_space<semaphore_mem>>)
    %broadcast_in_dim3A = arith.constant 0.000000e+00 : f32
    %broadcast_in_dim3A_75 = vector.broadcast %broadcast_in_dim3A : f32 to vector<16xf32>
    %scan3A = arith.constant 0 : i32
    %scan3A_76 = arith.constant 25 : i32
    %scan3A_77 = arith.addi %scan3A, %scan3A_76 : i32
    %scan3A_78 = arith.constant 1 : i32
    %scan3A_79:32 = scf.for %scan3A_653 = %scan3A to %scan3A_77 step %scan3A_78 iter_args(%scan3A_654 = %broadcast_in_dim3A_75, %scan3A_655 = %broadcast_in_dim3A_75, %scan3A_656 = %broadcast_in_dim3A_75, %scan3A_657 = %broadcast_in_dim3A_75, %scan3A_658 = %broadcast_in_dim3A_75, %scan3A_659 = %broadcast_in_dim3A_75, %scan3A_660 = %broadcast_in_dim3A_75, %scan3A_661 = %broadcast_in_dim3A_75, %scan3A_662 = %broadcast_in_dim3A_75, %scan3A_663 = %broadcast_in_dim3A_75, %scan3A_664 = %broadcast_in_dim3A_75, %scan3A_665 = %broadcast_in_dim3A_75, %scan3A_666 = %broadcast_in_dim3A_75, %scan3A_667 = %broadcast_in_dim3A_75, %scan3A_668 = %broadcast_in_dim3A_75, %scan3A_669 = %broadcast_in_dim3A_75, %scan3A_670 = %broadcast_in_dim3A_75, %scan3A_671 = %broadcast_in_dim3A_75, %scan3A_672 = %broadcast_in_dim3A_75, %scan3A_673 = %broadcast_in_dim3A_75, %scan3A_674 = %broadcast_in_dim3A_75, %scan3A_675 = %broadcast_in_dim3A_75, %scan3A_676 = %broadcast_in_dim3A_75, %scan3A_677 = %broadcast_in_dim3A_75, %scan3A_678 = %broadcast_in_dim3A_75, %scan3A_679 = %broadcast_in_dim3A_75, %scan3A_680 = %broadcast_in_dim3A_75, %scan3A_681 = %broadcast_in_dim3A_75, %scan3A_682 = %broadcast_in_dim3A_75, %scan3A_683 = %broadcast_in_dim3A_75, %scan3A_684 = %broadcast_in_dim3A_75, %scan3A_685 = %broadcast_in_dim3A_75) -> (vector<16xf32>, vector<16xf32>, vector<16xf32>, vector<16xf32>, vector<16xf32>, vector<16xf32>, vector<16xf32>, vector<16xf32>, vector<16xf32>, vector<16xf32>, vector<16xf32>, vector<16xf32>, vector<16xf32>, vector<16xf32>, vector<16xf32>, vector<16xf32>, vector<16xf32>, vector<16xf32>, vector<16xf32>, vector<16xf32>, vector<16xf32>, vector<16xf32>, vector<16xf32>, vector<16xf32>, vector<16xf32>, vector<16xf32>, vector<16xf32>, vector<16xf32>, vector<16xf32>, vector<16xf32>, vector<16xf32>, vector<16xf32>)  : i32 {
      %mul3A_686 = arith.constant 2 : i32
      %mul3A_687 = arith.muli %scan3A_653, %mul3A_686 : i32
      %add3A_688 = arith.constant 0 : i32
      %add3A_689 = arith.addi %mul3A_687, %add3A_688 : i32
      %add3A_690 = arith.constant 1 : i32
      %add3A_691 = arith.addi %add3A_689, %add3A_690 : i32
      %lt3A = arith.constant 50 : i32
      %lt3A_692 = arith.cmpi slt, %add3A_691, %lt3A : i32
      %convert_element_type3A_693 = arith.extui %lt3A_692 : i1 to i32
      %cond3A_694 = arith.constant 0 : i32
      %cond3A_695 = arith.cmpi ne, %convert_element_type3A_693, %cond3A_694 : i32
      scf.if %cond3A_695 {
        %dma_wait3A_1749 = arith.constant 0 : i32
        %dma_wait3A_1750 = tpu.memref_slice %arg2[%dma_wait3A_1749] : memref<3276800xi32, #tpu.memory_space<hbm>> -> memref<2048xi32, #tpu.memory_space<hbm>>
        %dma_wait3A_1751 = arith.constant 0 : i32
        %dma_wait3A_1752 = tpu.memref_slice %arg2[%dma_wait3A_1751] : memref<3276800xi32, #tpu.memory_space<hbm>> -> memref<2048xi32, #tpu.memory_space<hbm>>
        tpu.wait_dma2 semaphore(%arg14 : memref<!tpu.dma_semaphore, #tpu.memory_space<semaphore_mem>>) src(%dma_wait3A_1752 : memref<2048xi32, #tpu.memory_space<hbm>>) dst(%arg8 : memref<2048xi32, #tpu.memory_space<vmem>>)
        %dma_start3A_1753 = arith.constant 0 : i32
        %dma_start3A_1754 = tpu.memref_slice %arg6[%dma_start3A_1753] : memref<1000000xf32, #tpu.memory_space<vmem_shared>> -> memref<1000000xf32, #tpu.memory_space<vmem_shared>>
        tpu.enqueue_indirect_dma source(%dma_start3A_1754 : memref<1000000xf32, #tpu.memory_space<vmem_shared>>) target(%arg10 : memref<2048xf32, #tpu.memory_space<vmem>>) offsets(%arg8 : memref<2048xi32, #tpu.memory_space<vmem>>) semaphore(%arg16 : memref<!tpu.dma_semaphore, #tpu.memory_space<semaphore_mem>>)
      } else {
      }
      %dma_wait3A_696 = arith.constant 0 : i32
      %dma_wait3A_697 = tpu.memref_slice %arg6[%dma_wait3A_696] : memref<1000000xf32, #tpu.memory_space<vmem_shared>> -> memref<1000000xf32, #tpu.memory_space<vmem_shared>>
      tpu.wait_indirect_dma semaphore(%arg15 : memref<!tpu.dma_semaphore, #tpu.memory_space<semaphore_mem>>) src(%dma_wait3A_697 : memref<1000000xf32, #tpu.memory_space<vmem_shared>>) dst(%arg9 : memref<2048xf32, #tpu.memory_space<vmem>>)
      %add3A_698 = arith.constant 2 : i32
      %add3A_699 = arith.addi %add3A_689, %add3A_698 : i32
      %lt3A_700 = arith.constant 50 : i32
      %lt3A_701 = arith.cmpi slt, %add3A_699, %lt3A_700 : i32
      %convert_element_type3A_702 = arith.extui %lt3A_701 : i1 to i32
      %cond3A_703 = arith.constant 0 : i32
      %cond3A_704 = arith.cmpi ne, %convert_element_type3A_702, %cond3A_703 : i32
      scf.if %cond3A_704 {
        %add3A_1749 = arith.constant 2 : i32
        %add3A_1750 = arith.addi %add3A_689, %add3A_1749 : i32
        %mul3A_1751 = arith.constant 4 : i32
        %mul3A_1752 = arith.muli %add3A_1750, %mul3A_1751 : i32
        %add3A_1753 = arith.constant 0 : i32
        %add3A_1754 = arith.addi %mul3A_1752, %add3A_1753 : i32
        %mul3A_1755 = arith.constant 16384 : i32
        %mul3A_1756 = arith.muli %add3A_1754, %mul3A_1755 : i32
        %add3A_1757 = arith.addi %mul3A_1756, %mul3A_2 : i32
        %dma_start3A_1758 = arith.constant 0 : i32
        %dma_start3A_1759 = tpu.memref_slice %arg7[%dma_start3A_1758] : memref<2048xi32, #tpu.memory_space<vmem>> -> memref<512xi32, #tpu.memory_space<vmem>>
        %dma_start3A_1760 = tpu.memref_slice %arg2[%add3A_1757] : memref<3276800xi32, #tpu.memory_space<hbm>> -> memref<512xi32, #tpu.memory_space<hbm>>
        %dma_start3A_1761 = arith.constant 0 : i32
        %dma_start3A_1762 = tpu.memref_slice %arg7[%dma_start3A_1761] : memref<2048xi32, #tpu.memory_space<vmem>> -> memref<512xi32, #tpu.memory_space<vmem>>
        %dma_start3A_1763 = tpu.memref_slice %arg2[%add3A_1757] : memref<3276800xi32, #tpu.memory_space<hbm>> -> memref<512xi32, #tpu.memory_space<hbm>>
        tpu.enqueue_dma source(%dma_start3A_1763 : memref<512xi32, #tpu.memory_space<hbm>>) target(%dma_start3A_1762 : memref<512xi32, #tpu.memory_space<vmem>>) target_semaphore(%arg13 : memref<!tpu.dma_semaphore, #tpu.memory_space<semaphore_mem>>)
        %mul3A_1764 = arith.constant 4 : i32
        %mul3A_1765 = arith.muli %add3A_1750, %mul3A_1764 : i32
        %add3A_1766 = arith.constant 1 : i32
        %add3A_1767 = arith.addi %mul3A_1765, %add3A_1766 : i32
        %mul3A_1768 = arith.constant 16384 : i32
        %mul3A_1769 = arith.muli %add3A_1767, %mul3A_1768 : i32
        %add3A_1770 = arith.addi %mul3A_1769, %mul3A_2 : i32
        %dma_start3A_1771 = arith.constant 512 : i32
        %dma_start3A_1772 = tpu.memref_slice %arg7[%dma_start3A_1771] : memref<2048xi32, #tpu.memory_space<vmem>> -> memref<512xi32, #tpu.memory_space<vmem>>
        %dma_start3A_1773 = tpu.memref_slice %arg2[%add3A_1770] : memref<3276800xi32, #tpu.memory_space<hbm>> -> memref<512xi32, #tpu.memory_space<hbm>>
        %dma_start3A_1774 = arith.constant 512 : i32
        %dma_start3A_1775 = tpu.memref_slice %arg7[%dma_start3A_1774] : memref<2048xi32, #tpu.memory_space<vmem>> -> memref<512xi32, #tpu.memory_space<vmem>>
        %dma_start3A_1776 = tpu.memref_slice %arg2[%add3A_1770] : memref<3276800xi32, #tpu.memory_space<hbm>> -> memref<512xi32, #tpu.memory_space<hbm>>
        tpu.enqueue_dma source(%dma_start3A_1776 : memref<512xi32, #tpu.memory_space<hbm>>) target(%dma_start3A_1775 : memref<512xi32, #tpu.memory_space<vmem>>) target_semaphore(%arg13 : memref<!tpu.dma_semaphore, #tpu.memory_space<semaphore_mem>>)
        %mul3A_1777 = arith.constant 4 : i32
        %mul3A_1778 = arith.muli %add3A_1750, %mul3A_1777 : i32
        %add3A_1779 = arith.constant 2 : i32
        %add3A_1780 = arith.addi %mul3A_1778, %add3A_1779 : i32
        %mul3A_1781 = arith.constant 16384 : i32
        %mul3A_1782 = arith.muli %add3A_1780, %mul3A_1781 : i32
        %add3A_1783 = arith.addi %mul3A_1782, %mul3A_2 : i32
        %dma_start3A_1784 = arith.constant 1024 : i32
        %dma_start3A_1785 = tpu.memref_slice %arg7[%dma_start3A_1784] : memref<2048xi32, #tpu.memory_space<vmem>> -> memref<512xi32, #tpu.memory_space<vmem>>
        %dma_start3A_1786 = tpu.memref_slice %arg2[%add3A_1783] : memref<3276800xi32, #tpu.memory_space<hbm>> -> memref<512xi32, #tpu.memory_space<hbm>>
        %dma_start3A_1787 = arith.constant 1024 : i32
        %dma_start3A_1788 = tpu.memref_slice %arg7[%dma_start3A_1787] : memref<2048xi32, #tpu.memory_space<vmem>> -> memref<512xi32, #tpu.memory_space<vmem>>
        %dma_start3A_1789 = tpu.memref_slice %arg2[%add3A_1783] : memref<3276800xi32, #tpu.memory_space<hbm>> -> memref<512xi32, #tpu.memory_space<hbm>>
        tpu.enqueue_dma source(%dma_start3A_1789 : memref<512xi32, #tpu.memory_space<hbm>>) target(%dma_start3A_1788 : memref<512xi32, #tpu.memory_space<vmem>>) target_semaphore(%arg13 : memref<!tpu.dma_semaphore, #tpu.memory_space<semaphore_mem>>)
        %mul3A_1790 = arith.constant 4 : i32
        %mul3A_1791 = arith.muli %add3A_1750, %mul3A_1790 : i32
        %add3A_1792 = arith.constant 3 : i32
        %add3A_1793 = arith.addi %mul3A_1791, %add3A_1792 : i32
        %mul3A_1794 = arith.constant 16384 : i32
        %mul3A_1795 = arith.muli %add3A_1793, %mul3A_1794 : i32
        %add3A_1796 = arith.addi %mul3A_1795, %mul3A_2 : i32
        %dma_start3A_1797 = arith.constant 1536 : i32
        %dma_start3A_1798 = tpu.memref_slice %arg7[%dma_start3A_1797] : memref<2048xi32, #tpu.memory_space<vmem>> -> memref<512xi32, #tpu.memory_space<vmem>>
        %dma_start3A_1799 = tpu.memref_slice %arg2[%add3A_1796] : memref<3276800xi32, #tpu.memory_space<hbm>> -> memref<512xi32, #tpu.memory_space<hbm>>
        %dma_start3A_1800 = arith.constant 1536 : i32
        %dma_start3A_1801 = tpu.memref_slice %arg7[%dma_start3A_1800] : memref<2048xi32, #tpu.memory_space<vmem>> -> memref<512xi32, #tpu.memory_space<vmem>>
        %dma_start3A_1802 = tpu.memref_slice %arg2[%add3A_1796] : memref<3276800xi32, #tpu.memory_space<hbm>> -> memref<512xi32, #tpu.memory_space<hbm>>
        tpu.enqueue_dma source(%dma_start3A_1802 : memref<512xi32, #tpu.memory_space<hbm>>) target(%dma_start3A_1801 : memref<512xi32, #tpu.memory_space<vmem>>) target_semaphore(%arg13 : memref<!tpu.dma_semaphore, #tpu.memory_space<semaphore_mem>>)
      } else {
      }
      %get3A_705 = arith.constant 0 : index
      %get3A_706 = tpu.vector_load %arg9[%get3A_705] {strides = array<i32>} : memref<2048xf32, #tpu.memory_space<vmem>>, vector<16xf32>,
      %get3A_707 = vector.shape_cast %get3A_706 : vector<16xf32> to vector<16xf32>
      %add3A_708 = arith.addf %scan3A_654, %get3A_707 : vector<16xf32>
      %get3A_709 = arith.constant 16 : index
      %get3A_710 = tpu.vector_load %arg9[%get3A_709] {strides = array<i32>} : memref<2048xf32, #tpu.memory_space<vmem>>, vector<16xf32>,
      %get3A_711 = vector.shape_cast %get3A_710 : vector<16xf32> to vector<16xf32>
      %add3A_712 = arith.addf %scan3A_655, %get3A_711 : vector<16xf32>
      %get3A_713 = arith.constant 32 : index
      %get3A_714 = tpu.vector_load %arg9[%get3A_713] {strides = array<i32>} : memref<2048xf32, #tpu.memory_space<vmem>>, vector<16xf32>,
      %get3A_715 = vector.shape_cast %get3A_714 : vector<16xf32> to vector<16xf32>
      %add3A_716 = arith.addf %scan3A_656, %get3A_715 : vector<16xf32>
      %get3A_717 = arith.constant 48 : index
      %get3A_718 = tpu.vector_load %arg9[%get3A_717] {strides = array<i32>} : memref<2048xf32, #tpu.memory_space<vmem>>, vector<16xf32>,
      %get3A_719 = vector.shape_cast %get3A_718 : vector<16xf32> to vector<16xf32>
      %add3A_720 = arith.addf %scan3A_657, %get3A_719 : vector<16xf32>
      %get3A_721 = arith.constant 64 : index
      %get3A_722 = tpu.vector_load %arg9[%get3A_721] {strides = array<i32>} : memref<2048xf32, #tpu.memory_space<vmem>>, vector<16xf32>,
      %get3A_723 = vector.shape_cast %get3A_722 : vector<16xf32> to vector<16xf32>
      %add3A_724 = arith.addf %scan3A_658, %get3A_723 : vector<16xf32>
      %get3A_725 = arith.constant 80 : index
      %get3A_726 = tpu.vector_load %arg9[%get3A_725] {strides = array<i32>} : memref<2048xf32, #tpu.memory_space<vmem>>, vector<16xf32>,
      %get3A_727 = vector.shape_cast %get3A_726 : vector<16xf32> to vector<16xf32>
      %add3A_728 = arith.addf %scan3A_659, %get3A_727 : vector<16xf32>
      %get3A_729 = arith.constant 96 : index
      %get3A_730 = tpu.vector_load %arg9[%get3A_729] {strides = array<i32>} : memref<2048xf32, #tpu.memory_space<vmem>>, vector<16xf32>,
      %get3A_731 = vector.shape_cast %get3A_730 : vector<16xf32> to vector<16xf32>
      %add3A_732 = arith.addf %scan3A_660, %get3A_731 : vector<16xf32>
      %get3A_733 = arith.constant 112 : index
      %get3A_734 = tpu.vector_load %arg9[%get3A_733] {strides = array<i32>} : memref<2048xf32, #tpu.memory_space<vmem>>, vector<16xf32>,
      %get3A_735 = vector.shape_cast %get3A_734 : vector<16xf32> to vector<16xf32>
      %add3A_736 = arith.addf %scan3A_661, %get3A_735 : vector<16xf32>
      %get3A_737 = arith.constant 128 : index
      %get3A_738 = tpu.vector_load %arg9[%get3A_737] {strides = array<i32>} : memref<2048xf32, #tpu.memory_space<vmem>>, vector<16xf32>,
      %get3A_739 = vector.shape_cast %get3A_738 : vector<16xf32> to vector<16xf32>
      %add3A_740 = arith.addf %scan3A_662, %get3A_739 : vector<16xf32>
      %get3A_741 = arith.constant 144 : index
      %get3A_742 = tpu.vector_load %arg9[%get3A_741] {strides = array<i32>} : memref<2048xf32, #tpu.memory_space<vmem>>, vector<16xf32>,
      %get3A_743 = vector.shape_cast %get3A_742 : vector<16xf32> to vector<16xf32>
      %add3A_744 = arith.addf %scan3A_663, %get3A_743 : vector<16xf32>
      %get3A_745 = arith.constant 160 : index
      %get3A_746 = tpu.vector_load %arg9[%get3A_745] {strides = array<i32>} : memref<2048xf32, #tpu.memory_space<vmem>>, vector<16xf32>,
      %get3A_747 = vector.shape_cast %get3A_746 : vector<16xf32> to vector<16xf32>
      %add3A_748 = arith.addf %scan3A_664, %get3A_747 : vector<16xf32>
      %get3A_749 = arith.constant 176 : index
      %get3A_750 = tpu.vector_load %arg9[%get3A_749] {strides = array<i32>} : memref<2048xf32, #tpu.memory_space<vmem>>, vector<16xf32>,
      %get3A_751 = vector.shape_cast %get3A_750 : vector<16xf32> to vector<16xf32>
      %add3A_752 = arith.addf %scan3A_665, %get3A_751 : vector<16xf32>
      %get3A_753 = arith.constant 192 : index
      %get3A_754 = tpu.vector_load %arg9[%get3A_753] {strides = array<i32>} : memref<2048xf32, #tpu.memory_space<vmem>>, vector<16xf32>,
      %get3A_755 = vector.shape_cast %get3A_754 : vector<16xf32> to vector<16xf32>
      %add3A_756 = arith.addf %scan3A_666, %get3A_755 : vector<16xf32>
      %get3A_757 = arith.constant 208 : index
      %get3A_758 = tpu.vector_load %arg9[%get3A_757] {strides = array<i32>} : memref<2048xf32, #tpu.memory_space<vmem>>, vector<16xf32>,
      %get3A_759 = vector.shape_cast %get3A_758 : vector<16xf32> to vector<16xf32>
      %add3A_760 = arith.addf %scan3A_667, %get3A_759 : vector<16xf32>
      %get3A_761 = arith.constant 224 : index
      %get3A_762 = tpu.vector_load %arg9[%get3A_761] {strides = array<i32>} : memref<2048xf32, #tpu.memory_space<vmem>>, vector<16xf32>,
      %get3A_763 = vector.shape_cast %get3A_762 : vector<16xf32> to vector<16xf32>
      %add3A_764 = arith.addf %scan3A_668, %get3A_763 : vector<16xf32>
      %get3A_765 = arith.constant 240 : index
      %get3A_766 = tpu.vector_load %arg9[%get3A_765] {strides = array<i32>} : memref<2048xf32, #tpu.memory_space<vmem>>, vector<16xf32>,
      %get3A_767 = vector.shape_cast %get3A_766 : vector<16xf32> to vector<16xf32>
      %add3A_768 = arith.addf %scan3A_669, %get3A_767 : vector<16xf32>
      %get3A_769 = arith.constant 256 : index
      %get3A_770 = tpu.vector_load %arg9[%get3A_769] {strides = array<i32>} : memref<2048xf32, #tpu.memory_space<vmem>>, vector<16xf32>,
      %get3A_771 = vector.shape_cast %get3A_770 : vector<16xf32> to vector<16xf32>
      %add3A_772 = arith.addf %scan3A_670, %get3A_771 : vector<16xf32>
      %get3A_773 = arith.constant 272 : index
      %get3A_774 = tpu.vector_load %arg9[%get3A_773] {strides = array<i32>} : memref<2048xf32, #tpu.memory_space<vmem>>, vector<16xf32>,
      %get3A_775 = vector.shape_cast %get3A_774 : vector<16xf32> to vector<16xf32>
      %add3A_776 = arith.addf %scan3A_671, %get3A_775 : vector<16xf32>
      %get3A_777 = arith.constant 288 : index
      %get3A_778 = tpu.vector_load %arg9[%get3A_777] {strides = array<i32>} : memref<2048xf32, #tpu.memory_space<vmem>>, vector<16xf32>,
      %get3A_779 = vector.shape_cast %get3A_778 : vector<16xf32> to vector<16xf32>
      %add3A_780 = arith.addf %scan3A_672, %get3A_779 : vector<16xf32>
      %get3A_781 = arith.constant 304 : index
      %get3A_782 = tpu.vector_load %arg9[%get3A_781] {strides = array<i32>} : memref<2048xf32, #tpu.memory_space<vmem>>, vector<16xf32>,
      %get3A_783 = vector.shape_cast %get3A_782 : vector<16xf32> to vector<16xf32>
      %add3A_784 = arith.addf %scan3A_673, %get3A_783 : vector<16xf32>
      %get3A_785 = arith.constant 320 : index
      %get3A_786 = tpu.vector_load %arg9[%get3A_785] {strides = array<i32>} : memref<2048xf32, #tpu.memory_space<vmem>>, vector<16xf32>,
      %get3A_787 = vector.shape_cast %get3A_786 : vector<16xf32> to vector<16xf32>
      %add3A_788 = arith.addf %scan3A_674, %get3A_787 : vector<16xf32>
      %get3A_789 = arith.constant 336 : index
      %get3A_790 = tpu.vector_load %arg9[%get3A_789] {strides = array<i32>} : memref<2048xf32, #tpu.memory_space<vmem>>, vector<16xf32>,
      %get3A_791 = vector.shape_cast %get3A_790 : vector<16xf32> to vector<16xf32>
      %add3A_792 = arith.addf %scan3A_675, %get3A_791 : vector<16xf32>
      %get3A_793 = arith.constant 352 : index
      %get3A_794 = tpu.vector_load %arg9[%get3A_793] {strides = array<i32>} : memref<2048xf32, #tpu.memory_space<vmem>>, vector<16xf32>,
      %get3A_795 = vector.shape_cast %get3A_794 : vector<16xf32> to vector<16xf32>
      %add3A_796 = arith.addf %scan3A_676, %get3A_795 : vector<16xf32>
      %get3A_797 = arith.constant 368 : index
      %get3A_798 = tpu.vector_load %arg9[%get3A_797] {strides = array<i32>} : memref<2048xf32, #tpu.memory_space<vmem>>, vector<16xf32>,
      %get3A_799 = vector.shape_cast %get3A_798 : vector<16xf32> to vector<16xf32>
      %add3A_800 = arith.addf %scan3A_677, %get3A_799 : vector<16xf32>
      %get3A_801 = arith.constant 384 : index
      %get3A_802 = tpu.vector_load %arg9[%get3A_801] {strides = array<i32>} : memref<2048xf32, #tpu.memory_space<vmem>>, vector<16xf32>,
      %get3A_803 = vector.shape_cast %get3A_802 : vector<16xf32> to vector<16xf32>
      %add3A_804 = arith.addf %scan3A_678, %get3A_803 : vector<16xf32>
      %get3A_805 = arith.constant 400 : index
      %get3A_806 = tpu.vector_load %arg9[%get3A_805] {strides = array<i32>} : memref<2048xf32, #tpu.memory_space<vmem>>, vector<16xf32>,
      %get3A_807 = vector.shape_cast %get3A_806 : vector<16xf32> to vector<16xf32>
      %add3A_808 = arith.addf %scan3A_679, %get3A_807 : vector<16xf32>
      %get3A_809 = arith.constant 416 : index
      %get3A_810 = tpu.vector_load %arg9[%get3A_809] {strides = array<i32>} : memref<2048xf32, #tpu.memory_space<vmem>>, vector<16xf32>,
      %get3A_811 = vector.shape_cast %get3A_810 : vector<16xf32> to vector<16xf32>
      %add3A_812 = arith.addf %scan3A_680, %get3A_811 : vector<16xf32>
      %get3A_813 = arith.constant 432 : index
      %get3A_814 = tpu.vector_load %arg9[%get3A_813] {strides = array<i32>} : memref<2048xf32, #tpu.memory_space<vmem>>, vector<16xf32>,
      %get3A_815 = vector.shape_cast %get3A_814 : vector<16xf32> to vector<16xf32>
      %add3A_816 = arith.addf %scan3A_681, %get3A_815 : vector<16xf32>
      %get3A_817 = arith.constant 448 : index
      %get3A_818 = tpu.vector_load %arg9[%get3A_817] {strides = array<i32>} : memref<2048xf32, #tpu.memory_space<vmem>>, vector<16xf32>,
      %get3A_819 = vector.shape_cast %get3A_818 : vector<16xf32> to vector<16xf32>
      %add3A_820 = arith.addf %scan3A_682, %get3A_819 : vector<16xf32>
      %get3A_821 = arith.constant 464 : index
      %get3A_822 = tpu.vector_load %arg9[%get3A_821] {strides = array<i32>} : memref<2048xf32, #tpu.memory_space<vmem>>, vector<16xf32>,
      %get3A_823 = vector.shape_cast %get3A_822 : vector<16xf32> to vector<16xf32>
      %add3A_824 = arith.addf %scan3A_683, %get3A_823 : vector<16xf32>
      %get3A_825 = arith.constant 480 : index
      %get3A_826 = tpu.vector_load %arg9[%get3A_825] {strides = array<i32>} : memref<2048xf32, #tpu.memory_space<vmem>>, vector<16xf32>,
      %get3A_827 = vector.shape_cast %get3A_826 : vector<16xf32> to vector<16xf32>
      %add3A_828 = arith.addf %scan3A_684, %get3A_827 : vector<16xf32>
      %get3A_829 = arith.constant 496 : index
      %get3A_830 = tpu.vector_load %arg9[%get3A_829] {strides = array<i32>} : memref<2048xf32, #tpu.memory_space<vmem>>, vector<16xf32>,
      %get3A_831 = vector.shape_cast %get3A_830 : vector<16xf32> to vector<16xf32>
      %add3A_832 = arith.addf %scan3A_685, %get3A_831 : vector<16xf32>
      %get3A_833 = arith.constant 512 : index
      %get3A_834 = tpu.vector_load %arg9[%get3A_833] {strides = array<i32>} : memref<2048xf32, #tpu.memory_space<vmem>>, vector<16xf32>,
      %get3A_835 = vector.shape_cast %get3A_834 : vector<16xf32> to vector<16xf32>
      %add3A_836 = arith.addf %add3A_708, %get3A_835 : vector<16xf32>
      %get3A_837 = arith.constant 528 : index
      %get3A_838 = tpu.vector_load %arg9[%get3A_837] {strides = array<i32>} : memref<2048xf32, #tpu.memory_space<vmem>>, vector<16xf32>,
      %get3A_839 = vector.shape_cast %get3A_838 : vector<16xf32> to vector<16xf32>
      %add3A_840 = arith.addf %add3A_712, %get3A_839 : vector<16xf32>
      %get3A_841 = arith.constant 544 : index
      %get3A_842 = tpu.vector_load %arg9[%get3A_841] {strides = array<i32>} : memref<2048xf32, #tpu.memory_space<vmem>>, vector<16xf32>,
      %get3A_843 = vector.shape_cast %get3A_842 : vector<16xf32> to vector<16xf32>
      %add3A_844 = arith.addf %add3A_716, %get3A_843 : vector<16xf32>
      %get3A_845 = arith.constant 560 : index
      %get3A_846 = tpu.vector_load %arg9[%get3A_845] {strides = array<i32>} : memref<2048xf32, #tpu.memory_space<vmem>>, vector<16xf32>,
      %get3A_847 = vector.shape_cast %get3A_846 : vector<16xf32> to vector<16xf32>
      %add3A_848 = arith.addf %add3A_720, %get3A_847 : vector<16xf32>
      %get3A_849 = arith.constant 576 : index
      %get3A_850 = tpu.vector_load %arg9[%get3A_849] {strides = array<i32>} : memref<2048xf32, #tpu.memory_space<vmem>>, vector<16xf32>,
      %get3A_851 = vector.shape_cast %get3A_850 : vector<16xf32> to vector<16xf32>
      %add3A_852 = arith.addf %add3A_724, %get3A_851 : vector<16xf32>
      %get3A_853 = arith.constant 592 : index
      %get3A_854 = tpu.vector_load %arg9[%get3A_853] {strides = array<i32>} : memref<2048xf32, #tpu.memory_space<vmem>>, vector<16xf32>,
      %get3A_855 = vector.shape_cast %get3A_854 : vector<16xf32> to vector<16xf32>
      %add3A_856 = arith.addf %add3A_728, %get3A_855 : vector<16xf32>
      %get3A_857 = arith.constant 608 : index
      %get3A_858 = tpu.vector_load %arg9[%get3A_857] {strides = array<i32>} : memref<2048xf32, #tpu.memory_space<vmem>>, vector<16xf32>,
      %get3A_859 = vector.shape_cast %get3A_858 : vector<16xf32> to vector<16xf32>
      %add3A_860 = arith.addf %add3A_732, %get3A_859 : vector<16xf32>
      %get3A_861 = arith.constant 624 : index
      %get3A_862 = tpu.vector_load %arg9[%get3A_861] {strides = array<i32>} : memref<2048xf32, #tpu.memory_space<vmem>>, vector<16xf32>,
      %get3A_863 = vector.shape_cast %get3A_862 : vector<16xf32> to vector<16xf32>
      %add3A_864 = arith.addf %add3A_736, %get3A_863 : vector<16xf32>
      %get3A_865 = arith.constant 640 : index
      %get3A_866 = tpu.vector_load %arg9[%get3A_865] {strides = array<i32>} : memref<2048xf32, #tpu.memory_space<vmem>>, vector<16xf32>,
      %get3A_867 = vector.shape_cast %get3A_866 : vector<16xf32> to vector<16xf32>
      %add3A_868 = arith.addf %add3A_740, %get3A_867 : vector<16xf32>
      %get3A_869 = arith.constant 656 : index
      %get3A_870 = tpu.vector_load %arg9[%get3A_869] {strides = array<i32>} : memref<2048xf32, #tpu.memory_space<vmem>>, vector<16xf32>,
      %get3A_871 = vector.shape_cast %get3A_870 : vector<16xf32> to vector<16xf32>
      %add3A_872 = arith.addf %add3A_744, %get3A_871 : vector<16xf32>
      %get3A_873 = arith.constant 672 : index
      %get3A_874 = tpu.vector_load %arg9[%get3A_873] {strides = array<i32>} : memref<2048xf32, #tpu.memory_space<vmem>>, vector<16xf32>,
      %get3A_875 = vector.shape_cast %get3A_874 : vector<16xf32> to vector<16xf32>
      %add3A_876 = arith.addf %add3A_748, %get3A_875 : vector<16xf32>
      %get3A_877 = arith.constant 688 : index
      %get3A_878 = tpu.vector_load %arg9[%get3A_877] {strides = array<i32>} : memref<2048xf32, #tpu.memory_space<vmem>>, vector<16xf32>,
      %get3A_879 = vector.shape_cast %get3A_878 : vector<16xf32> to vector<16xf32>
      %add3A_880 = arith.addf %add3A_752, %get3A_879 : vector<16xf32>
      %get3A_881 = arith.constant 704 : index
      %get3A_882 = tpu.vector_load %arg9[%get3A_881] {strides = array<i32>} : memref<2048xf32, #tpu.memory_space<vmem>>, vector<16xf32>,
      %get3A_883 = vector.shape_cast %get3A_882 : vector<16xf32> to vector<16xf32>
      %add3A_884 = arith.addf %add3A_756, %get3A_883 : vector<16xf32>
      %get3A_885 = arith.constant 720 : index
      %get3A_886 = tpu.vector_load %arg9[%get3A_885] {strides = array<i32>} : memref<2048xf32, #tpu.memory_space<vmem>>, vector<16xf32>,
      %get3A_887 = vector.shape_cast %get3A_886 : vector<16xf32> to vector<16xf32>
      %add3A_888 = arith.addf %add3A_760, %get3A_887 : vector<16xf32>
      %get3A_889 = arith.constant 736 : index
      %get3A_890 = tpu.vector_load %arg9[%get3A_889] {strides = array<i32>} : memref<2048xf32, #tpu.memory_space<vmem>>, vector<16xf32>,
      %get3A_891 = vector.shape_cast %get3A_890 : vector<16xf32> to vector<16xf32>
      %add3A_892 = arith.addf %add3A_764, %get3A_891 : vector<16xf32>
      %get3A_893 = arith.constant 752 : index
      %get3A_894 = tpu.vector_load %arg9[%get3A_893] {strides = array<i32>} : memref<2048xf32, #tpu.memory_space<vmem>>, vector<16xf32>,
      %get3A_895 = vector.shape_cast %get3A_894 : vector<16xf32> to vector<16xf32>
      %add3A_896 = arith.addf %add3A_768, %get3A_895 : vector<16xf32>
      %get3A_897 = arith.constant 768 : index
      %get3A_898 = tpu.vector_load %arg9[%get3A_897] {strides = array<i32>} : memref<2048xf32, #tpu.memory_space<vmem>>, vector<16xf32>,
      %get3A_899 = vector.shape_cast %get3A_898 : vector<16xf32> to vector<16xf32>
      %add3A_900 = arith.addf %add3A_772, %get3A_899 : vector<16xf32>
      %get3A_901 = arith.constant 784 : index
      %get3A_902 = tpu.vector_load %arg9[%get3A_901] {strides = array<i32>} : memref<2048xf32, #tpu.memory_space<vmem>>, vector<16xf32>,
      %get3A_903 = vector.shape_cast %get3A_902 : vector<16xf32> to vector<16xf32>
      %add3A_904 = arith.addf %add3A_776, %get3A_903 : vector<16xf32>
      %get3A_905 = arith.constant 800 : index
      %get3A_906 = tpu.vector_load %arg9[%get3A_905] {strides = array<i32>} : memref<2048xf32, #tpu.memory_space<vmem>>, vector<16xf32>,
      %get3A_907 = vector.shape_cast %get3A_906 : vector<16xf32> to vector<16xf32>
      %add3A_908 = arith.addf %add3A_780, %get3A_907 : vector<16xf32>
      %get3A_909 = arith.constant 816 : index
      %get3A_910 = tpu.vector_load %arg9[%get3A_909] {strides = array<i32>} : memref<2048xf32, #tpu.memory_space<vmem>>, vector<16xf32>,
      %get3A_911 = vector.shape_cast %get3A_910 : vector<16xf32> to vector<16xf32>
      %add3A_912 = arith.addf %add3A_784, %get3A_911 : vector<16xf32>
      %get3A_913 = arith.constant 832 : index
      %get3A_914 = tpu.vector_load %arg9[%get3A_913] {strides = array<i32>} : memref<2048xf32, #tpu.memory_space<vmem>>, vector<16xf32>,
      %get3A_915 = vector.shape_cast %get3A_914 : vector<16xf32> to vector<16xf32>
      %add3A_916 = arith.addf %add3A_788, %get3A_915 : vector<16xf32>
      %get3A_917 = arith.constant 848 : index
      %get3A_918 = tpu.vector_load %arg9[%get3A_917] {strides = array<i32>} : memref<2048xf32, #tpu.memory_space<vmem>>, vector<16xf32>,
      %get3A_919 = vector.shape_cast %get3A_918 : vector<16xf32> to vector<16xf32>
      %add3A_920 = arith.addf %add3A_792, %get3A_919 : vector<16xf32>
      %get3A_921 = arith.constant 864 : index
      %get3A_922 = tpu.vector_load %arg9[%get3A_921] {strides = array<i32>} : memref<2048xf32, #tpu.memory_space<vmem>>, vector<16xf32>,
      %get3A_923 = vector.shape_cast %get3A_922 : vector<16xf32> to vector<16xf32>
      %add3A_924 = arith.addf %add3A_796, %get3A_923 : vector<16xf32>
      %get3A_925 = arith.constant 880 : index
      %get3A_926 = tpu.vector_load %arg9[%get3A_925] {strides = array<i32>} : memref<2048xf32, #tpu.memory_space<vmem>>, vector<16xf32>,
      %get3A_927 = vector.shape_cast %get3A_926 : vector<16xf32> to vector<16xf32>
      %add3A_928 = arith.addf %add3A_800, %get3A_927 : vector<16xf32>
      %get3A_929 = arith.constant 896 : index
      %get3A_930 = tpu.vector_load %arg9[%get3A_929] {strides = array<i32>} : memref<2048xf32, #tpu.memory_space<vmem>>, vector<16xf32>,
      %get3A_931 = vector.shape_cast %get3A_930 : vector<16xf32> to vector<16xf32>
      %add3A_932 = arith.addf %add3A_804, %get3A_931 : vector<16xf32>
      %get3A_933 = arith.constant 912 : index
      %get3A_934 = tpu.vector_load %arg9[%get3A_933] {strides = array<i32>} : memref<2048xf32, #tpu.memory_space<vmem>>, vector<16xf32>,
      %get3A_935 = vector.shape_cast %get3A_934 : vector<16xf32> to vector<16xf32>
      %add3A_936 = arith.addf %add3A_808, %get3A_935 : vector<16xf32>
      %get3A_937 = arith.constant 928 : index
      %get3A_938 = tpu.vector_load %arg9[%get3A_937] {strides = array<i32>} : memref<2048xf32, #tpu.memory_space<vmem>>, vector<16xf32>,
      %get3A_939 = vector.shape_cast %get3A_938 : vector<16xf32> to vector<16xf32>
      %add3A_940 = arith.addf %add3A_812, %get3A_939 : vector<16xf32>
      %get3A_941 = arith.constant 944 : index
      %get3A_942 = tpu.vector_load %arg9[%get3A_941] {strides = array<i32>} : memref<2048xf32, #tpu.memory_space<vmem>>, vector<16xf32>,
      %get3A_943 = vector.shape_cast %get3A_942 : vector<16xf32> to vector<16xf32>
      %add3A_944 = arith.addf %add3A_816, %get3A_943 : vector<16xf32>
      %get3A_945 = arith.constant 960 : index
      %get3A_946 = tpu.vector_load %arg9[%get3A_945] {strides = array<i32>} : memref<2048xf32, #tpu.memory_space<vmem>>, vector<16xf32>,
      %get3A_947 = vector.shape_cast %get3A_946 : vector<16xf32> to vector<16xf32>
      %add3A_948 = arith.addf %add3A_820, %get3A_947 : vector<16xf32>
      %get3A_949 = arith.constant 976 : index
      %get3A_950 = tpu.vector_load %arg9[%get3A_949] {strides = array<i32>} : memref<2048xf32, #tpu.memory_space<vmem>>, vector<16xf32>,
      %get3A_951 = vector.shape_cast %get3A_950 : vector<16xf32> to vector<16xf32>
      %add3A_952 = arith.addf %add3A_824, %get3A_951 : vector<16xf32>
      %get3A_953 = arith.constant 992 : index
      %get3A_954 = tpu.vector_load %arg9[%get3A_953] {strides = array<i32>} : memref<2048xf32, #tpu.memory_space<vmem>>, vector<16xf32>,
      %get3A_955 = vector.shape_cast %get3A_954 : vector<16xf32> to vector<16xf32>
      %add3A_956 = arith.addf %add3A_828, %get3A_955 : vector<16xf32>
      %get3A_957 = arith.constant 1008 : index
      %get3A_958 = tpu.vector_load %arg9[%get3A_957] {strides = array<i32>} : memref<2048xf32, #tpu.memory_space<vmem>>, vector<16xf32>,
      %get3A_959 = vector.shape_cast %get3A_958 : vector<16xf32> to vector<16xf32>
      %add3A_960 = arith.addf %add3A_832, %get3A_959 : vector<16xf32>
      %get3A_961 = arith.constant 1024 : index
      %get3A_962 = tpu.vector_load %arg9[%get3A_961] {strides = array<i32>} : memref<2048xf32, #tpu.memory_space<vmem>>, vector<16xf32>,
      %get3A_963 = vector.shape_cast %get3A_962 : vector<16xf32> to vector<16xf32>
      %add3A_964 = arith.addf %add3A_836, %get3A_963 : vector<16xf32>
      %get3A_965 = arith.constant 1040 : index
      %get3A_966 = tpu.vector_load %arg9[%get3A_965] {strides = array<i32>} : memref<2048xf32, #tpu.memory_space<vmem>>, vector<16xf32>,
      %get3A_967 = vector.shape_cast %get3A_966 : vector<16xf32> to vector<16xf32>
      %add3A_968 = arith.addf %add3A_840, %get3A_967 : vector<16xf32>
      %get3A_969 = arith.constant 1056 : index
      %get3A_970 = tpu.vector_load %arg9[%get3A_969] {strides = array<i32>} : memref<2048xf32, #tpu.memory_space<vmem>>, vector<16xf32>,
      %get3A_971 = vector.shape_cast %get3A_970 : vector<16xf32> to vector<16xf32>
      %add3A_972 = arith.addf %add3A_844, %get3A_971 : vector<16xf32>
      %get3A_973 = arith.constant 1072 : index
      %get3A_974 = tpu.vector_load %arg9[%get3A_973] {strides = array<i32>} : memref<2048xf32, #tpu.memory_space<vmem>>, vector<16xf32>,
      %get3A_975 = vector.shape_cast %get3A_974 : vector<16xf32> to vector<16xf32>
      %add3A_976 = arith.addf %add3A_848, %get3A_975 : vector<16xf32>
      %get3A_977 = arith.constant 1088 : index
      %get3A_978 = tpu.vector_load %arg9[%get3A_977] {strides = array<i32>} : memref<2048xf32, #tpu.memory_space<vmem>>, vector<16xf32>,
      %get3A_979 = vector.shape_cast %get3A_978 : vector<16xf32> to vector<16xf32>
      %add3A_980 = arith.addf %add3A_852, %get3A_979 : vector<16xf32>
      %get3A_981 = arith.constant 1104 : index
      %get3A_982 = tpu.vector_load %arg9[%get3A_981] {strides = array<i32>} : memref<2048xf32, #tpu.memory_space<vmem>>, vector<16xf32>,
      %get3A_983 = vector.shape_cast %get3A_982 : vector<16xf32> to vector<16xf32>
      %add3A_984 = arith.addf %add3A_856, %get3A_983 : vector<16xf32>
      %get3A_985 = arith.constant 1120 : index
      %get3A_986 = tpu.vector_load %arg9[%get3A_985] {strides = array<i32>} : memref<2048xf32, #tpu.memory_space<vmem>>, vector<16xf32>,
      %get3A_987 = vector.shape_cast %get3A_986 : vector<16xf32> to vector<16xf32>
      %add3A_988 = arith.addf %add3A_860, %get3A_987 : vector<16xf32>
      %get3A_989 = arith.constant 1136 : index
      %get3A_990 = tpu.vector_load %arg9[%get3A_989] {strides = array<i32>} : memref<2048xf32, #tpu.memory_space<vmem>>, vector<16xf32>,
      %get3A_991 = vector.shape_cast %get3A_990 : vector<16xf32> to vector<16xf32>
      %add3A_992 = arith.addf %add3A_864, %get3A_991 : vector<16xf32>
      %get3A_993 = arith.constant 1152 : index
      %get3A_994 = tpu.vector_load %arg9[%get3A_993] {strides = array<i32>} : memref<2048xf32, #tpu.memory_space<vmem>>, vector<16xf32>,
      %get3A_995 = vector.shape_cast %get3A_994 : vector<16xf32> to vector<16xf32>
      %add3A_996 = arith.addf %add3A_868, %get3A_995 : vector<16xf32>
      %get3A_997 = arith.constant 1168 : index
      %get3A_998 = tpu.vector_load %arg9[%get3A_997] {strides = array<i32>} : memref<2048xf32, #tpu.memory_space<vmem>>, vector<16xf32>,
      %get3A_999 = vector.shape_cast %get3A_998 : vector<16xf32> to vector<16xf32>
      %add3A_1000 = arith.addf %add3A_872, %get3A_999 : vector<16xf32>
      %get3A_1001 = arith.constant 1184 : index
      %get3A_1002 = tpu.vector_load %arg9[%get3A_1001] {strides = array<i32>} : memref<2048xf32, #tpu.memory_space<vmem>>, vector<16xf32>,
      %get3A_1003 = vector.shape_cast %get3A_1002 : vector<16xf32> to vector<16xf32>
      %add3A_1004 = arith.addf %add3A_876, %get3A_1003 : vector<16xf32>
      %get3A_1005 = arith.constant 1200 : index
      %get3A_1006 = tpu.vector_load %arg9[%get3A_1005] {strides = array<i32>} : memref<2048xf32, #tpu.memory_space<vmem>>, vector<16xf32>,
      %get3A_1007 = vector.shape_cast %get3A_1006 : vector<16xf32> to vector<16xf32>
      %add3A_1008 = arith.addf %add3A_880, %get3A_1007 : vector<16xf32>
      %get3A_1009 = arith.constant 1216 : index
      %get3A_1010 = tpu.vector_load %arg9[%get3A_1009] {strides = array<i32>} : memref<2048xf32, #tpu.memory_space<vmem>>, vector<16xf32>,
      %get3A_1011 = vector.shape_cast %get3A_1010 : vector<16xf32> to vector<16xf32>
      %add3A_1012 = arith.addf %add3A_884, %get3A_1011 : vector<16xf32>
      %get3A_1013 = arith.constant 1232 : index
      %get3A_1014 = tpu.vector_load %arg9[%get3A_1013] {strides = array<i32>} : memref<2048xf32, #tpu.memory_space<vmem>>, vector<16xf32>,
      %get3A_1015 = vector.shape_cast %get3A_1014 : vector<16xf32> to vector<16xf32>
      %add3A_1016 = arith.addf %add3A_888, %get3A_1015 : vector<16xf32>
      %get3A_1017 = arith.constant 1248 : index
      %get3A_1018 = tpu.vector_load %arg9[%get3A_1017] {strides = array<i32>} : memref<2048xf32, #tpu.memory_space<vmem>>, vector<16xf32>,
      %get3A_1019 = vector.shape_cast %get3A_1018 : vector<16xf32> to vector<16xf32>
      %add3A_1020 = arith.addf %add3A_892, %get3A_1019 : vector<16xf32>
      %get3A_1021 = arith.constant 1264 : index
      %get3A_1022 = tpu.vector_load %arg9[%get3A_1021] {strides = array<i32>} : memref<2048xf32, #tpu.memory_space<vmem>>, vector<16xf32>,
      %get3A_1023 = vector.shape_cast %get3A_1022 : vector<16xf32> to vector<16xf32>
      %add3A_1024 = arith.addf %add3A_896, %get3A_1023 : vector<16xf32>
      %get3A_1025 = arith.constant 1280 : index
      %get3A_1026 = tpu.vector_load %arg9[%get3A_1025] {strides = array<i32>} : memref<2048xf32, #tpu.memory_space<vmem>>, vector<16xf32>,
      %get3A_1027 = vector.shape_cast %get3A_1026 : vector<16xf32> to vector<16xf32>
      %add3A_1028 = arith.addf %add3A_900, %get3A_1027 : vector<16xf32>
      %get3A_1029 = arith.constant 1296 : index
      %get3A_1030 = tpu.vector_load %arg9[%get3A_1029] {strides = array<i32>} : memref<2048xf32, #tpu.memory_space<vmem>>, vector<16xf32>,
      %get3A_1031 = vector.shape_cast %get3A_1030 : vector<16xf32> to vector<16xf32>
      %add3A_1032 = arith.addf %add3A_904, %get3A_1031 : vector<16xf32>
      %get3A_1033 = arith.constant 1312 : index
      %get3A_1034 = tpu.vector_load %arg9[%get3A_1033] {strides = array<i32>} : memref<2048xf32, #tpu.memory_space<vmem>>, vector<16xf32>,
      %get3A_1035 = vector.shape_cast %get3A_1034 : vector<16xf32> to vector<16xf32>
      %add3A_1036 = arith.addf %add3A_908, %get3A_1035 : vector<16xf32>
      %get3A_1037 = arith.constant 1328 : index
      %get3A_1038 = tpu.vector_load %arg9[%get3A_1037] {strides = array<i32>} : memref<2048xf32, #tpu.memory_space<vmem>>, vector<16xf32>,
      %get3A_1039 = vector.shape_cast %get3A_1038 : vector<16xf32> to vector<16xf32>
      %add3A_1040 = arith.addf %add3A_912, %get3A_1039 : vector<16xf32>
      %get3A_1041 = arith.constant 1344 : index
      %get3A_1042 = tpu.vector_load %arg9[%get3A_1041] {strides = array<i32>} : memref<2048xf32, #tpu.memory_space<vmem>>, vector<16xf32>,
      %get3A_1043 = vector.shape_cast %get3A_1042 : vector<16xf32> to vector<16xf32>
      %add3A_1044 = arith.addf %add3A_916, %get3A_1043 : vector<16xf32>
      %get3A_1045 = arith.constant 1360 : index
      %get3A_1046 = tpu.vector_load %arg9[%get3A_1045] {strides = array<i32>} : memref<2048xf32, #tpu.memory_space<vmem>>, vector<16xf32>,
      %get3A_1047 = vector.shape_cast %get3A_1046 : vector<16xf32> to vector<16xf32>
      %add3A_1048 = arith.addf %add3A_920, %get3A_1047 : vector<16xf32>
      %get3A_1049 = arith.constant 1376 : index
      %get3A_1050 = tpu.vector_load %arg9[%get3A_1049] {strides = array<i32>} : memref<2048xf32, #tpu.memory_space<vmem>>, vector<16xf32>,
      %get3A_1051 = vector.shape_cast %get3A_1050 : vector<16xf32> to vector<16xf32>
      %add3A_1052 = arith.addf %add3A_924, %get3A_1051 : vector<16xf32>
      %get3A_1053 = arith.constant 1392 : index
      %get3A_1054 = tpu.vector_load %arg9[%get3A_1053] {strides = array<i32>} : memref<2048xf32, #tpu.memory_space<vmem>>, vector<16xf32>,
      %get3A_1055 = vector.shape_cast %get3A_1054 : vector<16xf32> to vector<16xf32>
      %add3A_1056 = arith.addf %add3A_928, %get3A_1055 : vector<16xf32>
      %get3A_1057 = arith.constant 1408 : index
      %get3A_1058 = tpu.vector_load %arg9[%get3A_1057] {strides = array<i32>} : memref<2048xf32, #tpu.memory_space<vmem>>, vector<16xf32>,
      %get3A_1059 = vector.shape_cast %get3A_1058 : vector<16xf32> to vector<16xf32>
      %add3A_1060 = arith.addf %add3A_932, %get3A_1059 : vector<16xf32>
      %get3A_1061 = arith.constant 1424 : index
      %get3A_1062 = tpu.vector_load %arg9[%get3A_1061] {strides = array<i32>} : memref<2048xf32, #tpu.memory_space<vmem>>, vector<16xf32>,
      %get3A_1063 = vector.shape_cast %get3A_1062 : vector<16xf32> to vector<16xf32>
      %add3A_1064 = arith.addf %add3A_936, %get3A_1063 : vector<16xf32>
      %get3A_1065 = arith.constant 1440 : index
      %get3A_1066 = tpu.vector_load %arg9[%get3A_1065] {strides = array<i32>} : memref<2048xf32, #tpu.memory_space<vmem>>, vector<16xf32>,
      %get3A_1067 = vector.shape_cast %get3A_1066 : vector<16xf32> to vector<16xf32>
      %add3A_1068 = arith.addf %add3A_940, %get3A_1067 : vector<16xf32>
      %get3A_1069 = arith.constant 1456 : index
      %get3A_1070 = tpu.vector_load %arg9[%get3A_1069] {strides = array<i32>} : memref<2048xf32, #tpu.memory_space<vmem>>, vector<16xf32>,
      %get3A_1071 = vector.shape_cast %get3A_1070 : vector<16xf32> to vector<16xf32>
      %add3A_1072 = arith.addf %add3A_944, %get3A_1071 : vector<16xf32>
      %get3A_1073 = arith.constant 1472 : index
      %get3A_1074 = tpu.vector_load %arg9[%get3A_1073] {strides = array<i32>} : memref<2048xf32, #tpu.memory_space<vmem>>, vector<16xf32>,
      %get3A_1075 = vector.shape_cast %get3A_1074 : vector<16xf32> to vector<16xf32>
      %add3A_1076 = arith.addf %add3A_948, %get3A_1075 : vector<16xf32>
      %get3A_1077 = arith.constant 1488 : index
      %get3A_1078 = tpu.vector_load %arg9[%get3A_1077] {strides = array<i32>} : memref<2048xf32, #tpu.memory_space<vmem>>, vector<16xf32>,
      %get3A_1079 = vector.shape_cast %get3A_1078 : vector<16xf32> to vector<16xf32>
      %add3A_1080 = arith.addf %add3A_952, %get3A_1079 : vector<16xf32>
      %get3A_1081 = arith.constant 1504 : index
      %get3A_1082 = tpu.vector_load %arg9[%get3A_1081] {strides = array<i32>} : memref<2048xf32, #tpu.memory_space<vmem>>, vector<16xf32>,
      %get3A_1083 = vector.shape_cast %get3A_1082 : vector<16xf32> to vector<16xf32>
      %add3A_1084 = arith.addf %add3A_956, %get3A_1083 : vector<16xf32>
      %get3A_1085 = arith.constant 1520 : index
      %get3A_1086 = tpu.vector_load %arg9[%get3A_1085] {strides = array<i32>} : memref<2048xf32, #tpu.memory_space<vmem>>, vector<16xf32>,
      %get3A_1087 = vector.shape_cast %get3A_1086 : vector<16xf32> to vector<16xf32>
      %add3A_1088 = arith.addf %add3A_960, %get3A_1087 : vector<16xf32>
      %get3A_1089 = arith.constant 1536 : index
      %get3A_1090 = tpu.vector_load %arg9[%get3A_1089] {strides = array<i32>} : memref<2048xf32, #tpu.memory_space<vmem>>, vector<16xf32>,
      %get3A_1091 = vector.shape_cast %get3A_1090 : vector<16xf32> to vector<16xf32>
      %add3A_1092 = arith.addf %add3A_964, %get3A_1091 : vector<16xf32>
      %get3A_1093 = arith.constant 1552 : index
      %get3A_1094 = tpu.vector_load %arg9[%get3A_1093] {strides = array<i32>} : memref<2048xf32, #tpu.memory_space<vmem>>, vector<16xf32>,
      %get3A_1095 = vector.shape_cast %get3A_1094 : vector<16xf32> to vector<16xf32>
      %add3A_1096 = arith.addf %add3A_968, %get3A_1095 : vector<16xf32>
      %get3A_1097 = arith.constant 1568 : index
      %get3A_1098 = tpu.vector_load %arg9[%get3A_1097] {strides = array<i32>} : memref<2048xf32, #tpu.memory_space<vmem>>, vector<16xf32>,
      %get3A_1099 = vector.shape_cast %get3A_1098 : vector<16xf32> to vector<16xf32>
      %add3A_1100 = arith.addf %add3A_972, %get3A_1099 : vector<16xf32>
      %get3A_1101 = arith.constant 1584 : index
      %get3A_1102 = tpu.vector_load %arg9[%get3A_1101] {strides = array<i32>} : memref<2048xf32, #tpu.memory_space<vmem>>, vector<16xf32>,
      %get3A_1103 = vector.shape_cast %get3A_1102 : vector<16xf32> to vector<16xf32>
      %add3A_1104 = arith.addf %add3A_976, %get3A_1103 : vector<16xf32>
      %get3A_1105 = arith.constant 1600 : index
      %get3A_1106 = tpu.vector_load %arg9[%get3A_1105] {strides = array<i32>} : memref<2048xf32, #tpu.memory_space<vmem>>, vector<16xf32>,
      %get3A_1107 = vector.shape_cast %get3A_1106 : vector<16xf32> to vector<16xf32>
      %add3A_1108 = arith.addf %add3A_980, %get3A_1107 : vector<16xf32>
      %get3A_1109 = arith.constant 1616 : index
      %get3A_1110 = tpu.vector_load %arg9[%get3A_1109] {strides = array<i32>} : memref<2048xf32, #tpu.memory_space<vmem>>, vector<16xf32>,
      %get3A_1111 = vector.shape_cast %get3A_1110 : vector<16xf32> to vector<16xf32>
      %add3A_1112 = arith.addf %add3A_984, %get3A_1111 : vector<16xf32>
      %get3A_1113 = arith.constant 1632 : index
      %get3A_1114 = tpu.vector_load %arg9[%get3A_1113] {strides = array<i32>} : memref<2048xf32, #tpu.memory_space<vmem>>, vector<16xf32>,
      %get3A_1115 = vector.shape_cast %get3A_1114 : vector<16xf32> to vector<16xf32>
      %add3A_1116 = arith.addf %add3A_988, %get3A_1115 : vector<16xf32>
      %get3A_1117 = arith.constant 1648 : index
      %get3A_1118 = tpu.vector_load %arg9[%get3A_1117] {strides = array<i32>} : memref<2048xf32, #tpu.memory_space<vmem>>, vector<16xf32>,
      %get3A_1119 = vector.shape_cast %get3A_1118 : vector<16xf32> to vector<16xf32>
      %add3A_1120 = arith.addf %add3A_992, %get3A_1119 : vector<16xf32>
      %get3A_1121 = arith.constant 1664 : index
      %get3A_1122 = tpu.vector_load %arg9[%get3A_1121] {strides = array<i32>} : memref<2048xf32, #tpu.memory_space<vmem>>, vector<16xf32>,
      %get3A_1123 = vector.shape_cast %get3A_1122 : vector<16xf32> to vector<16xf32>
      %add3A_1124 = arith.addf %add3A_996, %get3A_1123 : vector<16xf32>
      %get3A_1125 = arith.constant 1680 : index
      %get3A_1126 = tpu.vector_load %arg9[%get3A_1125] {strides = array<i32>} : memref<2048xf32, #tpu.memory_space<vmem>>, vector<16xf32>,
      %get3A_1127 = vector.shape_cast %get3A_1126 : vector<16xf32> to vector<16xf32>
      %add3A_1128 = arith.addf %add3A_1000, %get3A_1127 : vector<16xf32>
      %get3A_1129 = arith.constant 1696 : index
      %get3A_1130 = tpu.vector_load %arg9[%get3A_1129] {strides = array<i32>} : memref<2048xf32, #tpu.memory_space<vmem>>, vector<16xf32>,
      %get3A_1131 = vector.shape_cast %get3A_1130 : vector<16xf32> to vector<16xf32>
      %add3A_1132 = arith.addf %add3A_1004, %get3A_1131 : vector<16xf32>
      %get3A_1133 = arith.constant 1712 : index
      %get3A_1134 = tpu.vector_load %arg9[%get3A_1133] {strides = array<i32>} : memref<2048xf32, #tpu.memory_space<vmem>>, vector<16xf32>,
      %get3A_1135 = vector.shape_cast %get3A_1134 : vector<16xf32> to vector<16xf32>
      %add3A_1136 = arith.addf %add3A_1008, %get3A_1135 : vector<16xf32>
      %get3A_1137 = arith.constant 1728 : index
      %get3A_1138 = tpu.vector_load %arg9[%get3A_1137] {strides = array<i32>} : memref<2048xf32, #tpu.memory_space<vmem>>, vector<16xf32>,
      %get3A_1139 = vector.shape_cast %get3A_1138 : vector<16xf32> to vector<16xf32>
      %add3A_1140 = arith.addf %add3A_1012, %get3A_1139 : vector<16xf32>
      %get3A_1141 = arith.constant 1744 : index
      %get3A_1142 = tpu.vector_load %arg9[%get3A_1141] {strides = array<i32>} : memref<2048xf32, #tpu.memory_space<vmem>>, vector<16xf32>,
      %get3A_1143 = vector.shape_cast %get3A_1142 : vector<16xf32> to vector<16xf32>
      %add3A_1144 = arith.addf %add3A_1016, %get3A_1143 : vector<16xf32>
      %get3A_1145 = arith.constant 1760 : index
      %get3A_1146 = tpu.vector_load %arg9[%get3A_1145] {strides = array<i32>} : memref<2048xf32, #tpu.memory_space<vmem>>, vector<16xf32>,
      %get3A_1147 = vector.shape_cast %get3A_1146 : vector<16xf32> to vector<16xf32>
      %add3A_1148 = arith.addf %add3A_1020, %get3A_1147 : vector<16xf32>
      %get3A_1149 = arith.constant 1776 : index
      %get3A_1150 = tpu.vector_load %arg9[%get3A_1149] {strides = array<i32>} : memref<2048xf32, #tpu.memory_space<vmem>>, vector<16xf32>,
      %get3A_1151 = vector.shape_cast %get3A_1150 : vector<16xf32> to vector<16xf32>
      %add3A_1152 = arith.addf %add3A_1024, %get3A_1151 : vector<16xf32>
      %get3A_1153 = arith.constant 1792 : index
      %get3A_1154 = tpu.vector_load %arg9[%get3A_1153] {strides = array<i32>} : memref<2048xf32, #tpu.memory_space<vmem>>, vector<16xf32>,
      %get3A_1155 = vector.shape_cast %get3A_1154 : vector<16xf32> to vector<16xf32>
      %add3A_1156 = arith.addf %add3A_1028, %get3A_1155 : vector<16xf32>
      %get3A_1157 = arith.constant 1808 : index
      %get3A_1158 = tpu.vector_load %arg9[%get3A_1157] {strides = array<i32>} : memref<2048xf32, #tpu.memory_space<vmem>>, vector<16xf32>,
      %get3A_1159 = vector.shape_cast %get3A_1158 : vector<16xf32> to vector<16xf32>
      %add3A_1160 = arith.addf %add3A_1032, %get3A_1159 : vector<16xf32>
      %get3A_1161 = arith.constant 1824 : index
      %get3A_1162 = tpu.vector_load %arg9[%get3A_1161] {strides = array<i32>} : memref<2048xf32, #tpu.memory_space<vmem>>, vector<16xf32>,
      %get3A_1163 = vector.shape_cast %get3A_1162 : vector<16xf32> to vector<16xf32>
      %add3A_1164 = arith.addf %add3A_1036, %get3A_1163 : vector<16xf32>
      %get3A_1165 = arith.constant 1840 : index
      %get3A_1166 = tpu.vector_load %arg9[%get3A_1165] {strides = array<i32>} : memref<2048xf32, #tpu.memory_space<vmem>>, vector<16xf32>,
      %get3A_1167 = vector.shape_cast %get3A_1166 : vector<16xf32> to vector<16xf32>
      %add3A_1168 = arith.addf %add3A_1040, %get3A_1167 : vector<16xf32>
      %get3A_1169 = arith.constant 1856 : index
      %get3A_1170 = tpu.vector_load %arg9[%get3A_1169] {strides = array<i32>} : memref<2048xf32, #tpu.memory_space<vmem>>, vector<16xf32>,
      %get3A_1171 = vector.shape_cast %get3A_1170 : vector<16xf32> to vector<16xf32>
      %add3A_1172 = arith.addf %add3A_1044, %get3A_1171 : vector<16xf32>
      %get3A_1173 = arith.constant 1872 : index
      %get3A_1174 = tpu.vector_load %arg9[%get3A_1173] {strides = array<i32>} : memref<2048xf32, #tpu.memory_space<vmem>>, vector<16xf32>,
      %get3A_1175 = vector.shape_cast %get3A_1174 : vector<16xf32> to vector<16xf32>
      %add3A_1176 = arith.addf %add3A_1048, %get3A_1175 : vector<16xf32>
      %get3A_1177 = arith.constant 1888 : index
      %get3A_1178 = tpu.vector_load %arg9[%get3A_1177] {strides = array<i32>} : memref<2048xf32, #tpu.memory_space<vmem>>, vector<16xf32>,
      %get3A_1179 = vector.shape_cast %get3A_1178 : vector<16xf32> to vector<16xf32>
      %add3A_1180 = arith.addf %add3A_1052, %get3A_1179 : vector<16xf32>
      %get3A_1181 = arith.constant 1904 : index
      %get3A_1182 = tpu.vector_load %arg9[%get3A_1181] {strides = array<i32>} : memref<2048xf32, #tpu.memory_space<vmem>>, vector<16xf32>,
      %get3A_1183 = vector.shape_cast %get3A_1182 : vector<16xf32> to vector<16xf32>
      %add3A_1184 = arith.addf %add3A_1056, %get3A_1183 : vector<16xf32>
      %get3A_1185 = arith.constant 1920 : index
      %get3A_1186 = tpu.vector_load %arg9[%get3A_1185] {strides = array<i32>} : memref<2048xf32, #tpu.memory_space<vmem>>, vector<16xf32>,
      %get3A_1187 = vector.shape_cast %get3A_1186 : vector<16xf32> to vector<16xf32>
      %add3A_1188 = arith.addf %add3A_1060, %get3A_1187 : vector<16xf32>
      %get3A_1189 = arith.constant 1936 : index
      %get3A_1190 = tpu.vector_load %arg9[%get3A_1189] {strides = array<i32>} : memref<2048xf32, #tpu.memory_space<vmem>>, vector<16xf32>,
      %get3A_1191 = vector.shape_cast %get3A_1190 : vector<16xf32> to vector<16xf32>
      %add3A_1192 = arith.addf %add3A_1064, %get3A_1191 : vector<16xf32>
      %get3A_1193 = arith.constant 1952 : index
      %get3A_1194 = tpu.vector_load %arg9[%get3A_1193] {strides = array<i32>} : memref<2048xf32, #tpu.memory_space<vmem>>, vector<16xf32>,
      %get3A_1195 = vector.shape_cast %get3A_1194 : vector<16xf32> to vector<16xf32>
      %add3A_1196 = arith.addf %add3A_1068, %get3A_1195 : vector<16xf32>
      %get3A_1197 = arith.constant 1968 : index
      %get3A_1198 = tpu.vector_load %arg9[%get3A_1197] {strides = array<i32>} : memref<2048xf32, #tpu.memory_space<vmem>>, vector<16xf32>,
      %get3A_1199 = vector.shape_cast %get3A_1198 : vector<16xf32> to vector<16xf32>
      %add3A_1200 = arith.addf %add3A_1072, %get3A_1199 : vector<16xf32>
      %get3A_1201 = arith.constant 1984 : index
      %get3A_1202 = tpu.vector_load %arg9[%get3A_1201] {strides = array<i32>} : memref<2048xf32, #tpu.memory_space<vmem>>, vector<16xf32>,
      %get3A_1203 = vector.shape_cast %get3A_1202 : vector<16xf32> to vector<16xf32>
      %add3A_1204 = arith.addf %add3A_1076, %get3A_1203 : vector<16xf32>
      %get3A_1205 = arith.constant 2000 : index
      %get3A_1206 = tpu.vector_load %arg9[%get3A_1205] {strides = array<i32>} : memref<2048xf32, #tpu.memory_space<vmem>>, vector<16xf32>,
      %get3A_1207 = vector.shape_cast %get3A_1206 : vector<16xf32> to vector<16xf32>
      %add3A_1208 = arith.addf %add3A_1080, %get3A_1207 : vector<16xf32>
      %get3A_1209 = arith.constant 2016 : index
      %get3A_1210 = tpu.vector_load %arg9[%get3A_1209] {strides = array<i32>} : memref<2048xf32, #tpu.memory_space<vmem>>, vector<16xf32>,
      %get3A_1211 = vector.shape_cast %get3A_1210 : vector<16xf32> to vector<16xf32>
      %add3A_1212 = arith.addf %add3A_1084, %get3A_1211 : vector<16xf32>
      %get3A_1213 = arith.constant 2032 : index
      %get3A_1214 = tpu.vector_load %arg9[%get3A_1213] {strides = array<i32>} : memref<2048xf32, #tpu.memory_space<vmem>>, vector<16xf32>,
      %get3A_1215 = vector.shape_cast %get3A_1214 : vector<16xf32> to vector<16xf32>
      %add3A_1216 = arith.addf %add3A_1088, %get3A_1215 : vector<16xf32>
      %mul3A_1217 = arith.constant 2 : i32
      %mul3A_1218 = arith.muli %scan3A_653, %mul3A_1217 : i32
      %add3A_1219 = arith.constant 1 : i32
      %add3A_1220 = arith.addi %mul3A_1218, %add3A_1219 : i32
      %add3A_1221 = arith.constant 1 : i32
      %add3A_1222 = arith.addi %add3A_1220, %add3A_1221 : i32
      %lt3A_1223 = arith.constant 50 : i32
      %lt3A_1224 = arith.cmpi slt, %add3A_1222, %lt3A_1223 : i32
      %convert_element_type3A_1225 = arith.extui %lt3A_1224 : i1 to i32
      %cond3A_1226 = arith.constant 0 : i32
      %cond3A_1227 = arith.cmpi ne, %convert_element_type3A_1225, %cond3A_1226 : i32
      scf.if %cond3A_1227 {
        %dma_wait3A_1749 = arith.constant 0 : i32
        %dma_wait3A_1750 = tpu.memref_slice %arg2[%dma_wait3A_1749] : memref<3276800xi32, #tpu.memory_space<hbm>> -> memref<2048xi32, #tpu.memory_space<hbm>>
        %dma_wait3A_1751 = arith.constant 0 : i32
        %dma_wait3A_1752 = tpu.memref_slice %arg2[%dma_wait3A_1751] : memref<3276800xi32, #tpu.memory_space<hbm>> -> memref<2048xi32, #tpu.memory_space<hbm>>
        tpu.wait_dma2 semaphore(%arg13 : memref<!tpu.dma_semaphore, #tpu.memory_space<semaphore_mem>>) src(%dma_wait3A_1752 : memref<2048xi32, #tpu.memory_space<hbm>>) dst(%arg7 : memref<2048xi32, #tpu.memory_space<vmem>>)
        %dma_start3A_1753 = arith.constant 0 : i32
        %dma_start3A_1754 = tpu.memref_slice %arg6[%dma_start3A_1753] : memref<1000000xf32, #tpu.memory_space<vmem_shared>> -> memref<1000000xf32, #tpu.memory_space<vmem_shared>>
        tpu.enqueue_indirect_dma source(%dma_start3A_1754 : memref<1000000xf32, #tpu.memory_space<vmem_shared>>) target(%arg9 : memref<2048xf32, #tpu.memory_space<vmem>>) offsets(%arg7 : memref<2048xi32, #tpu.memory_space<vmem>>) semaphore(%arg15 : memref<!tpu.dma_semaphore, #tpu.memory_space<semaphore_mem>>)
      } else {
      }
      %dma_wait3A_1228 = arith.constant 0 : i32
      %dma_wait3A_1229 = tpu.memref_slice %arg6[%dma_wait3A_1228] : memref<1000000xf32, #tpu.memory_space<vmem_shared>> -> memref<1000000xf32, #tpu.memory_space<vmem_shared>>
      tpu.wait_indirect_dma semaphore(%arg16 : memref<!tpu.dma_semaphore, #tpu.memory_space<semaphore_mem>>) src(%dma_wait3A_1229 : memref<1000000xf32, #tpu.memory_space<vmem_shared>>) dst(%arg10 : memref<2048xf32, #tpu.memory_space<vmem>>)
      %add3A_1230 = arith.constant 2 : i32
      %add3A_1231 = arith.addi %add3A_1220, %add3A_1230 : i32
      %lt3A_1232 = arith.constant 50 : i32
      %lt3A_1233 = arith.cmpi slt, %add3A_1231, %lt3A_1232 : i32
      %convert_element_type3A_1234 = arith.extui %lt3A_1233 : i1 to i32
      %cond3A_1235 = arith.constant 0 : i32
      %cond3A_1236 = arith.cmpi ne, %convert_element_type3A_1234, %cond3A_1235 : i32
      scf.if %cond3A_1236 {
        %add3A_1749 = arith.constant 2 : i32
        %add3A_1750 = arith.addi %add3A_1220, %add3A_1749 : i32
        %mul3A_1751 = arith.constant 4 : i32
        %mul3A_1752 = arith.muli %add3A_1750, %mul3A_1751 : i32
        %add3A_1753 = arith.constant 0 : i32
        %add3A_1754 = arith.addi %mul3A_1752, %add3A_1753 : i32
        %mul3A_1755 = arith.constant 16384 : i32
        %mul3A_1756 = arith.muli %add3A_1754, %mul3A_1755 : i32
        %add3A_1757 = arith.addi %mul3A_1756, %mul3A_2 : i32
        %dma_start3A_1758 = arith.constant 0 : i32
        %dma_start3A_1759 = tpu.memref_slice %arg8[%dma_start3A_1758] : memref<2048xi32, #tpu.memory_space<vmem>> -> memref<512xi32, #tpu.memory_space<vmem>>
        %dma_start3A_1760 = tpu.memref_slice %arg2[%add3A_1757] : memref<3276800xi32, #tpu.memory_space<hbm>> -> memref<512xi32, #tpu.memory_space<hbm>>
        %dma_start3A_1761 = arith.constant 0 : i32
        %dma_start3A_1762 = tpu.memref_slice %arg8[%dma_start3A_1761] : memref<2048xi32, #tpu.memory_space<vmem>> -> memref<512xi32, #tpu.memory_space<vmem>>
        %dma_start3A_1763 = tpu.memref_slice %arg2[%add3A_1757] : memref<3276800xi32, #tpu.memory_space<hbm>> -> memref<512xi32, #tpu.memory_space<hbm>>
        tpu.enqueue_dma source(%dma_start3A_1763 : memref<512xi32, #tpu.memory_space<hbm>>) target(%dma_start3A_1762 : memref<512xi32, #tpu.memory_space<vmem>>) target_semaphore(%arg14 : memref<!tpu.dma_semaphore, #tpu.memory_space<semaphore_mem>>)
        %mul3A_1764 = arith.constant 4 : i32
        %mul3A_1765 = arith.muli %add3A_1750, %mul3A_1764 : i32
        %add3A_1766 = arith.constant 1 : i32
        %add3A_1767 = arith.addi %mul3A_1765, %add3A_1766 : i32
        %mul3A_1768 = arith.constant 16384 : i32
        %mul3A_1769 = arith.muli %add3A_1767, %mul3A_1768 : i32
        %add3A_1770 = arith.addi %mul3A_1769, %mul3A_2 : i32
        %dma_start3A_1771 = arith.constant 512 : i32
        %dma_start3A_1772 = tpu.memref_slice %arg8[%dma_start3A_1771] : memref<2048xi32, #tpu.memory_space<vmem>> -> memref<512xi32, #tpu.memory_space<vmem>>
        %dma_start3A_1773 = tpu.memref_slice %arg2[%add3A_1770] : memref<3276800xi32, #tpu.memory_space<hbm>> -> memref<512xi32, #tpu.memory_space<hbm>>
        %dma_start3A_1774 = arith.constant 512 : i32
        %dma_start3A_1775 = tpu.memref_slice %arg8[%dma_start3A_1774] : memref<2048xi32, #tpu.memory_space<vmem>> -> memref<512xi32, #tpu.memory_space<vmem>>
        %dma_start3A_1776 = tpu.memref_slice %arg2[%add3A_1770] : memref<3276800xi32, #tpu.memory_space<hbm>> -> memref<512xi32, #tpu.memory_space<hbm>>
        tpu.enqueue_dma source(%dma_start3A_1776 : memref<512xi32, #tpu.memory_space<hbm>>) target(%dma_start3A_1775 : memref<512xi32, #tpu.memory_space<vmem>>) target_semaphore(%arg14 : memref<!tpu.dma_semaphore, #tpu.memory_space<semaphore_mem>>)
        %mul3A_1777 = arith.constant 4 : i32
        %mul3A_1778 = arith.muli %add3A_1750, %mul3A_1777 : i32
        %add3A_1779 = arith.constant 2 : i32
        %add3A_1780 = arith.addi %mul3A_1778, %add3A_1779 : i32
        %mul3A_1781 = arith.constant 16384 : i32
        %mul3A_1782 = arith.muli %add3A_1780, %mul3A_1781 : i32
        %add3A_1783 = arith.addi %mul3A_1782, %mul3A_2 : i32
        %dma_start3A_1784 = arith.constant 1024 : i32
        %dma_start3A_1785 = tpu.memref_slice %arg8[%dma_start3A_1784] : memref<2048xi32, #tpu.memory_space<vmem>> -> memref<512xi32, #tpu.memory_space<vmem>>
        %dma_start3A_1786 = tpu.memref_slice %arg2[%add3A_1783] : memref<3276800xi32, #tpu.memory_space<hbm>> -> memref<512xi32, #tpu.memory_space<hbm>>
        %dma_start3A_1787 = arith.constant 1024 : i32
        %dma_start3A_1788 = tpu.memref_slice %arg8[%dma_start3A_1787] : memref<2048xi32, #tpu.memory_space<vmem>> -> memref<512xi32, #tpu.memory_space<vmem>>
        %dma_start3A_1789 = tpu.memref_slice %arg2[%add3A_1783] : memref<3276800xi32, #tpu.memory_space<hbm>> -> memref<512xi32, #tpu.memory_space<hbm>>
        tpu.enqueue_dma source(%dma_start3A_1789 : memref<512xi32, #tpu.memory_space<hbm>>) target(%dma_start3A_1788 : memref<512xi32, #tpu.memory_space<vmem>>) target_semaphore(%arg14 : memref<!tpu.dma_semaphore, #tpu.memory_space<semaphore_mem>>)
        %mul3A_1790 = arith.constant 4 : i32
        %mul3A_1791 = arith.muli %add3A_1750, %mul3A_1790 : i32
        %add3A_1792 = arith.constant 3 : i32
        %add3A_1793 = arith.addi %mul3A_1791, %add3A_1792 : i32
        %mul3A_1794 = arith.constant 16384 : i32
        %mul3A_1795 = arith.muli %add3A_1793, %mul3A_1794 : i32
        %add3A_1796 = arith.addi %mul3A_1795, %mul3A_2 : i32
        %dma_start3A_1797 = arith.constant 1536 : i32
        %dma_start3A_1798 = tpu.memref_slice %arg8[%dma_start3A_1797] : memref<2048xi32, #tpu.memory_space<vmem>> -> memref<512xi32, #tpu.memory_space<vmem>>
        %dma_start3A_1799 = tpu.memref_slice %arg2[%add3A_1796] : memref<3276800xi32, #tpu.memory_space<hbm>> -> memref<512xi32, #tpu.memory_space<hbm>>
        %dma_start3A_1800 = arith.constant 1536 : i32
        %dma_start3A_1801 = tpu.memref_slice %arg8[%dma_start3A_1800] : memref<2048xi32, #tpu.memory_space<vmem>> -> memref<512xi32, #tpu.memory_space<vmem>>
        %dma_start3A_1802 = tpu.memref_slice %arg2[%add3A_1796] : memref<3276800xi32, #tpu.memory_space<hbm>> -> memref<512xi32, #tpu.memory_space<hbm>>
        tpu.enqueue_dma source(%dma_start3A_1802 : memref<512xi32, #tpu.memory_space<hbm>>) target(%dma_start3A_1801 : memref<512xi32, #tpu.memory_space<vmem>>) target_semaphore(%arg14 : memref<!tpu.dma_semaphore, #tpu.memory_space<semaphore_mem>>)
      } else {
      }
      %get3A_1237 = arith.constant 0 : index
      %get3A_1238 = tpu.vector_load %arg10[%get3A_1237] {strides = array<i32>} : memref<2048xf32, #tpu.memory_space<vmem>>, vector<16xf32>,
      %get3A_1239 = vector.shape_cast %get3A_1238 : vector<16xf32> to vector<16xf32>
      %add3A_1240 = arith.addf %add3A_1092, %get3A_1239 : vector<16xf32>
      %get3A_1241 = arith.constant 16 : index
      %get3A_1242 = tpu.vector_load %arg10[%get3A_1241] {strides = array<i32>} : memref<2048xf32, #tpu.memory_space<vmem>>, vector<16xf32>,
      %get3A_1243 = vector.shape_cast %get3A_1242 : vector<16xf32> to vector<16xf32>
      %add3A_1244 = arith.addf %add3A_1096, %get3A_1243 : vector<16xf32>
      %get3A_1245 = arith.constant 32 : index
      %get3A_1246 = tpu.vector_load %arg10[%get3A_1245] {strides = array<i32>} : memref<2048xf32, #tpu.memory_space<vmem>>, vector<16xf32>,
      %get3A_1247 = vector.shape_cast %get3A_1246 : vector<16xf32> to vector<16xf32>
      %add3A_1248 = arith.addf %add3A_1100, %get3A_1247 : vector<16xf32>
      %get3A_1249 = arith.constant 48 : index
      %get3A_1250 = tpu.vector_load %arg10[%get3A_1249] {strides = array<i32>} : memref<2048xf32, #tpu.memory_space<vmem>>, vector<16xf32>,
      %get3A_1251 = vector.shape_cast %get3A_1250 : vector<16xf32> to vector<16xf32>
      %add3A_1252 = arith.addf %add3A_1104, %get3A_1251 : vector<16xf32>
      %get3A_1253 = arith.constant 64 : index
      %get3A_1254 = tpu.vector_load %arg10[%get3A_1253] {strides = array<i32>} : memref<2048xf32, #tpu.memory_space<vmem>>, vector<16xf32>,
      %get3A_1255 = vector.shape_cast %get3A_1254 : vector<16xf32> to vector<16xf32>
      %add3A_1256 = arith.addf %add3A_1108, %get3A_1255 : vector<16xf32>
      %get3A_1257 = arith.constant 80 : index
      %get3A_1258 = tpu.vector_load %arg10[%get3A_1257] {strides = array<i32>} : memref<2048xf32, #tpu.memory_space<vmem>>, vector<16xf32>,
      %get3A_1259 = vector.shape_cast %get3A_1258 : vector<16xf32> to vector<16xf32>
      %add3A_1260 = arith.addf %add3A_1112, %get3A_1259 : vector<16xf32>
      %get3A_1261 = arith.constant 96 : index
      %get3A_1262 = tpu.vector_load %arg10[%get3A_1261] {strides = array<i32>} : memref<2048xf32, #tpu.memory_space<vmem>>, vector<16xf32>,
      %get3A_1263 = vector.shape_cast %get3A_1262 : vector<16xf32> to vector<16xf32>
      %add3A_1264 = arith.addf %add3A_1116, %get3A_1263 : vector<16xf32>
      %get3A_1265 = arith.constant 112 : index
      %get3A_1266 = tpu.vector_load %arg10[%get3A_1265] {strides = array<i32>} : memref<2048xf32, #tpu.memory_space<vmem>>, vector<16xf32>,
      %get3A_1267 = vector.shape_cast %get3A_1266 : vector<16xf32> to vector<16xf32>
      %add3A_1268 = arith.addf %add3A_1120, %get3A_1267 : vector<16xf32>
      %get3A_1269 = arith.constant 128 : index
      %get3A_1270 = tpu.vector_load %arg10[%get3A_1269] {strides = array<i32>} : memref<2048xf32, #tpu.memory_space<vmem>>, vector<16xf32>,
      %get3A_1271 = vector.shape_cast %get3A_1270 : vector<16xf32> to vector<16xf32>
      %add3A_1272 = arith.addf %add3A_1124, %get3A_1271 : vector<16xf32>
      %get3A_1273 = arith.constant 144 : index
      %get3A_1274 = tpu.vector_load %arg10[%get3A_1273] {strides = array<i32>} : memref<2048xf32, #tpu.memory_space<vmem>>, vector<16xf32>,
      %get3A_1275 = vector.shape_cast %get3A_1274 : vector<16xf32> to vector<16xf32>
      %add3A_1276 = arith.addf %add3A_1128, %get3A_1275 : vector<16xf32>
      %get3A_1277 = arith.constant 160 : index
      %get3A_1278 = tpu.vector_load %arg10[%get3A_1277] {strides = array<i32>} : memref<2048xf32, #tpu.memory_space<vmem>>, vector<16xf32>,
      %get3A_1279 = vector.shape_cast %get3A_1278 : vector<16xf32> to vector<16xf32>
      %add3A_1280 = arith.addf %add3A_1132, %get3A_1279 : vector<16xf32>
      %get3A_1281 = arith.constant 176 : index
      %get3A_1282 = tpu.vector_load %arg10[%get3A_1281] {strides = array<i32>} : memref<2048xf32, #tpu.memory_space<vmem>>, vector<16xf32>,
      %get3A_1283 = vector.shape_cast %get3A_1282 : vector<16xf32> to vector<16xf32>
      %add3A_1284 = arith.addf %add3A_1136, %get3A_1283 : vector<16xf32>
      %get3A_1285 = arith.constant 192 : index
      %get3A_1286 = tpu.vector_load %arg10[%get3A_1285] {strides = array<i32>} : memref<2048xf32, #tpu.memory_space<vmem>>, vector<16xf32>,
      %get3A_1287 = vector.shape_cast %get3A_1286 : vector<16xf32> to vector<16xf32>
      %add3A_1288 = arith.addf %add3A_1140, %get3A_1287 : vector<16xf32>
      %get3A_1289 = arith.constant 208 : index
      %get3A_1290 = tpu.vector_load %arg10[%get3A_1289] {strides = array<i32>} : memref<2048xf32, #tpu.memory_space<vmem>>, vector<16xf32>,
      %get3A_1291 = vector.shape_cast %get3A_1290 : vector<16xf32> to vector<16xf32>
      %add3A_1292 = arith.addf %add3A_1144, %get3A_1291 : vector<16xf32>
      %get3A_1293 = arith.constant 224 : index
      %get3A_1294 = tpu.vector_load %arg10[%get3A_1293] {strides = array<i32>} : memref<2048xf32, #tpu.memory_space<vmem>>, vector<16xf32>,
      %get3A_1295 = vector.shape_cast %get3A_1294 : vector<16xf32> to vector<16xf32>
      %add3A_1296 = arith.addf %add3A_1148, %get3A_1295 : vector<16xf32>
      %get3A_1297 = arith.constant 240 : index
      %get3A_1298 = tpu.vector_load %arg10[%get3A_1297] {strides = array<i32>} : memref<2048xf32, #tpu.memory_space<vmem>>, vector<16xf32>,
      %get3A_1299 = vector.shape_cast %get3A_1298 : vector<16xf32> to vector<16xf32>
      %add3A_1300 = arith.addf %add3A_1152, %get3A_1299 : vector<16xf32>
      %get3A_1301 = arith.constant 256 : index
      %get3A_1302 = tpu.vector_load %arg10[%get3A_1301] {strides = array<i32>} : memref<2048xf32, #tpu.memory_space<vmem>>, vector<16xf32>,
      %get3A_1303 = vector.shape_cast %get3A_1302 : vector<16xf32> to vector<16xf32>
      %add3A_1304 = arith.addf %add3A_1156, %get3A_1303 : vector<16xf32>
      %get3A_1305 = arith.constant 272 : index
      %get3A_1306 = tpu.vector_load %arg10[%get3A_1305] {strides = array<i32>} : memref<2048xf32, #tpu.memory_space<vmem>>, vector<16xf32>,
      %get3A_1307 = vector.shape_cast %get3A_1306 : vector<16xf32> to vector<16xf32>
      %add3A_1308 = arith.addf %add3A_1160, %get3A_1307 : vector<16xf32>
      %get3A_1309 = arith.constant 288 : index
      %get3A_1310 = tpu.vector_load %arg10[%get3A_1309] {strides = array<i32>} : memref<2048xf32, #tpu.memory_space<vmem>>, vector<16xf32>,
      %get3A_1311 = vector.shape_cast %get3A_1310 : vector<16xf32> to vector<16xf32>
      %add3A_1312 = arith.addf %add3A_1164, %get3A_1311 : vector<16xf32>
      %get3A_1313 = arith.constant 304 : index
      %get3A_1314 = tpu.vector_load %arg10[%get3A_1313] {strides = array<i32>} : memref<2048xf32, #tpu.memory_space<vmem>>, vector<16xf32>,
      %get3A_1315 = vector.shape_cast %get3A_1314 : vector<16xf32> to vector<16xf32>
      %add3A_1316 = arith.addf %add3A_1168, %get3A_1315 : vector<16xf32>
      %get3A_1317 = arith.constant 320 : index
      %get3A_1318 = tpu.vector_load %arg10[%get3A_1317] {strides = array<i32>} : memref<2048xf32, #tpu.memory_space<vmem>>, vector<16xf32>,
      %get3A_1319 = vector.shape_cast %get3A_1318 : vector<16xf32> to vector<16xf32>
      %add3A_1320 = arith.addf %add3A_1172, %get3A_1319 : vector<16xf32>
      %get3A_1321 = arith.constant 336 : index
      %get3A_1322 = tpu.vector_load %arg10[%get3A_1321] {strides = array<i32>} : memref<2048xf32, #tpu.memory_space<vmem>>, vector<16xf32>,
      %get3A_1323 = vector.shape_cast %get3A_1322 : vector<16xf32> to vector<16xf32>
      %add3A_1324 = arith.addf %add3A_1176, %get3A_1323 : vector<16xf32>
      %get3A_1325 = arith.constant 352 : index
      %get3A_1326 = tpu.vector_load %arg10[%get3A_1325] {strides = array<i32>} : memref<2048xf32, #tpu.memory_space<vmem>>, vector<16xf32>,
      %get3A_1327 = vector.shape_cast %get3A_1326 : vector<16xf32> to vector<16xf32>
      %add3A_1328 = arith.addf %add3A_1180, %get3A_1327 : vector<16xf32>
      %get3A_1329 = arith.constant 368 : index
      %get3A_1330 = tpu.vector_load %arg10[%get3A_1329] {strides = array<i32>} : memref<2048xf32, #tpu.memory_space<vmem>>, vector<16xf32>,
      %get3A_1331 = vector.shape_cast %get3A_1330 : vector<16xf32> to vector<16xf32>
      %add3A_1332 = arith.addf %add3A_1184, %get3A_1331 : vector<16xf32>
      %get3A_1333 = arith.constant 384 : index
      %get3A_1334 = tpu.vector_load %arg10[%get3A_1333] {strides = array<i32>} : memref<2048xf32, #tpu.memory_space<vmem>>, vector<16xf32>,
      %get3A_1335 = vector.shape_cast %get3A_1334 : vector<16xf32> to vector<16xf32>
      %add3A_1336 = arith.addf %add3A_1188, %get3A_1335 : vector<16xf32>
      %get3A_1337 = arith.constant 400 : index
      %get3A_1338 = tpu.vector_load %arg10[%get3A_1337] {strides = array<i32>} : memref<2048xf32, #tpu.memory_space<vmem>>, vector<16xf32>,
      %get3A_1339 = vector.shape_cast %get3A_1338 : vector<16xf32> to vector<16xf32>
      %add3A_1340 = arith.addf %add3A_1192, %get3A_1339 : vector<16xf32>
      %get3A_1341 = arith.constant 416 : index
      %get3A_1342 = tpu.vector_load %arg10[%get3A_1341] {strides = array<i32>} : memref<2048xf32, #tpu.memory_space<vmem>>, vector<16xf32>,
      %get3A_1343 = vector.shape_cast %get3A_1342 : vector<16xf32> to vector<16xf32>
      %add3A_1344 = arith.addf %add3A_1196, %get3A_1343 : vector<16xf32>
      %get3A_1345 = arith.constant 432 : index
      %get3A_1346 = tpu.vector_load %arg10[%get3A_1345] {strides = array<i32>} : memref<2048xf32, #tpu.memory_space<vmem>>, vector<16xf32>,
      %get3A_1347 = vector.shape_cast %get3A_1346 : vector<16xf32> to vector<16xf32>
      %add3A_1348 = arith.addf %add3A_1200, %get3A_1347 : vector<16xf32>
      %get3A_1349 = arith.constant 448 : index
      %get3A_1350 = tpu.vector_load %arg10[%get3A_1349] {strides = array<i32>} : memref<2048xf32, #tpu.memory_space<vmem>>, vector<16xf32>,
      %get3A_1351 = vector.shape_cast %get3A_1350 : vector<16xf32> to vector<16xf32>
      %add3A_1352 = arith.addf %add3A_1204, %get3A_1351 : vector<16xf32>
      %get3A_1353 = arith.constant 464 : index
      %get3A_1354 = tpu.vector_load %arg10[%get3A_1353] {strides = array<i32>} : memref<2048xf32, #tpu.memory_space<vmem>>, vector<16xf32>,
      %get3A_1355 = vector.shape_cast %get3A_1354 : vector<16xf32> to vector<16xf32>
      %add3A_1356 = arith.addf %add3A_1208, %get3A_1355 : vector<16xf32>
      %get3A_1357 = arith.constant 480 : index
      %get3A_1358 = tpu.vector_load %arg10[%get3A_1357] {strides = array<i32>} : memref<2048xf32, #tpu.memory_space<vmem>>, vector<16xf32>,
      %get3A_1359 = vector.shape_cast %get3A_1358 : vector<16xf32> to vector<16xf32>
      %add3A_1360 = arith.addf %add3A_1212, %get3A_1359 : vector<16xf32>
      %get3A_1361 = arith.constant 496 : index
      %get3A_1362 = tpu.vector_load %arg10[%get3A_1361] {strides = array<i32>} : memref<2048xf32, #tpu.memory_space<vmem>>, vector<16xf32>,
      %get3A_1363 = vector.shape_cast %get3A_1362 : vector<16xf32> to vector<16xf32>
      %add3A_1364 = arith.addf %add3A_1216, %get3A_1363 : vector<16xf32>
      %get3A_1365 = arith.constant 512 : index
      %get3A_1366 = tpu.vector_load %arg10[%get3A_1365] {strides = array<i32>} : memref<2048xf32, #tpu.memory_space<vmem>>, vector<16xf32>,
      %get3A_1367 = vector.shape_cast %get3A_1366 : vector<16xf32> to vector<16xf32>
      %add3A_1368 = arith.addf %add3A_1240, %get3A_1367 : vector<16xf32>
      %get3A_1369 = arith.constant 528 : index
      %get3A_1370 = tpu.vector_load %arg10[%get3A_1369] {strides = array<i32>} : memref<2048xf32, #tpu.memory_space<vmem>>, vector<16xf32>,
      %get3A_1371 = vector.shape_cast %get3A_1370 : vector<16xf32> to vector<16xf32>
      %add3A_1372 = arith.addf %add3A_1244, %get3A_1371 : vector<16xf32>
      %get3A_1373 = arith.constant 544 : index
      %get3A_1374 = tpu.vector_load %arg10[%get3A_1373] {strides = array<i32>} : memref<2048xf32, #tpu.memory_space<vmem>>, vector<16xf32>,
      %get3A_1375 = vector.shape_cast %get3A_1374 : vector<16xf32> to vector<16xf32>
      %add3A_1376 = arith.addf %add3A_1248, %get3A_1375 : vector<16xf32>
      %get3A_1377 = arith.constant 560 : index
      %get3A_1378 = tpu.vector_load %arg10[%get3A_1377] {strides = array<i32>} : memref<2048xf32, #tpu.memory_space<vmem>>, vector<16xf32>,
      %get3A_1379 = vector.shape_cast %get3A_1378 : vector<16xf32> to vector<16xf32>
      %add3A_1380 = arith.addf %add3A_1252, %get3A_1379 : vector<16xf32>
      %get3A_1381 = arith.constant 576 : index
      %get3A_1382 = tpu.vector_load %arg10[%get3A_1381] {strides = array<i32>} : memref<2048xf32, #tpu.memory_space<vmem>>, vector<16xf32>,
      %get3A_1383 = vector.shape_cast %get3A_1382 : vector<16xf32> to vector<16xf32>
      %add3A_1384 = arith.addf %add3A_1256, %get3A_1383 : vector<16xf32>
      %get3A_1385 = arith.constant 592 : index
      %get3A_1386 = tpu.vector_load %arg10[%get3A_1385] {strides = array<i32>} : memref<2048xf32, #tpu.memory_space<vmem>>, vector<16xf32>,
      %get3A_1387 = vector.shape_cast %get3A_1386 : vector<16xf32> to vector<16xf32>
      %add3A_1388 = arith.addf %add3A_1260, %get3A_1387 : vector<16xf32>
      %get3A_1389 = arith.constant 608 : index
      %get3A_1390 = tpu.vector_load %arg10[%get3A_1389] {strides = array<i32>} : memref<2048xf32, #tpu.memory_space<vmem>>, vector<16xf32>,
      %get3A_1391 = vector.shape_cast %get3A_1390 : vector<16xf32> to vector<16xf32>
      %add3A_1392 = arith.addf %add3A_1264, %get3A_1391 : vector<16xf32>
      %get3A_1393 = arith.constant 624 : index
      %get3A_1394 = tpu.vector_load %arg10[%get3A_1393] {strides = array<i32>} : memref<2048xf32, #tpu.memory_space<vmem>>, vector<16xf32>,
      %get3A_1395 = vector.shape_cast %get3A_1394 : vector<16xf32> to vector<16xf32>
      %add3A_1396 = arith.addf %add3A_1268, %get3A_1395 : vector<16xf32>
      %get3A_1397 = arith.constant 640 : index
      %get3A_1398 = tpu.vector_load %arg10[%get3A_1397] {strides = array<i32>} : memref<2048xf32, #tpu.memory_space<vmem>>, vector<16xf32>,
      %get3A_1399 = vector.shape_cast %get3A_1398 : vector<16xf32> to vector<16xf32>
      %add3A_1400 = arith.addf %add3A_1272, %get3A_1399 : vector<16xf32>
      %get3A_1401 = arith.constant 656 : index
      %get3A_1402 = tpu.vector_load %arg10[%get3A_1401] {strides = array<i32>} : memref<2048xf32, #tpu.memory_space<vmem>>, vector<16xf32>,
      %get3A_1403 = vector.shape_cast %get3A_1402 : vector<16xf32> to vector<16xf32>
      %add3A_1404 = arith.addf %add3A_1276, %get3A_1403 : vector<16xf32>
      %get3A_1405 = arith.constant 672 : index
      %get3A_1406 = tpu.vector_load %arg10[%get3A_1405] {strides = array<i32>} : memref<2048xf32, #tpu.memory_space<vmem>>, vector<16xf32>,
      %get3A_1407 = vector.shape_cast %get3A_1406 : vector<16xf32> to vector<16xf32>
      %add3A_1408 = arith.addf %add3A_1280, %get3A_1407 : vector<16xf32>
      %get3A_1409 = arith.constant 688 : index
      %get3A_1410 = tpu.vector_load %arg10[%get3A_1409] {strides = array<i32>} : memref<2048xf32, #tpu.memory_space<vmem>>, vector<16xf32>,
      %get3A_1411 = vector.shape_cast %get3A_1410 : vector<16xf32> to vector<16xf32>
      %add3A_1412 = arith.addf %add3A_1284, %get3A_1411 : vector<16xf32>
      %get3A_1413 = arith.constant 704 : index
      %get3A_1414 = tpu.vector_load %arg10[%get3A_1413] {strides = array<i32>} : memref<2048xf32, #tpu.memory_space<vmem>>, vector<16xf32>,
      %get3A_1415 = vector.shape_cast %get3A_1414 : vector<16xf32> to vector<16xf32>
      %add3A_1416 = arith.addf %add3A_1288, %get3A_1415 : vector<16xf32>
      %get3A_1417 = arith.constant 720 : index
      %get3A_1418 = tpu.vector_load %arg10[%get3A_1417] {strides = array<i32>} : memref<2048xf32, #tpu.memory_space<vmem>>, vector<16xf32>,
      %get3A_1419 = vector.shape_cast %get3A_1418 : vector<16xf32> to vector<16xf32>
      %add3A_1420 = arith.addf %add3A_1292, %get3A_1419 : vector<16xf32>
      %get3A_1421 = arith.constant 736 : index
      %get3A_1422 = tpu.vector_load %arg10[%get3A_1421] {strides = array<i32>} : memref<2048xf32, #tpu.memory_space<vmem>>, vector<16xf32>,
      %get3A_1423 = vector.shape_cast %get3A_1422 : vector<16xf32> to vector<16xf32>
      %add3A_1424 = arith.addf %add3A_1296, %get3A_1423 : vector<16xf32>
      %get3A_1425 = arith.constant 752 : index
      %get3A_1426 = tpu.vector_load %arg10[%get3A_1425] {strides = array<i32>} : memref<2048xf32, #tpu.memory_space<vmem>>, vector<16xf32>,
      %get3A_1427 = vector.shape_cast %get3A_1426 : vector<16xf32> to vector<16xf32>
      %add3A_1428 = arith.addf %add3A_1300, %get3A_1427 : vector<16xf32>
      %get3A_1429 = arith.constant 768 : index
      %get3A_1430 = tpu.vector_load %arg10[%get3A_1429] {strides = array<i32>} : memref<2048xf32, #tpu.memory_space<vmem>>, vector<16xf32>,
      %get3A_1431 = vector.shape_cast %get3A_1430 : vector<16xf32> to vector<16xf32>
      %add3A_1432 = arith.addf %add3A_1304, %get3A_1431 : vector<16xf32>
      %get3A_1433 = arith.constant 784 : index
      %get3A_1434 = tpu.vector_load %arg10[%get3A_1433] {strides = array<i32>} : memref<2048xf32, #tpu.memory_space<vmem>>, vector<16xf32>,
      %get3A_1435 = vector.shape_cast %get3A_1434 : vector<16xf32> to vector<16xf32>
      %add3A_1436 = arith.addf %add3A_1308, %get3A_1435 : vector<16xf32>
      %get3A_1437 = arith.constant 800 : index
      %get3A_1438 = tpu.vector_load %arg10[%get3A_1437] {strides = array<i32>} : memref<2048xf32, #tpu.memory_space<vmem>>, vector<16xf32>,
      %get3A_1439 = vector.shape_cast %get3A_1438 : vector<16xf32> to vector<16xf32>
      %add3A_1440 = arith.addf %add3A_1312, %get3A_1439 : vector<16xf32>
      %get3A_1441 = arith.constant 816 : index
      %get3A_1442 = tpu.vector_load %arg10[%get3A_1441] {strides = array<i32>} : memref<2048xf32, #tpu.memory_space<vmem>>, vector<16xf32>,
      %get3A_1443 = vector.shape_cast %get3A_1442 : vector<16xf32> to vector<16xf32>
      %add3A_1444 = arith.addf %add3A_1316, %get3A_1443 : vector<16xf32>
      %get3A_1445 = arith.constant 832 : index
      %get3A_1446 = tpu.vector_load %arg10[%get3A_1445] {strides = array<i32>} : memref<2048xf32, #tpu.memory_space<vmem>>, vector<16xf32>,
      %get3A_1447 = vector.shape_cast %get3A_1446 : vector<16xf32> to vector<16xf32>
      %add3A_1448 = arith.addf %add3A_1320, %get3A_1447 : vector<16xf32>
      %get3A_1449 = arith.constant 848 : index
      %get3A_1450 = tpu.vector_load %arg10[%get3A_1449] {strides = array<i32>} : memref<2048xf32, #tpu.memory_space<vmem>>, vector<16xf32>,
      %get3A_1451 = vector.shape_cast %get3A_1450 : vector<16xf32> to vector<16xf32>
      %add3A_1452 = arith.addf %add3A_1324, %get3A_1451 : vector<16xf32>
      %get3A_1453 = arith.constant 864 : index
      %get3A_1454 = tpu.vector_load %arg10[%get3A_1453] {strides = array<i32>} : memref<2048xf32, #tpu.memory_space<vmem>>, vector<16xf32>,
      %get3A_1455 = vector.shape_cast %get3A_1454 : vector<16xf32> to vector<16xf32>
      %add3A_1456 = arith.addf %add3A_1328, %get3A_1455 : vector<16xf32>
      %get3A_1457 = arith.constant 880 : index
      %get3A_1458 = tpu.vector_load %arg10[%get3A_1457] {strides = array<i32>} : memref<2048xf32, #tpu.memory_space<vmem>>, vector<16xf32>,
      %get3A_1459 = vector.shape_cast %get3A_1458 : vector<16xf32> to vector<16xf32>
      %add3A_1460 = arith.addf %add3A_1332, %get3A_1459 : vector<16xf32>
      %get3A_1461 = arith.constant 896 : index
      %get3A_1462 = tpu.vector_load %arg10[%get3A_1461] {strides = array<i32>} : memref<2048xf32, #tpu.memory_space<vmem>>, vector<16xf32>,
      %get3A_1463 = vector.shape_cast %get3A_1462 : vector<16xf32> to vector<16xf32>
      %add3A_1464 = arith.addf %add3A_1336, %get3A_1463 : vector<16xf32>
      %get3A_1465 = arith.constant 912 : index
      %get3A_1466 = tpu.vector_load %arg10[%get3A_1465] {strides = array<i32>} : memref<2048xf32, #tpu.memory_space<vmem>>, vector<16xf32>,
      %get3A_1467 = vector.shape_cast %get3A_1466 : vector<16xf32> to vector<16xf32>
      %add3A_1468 = arith.addf %add3A_1340, %get3A_1467 : vector<16xf32>
      %get3A_1469 = arith.constant 928 : index
      %get3A_1470 = tpu.vector_load %arg10[%get3A_1469] {strides = array<i32>} : memref<2048xf32, #tpu.memory_space<vmem>>, vector<16xf32>,
      %get3A_1471 = vector.shape_cast %get3A_1470 : vector<16xf32> to vector<16xf32>
      %add3A_1472 = arith.addf %add3A_1344, %get3A_1471 : vector<16xf32>
      %get3A_1473 = arith.constant 944 : index
      %get3A_1474 = tpu.vector_load %arg10[%get3A_1473] {strides = array<i32>} : memref<2048xf32, #tpu.memory_space<vmem>>, vector<16xf32>,
      %get3A_1475 = vector.shape_cast %get3A_1474 : vector<16xf32> to vector<16xf32>
      %add3A_1476 = arith.addf %add3A_1348, %get3A_1475 : vector<16xf32>
      %get3A_1477 = arith.constant 960 : index
      %get3A_1478 = tpu.vector_load %arg10[%get3A_1477] {strides = array<i32>} : memref<2048xf32, #tpu.memory_space<vmem>>, vector<16xf32>,
      %get3A_1479 = vector.shape_cast %get3A_1478 : vector<16xf32> to vector<16xf32>
      %add3A_1480 = arith.addf %add3A_1352, %get3A_1479 : vector<16xf32>
      %get3A_1481 = arith.constant 976 : index
      %get3A_1482 = tpu.vector_load %arg10[%get3A_1481] {strides = array<i32>} : memref<2048xf32, #tpu.memory_space<vmem>>, vector<16xf32>,
      %get3A_1483 = vector.shape_cast %get3A_1482 : vector<16xf32> to vector<16xf32>
      %add3A_1484 = arith.addf %add3A_1356, %get3A_1483 : vector<16xf32>
      %get3A_1485 = arith.constant 992 : index
      %get3A_1486 = tpu.vector_load %arg10[%get3A_1485] {strides = array<i32>} : memref<2048xf32, #tpu.memory_space<vmem>>, vector<16xf32>,
      %get3A_1487 = vector.shape_cast %get3A_1486 : vector<16xf32> to vector<16xf32>
      %add3A_1488 = arith.addf %add3A_1360, %get3A_1487 : vector<16xf32>
      %get3A_1489 = arith.constant 1008 : index
      %get3A_1490 = tpu.vector_load %arg10[%get3A_1489] {strides = array<i32>} : memref<2048xf32, #tpu.memory_space<vmem>>, vector<16xf32>,
      %get3A_1491 = vector.shape_cast %get3A_1490 : vector<16xf32> to vector<16xf32>
      %add3A_1492 = arith.addf %add3A_1364, %get3A_1491 : vector<16xf32>
      %get3A_1493 = arith.constant 1024 : index
      %get3A_1494 = tpu.vector_load %arg10[%get3A_1493] {strides = array<i32>} : memref<2048xf32, #tpu.memory_space<vmem>>, vector<16xf32>,
      %get3A_1495 = vector.shape_cast %get3A_1494 : vector<16xf32> to vector<16xf32>
      %add3A_1496 = arith.addf %add3A_1368, %get3A_1495 : vector<16xf32>
      %get3A_1497 = arith.constant 1040 : index
      %get3A_1498 = tpu.vector_load %arg10[%get3A_1497] {strides = array<i32>} : memref<2048xf32, #tpu.memory_space<vmem>>, vector<16xf32>,
      %get3A_1499 = vector.shape_cast %get3A_1498 : vector<16xf32> to vector<16xf32>
      %add3A_1500 = arith.addf %add3A_1372, %get3A_1499 : vector<16xf32>
      %get3A_1501 = arith.constant 1056 : index
      %get3A_1502 = tpu.vector_load %arg10[%get3A_1501] {strides = array<i32>} : memref<2048xf32, #tpu.memory_space<vmem>>, vector<16xf32>,
      %get3A_1503 = vector.shape_cast %get3A_1502 : vector<16xf32> to vector<16xf32>
      %add3A_1504 = arith.addf %add3A_1376, %get3A_1503 : vector<16xf32>
      %get3A_1505 = arith.constant 1072 : index
      %get3A_1506 = tpu.vector_load %arg10[%get3A_1505] {strides = array<i32>} : memref<2048xf32, #tpu.memory_space<vmem>>, vector<16xf32>,
      %get3A_1507 = vector.shape_cast %get3A_1506 : vector<16xf32> to vector<16xf32>
      %add3A_1508 = arith.addf %add3A_1380, %get3A_1507 : vector<16xf32>
      %get3A_1509 = arith.constant 1088 : index
      %get3A_1510 = tpu.vector_load %arg10[%get3A_1509] {strides = array<i32>} : memref<2048xf32, #tpu.memory_space<vmem>>, vector<16xf32>,
      %get3A_1511 = vector.shape_cast %get3A_1510 : vector<16xf32> to vector<16xf32>
      %add3A_1512 = arith.addf %add3A_1384, %get3A_1511 : vector<16xf32>
      %get3A_1513 = arith.constant 1104 : index
      %get3A_1514 = tpu.vector_load %arg10[%get3A_1513] {strides = array<i32>} : memref<2048xf32, #tpu.memory_space<vmem>>, vector<16xf32>,
      %get3A_1515 = vector.shape_cast %get3A_1514 : vector<16xf32> to vector<16xf32>
      %add3A_1516 = arith.addf %add3A_1388, %get3A_1515 : vector<16xf32>
      %get3A_1517 = arith.constant 1120 : index
      %get3A_1518 = tpu.vector_load %arg10[%get3A_1517] {strides = array<i32>} : memref<2048xf32, #tpu.memory_space<vmem>>, vector<16xf32>,
      %get3A_1519 = vector.shape_cast %get3A_1518 : vector<16xf32> to vector<16xf32>
      %add3A_1520 = arith.addf %add3A_1392, %get3A_1519 : vector<16xf32>
      %get3A_1521 = arith.constant 1136 : index
      %get3A_1522 = tpu.vector_load %arg10[%get3A_1521] {strides = array<i32>} : memref<2048xf32, #tpu.memory_space<vmem>>, vector<16xf32>,
      %get3A_1523 = vector.shape_cast %get3A_1522 : vector<16xf32> to vector<16xf32>
      %add3A_1524 = arith.addf %add3A_1396, %get3A_1523 : vector<16xf32>
      %get3A_1525 = arith.constant 1152 : index
      %get3A_1526 = tpu.vector_load %arg10[%get3A_1525] {strides = array<i32>} : memref<2048xf32, #tpu.memory_space<vmem>>, vector<16xf32>,
      %get3A_1527 = vector.shape_cast %get3A_1526 : vector<16xf32> to vector<16xf32>
      %add3A_1528 = arith.addf %add3A_1400, %get3A_1527 : vector<16xf32>
      %get3A_1529 = arith.constant 1168 : index
      %get3A_1530 = tpu.vector_load %arg10[%get3A_1529] {strides = array<i32>} : memref<2048xf32, #tpu.memory_space<vmem>>, vector<16xf32>,
      %get3A_1531 = vector.shape_cast %get3A_1530 : vector<16xf32> to vector<16xf32>
      %add3A_1532 = arith.addf %add3A_1404, %get3A_1531 : vector<16xf32>
      %get3A_1533 = arith.constant 1184 : index
      %get3A_1534 = tpu.vector_load %arg10[%get3A_1533] {strides = array<i32>} : memref<2048xf32, #tpu.memory_space<vmem>>, vector<16xf32>,
      %get3A_1535 = vector.shape_cast %get3A_1534 : vector<16xf32> to vector<16xf32>
      %add3A_1536 = arith.addf %add3A_1408, %get3A_1535 : vector<16xf32>
      %get3A_1537 = arith.constant 1200 : index
      %get3A_1538 = tpu.vector_load %arg10[%get3A_1537] {strides = array<i32>} : memref<2048xf32, #tpu.memory_space<vmem>>, vector<16xf32>,
      %get3A_1539 = vector.shape_cast %get3A_1538 : vector<16xf32> to vector<16xf32>
      %add3A_1540 = arith.addf %add3A_1412, %get3A_1539 : vector<16xf32>
      %get3A_1541 = arith.constant 1216 : index
      %get3A_1542 = tpu.vector_load %arg10[%get3A_1541] {strides = array<i32>} : memref<2048xf32, #tpu.memory_space<vmem>>, vector<16xf32>,
      %get3A_1543 = vector.shape_cast %get3A_1542 : vector<16xf32> to vector<16xf32>
      %add3A_1544 = arith.addf %add3A_1416, %get3A_1543 : vector<16xf32>
      %get3A_1545 = arith.constant 1232 : index
      %get3A_1546 = tpu.vector_load %arg10[%get3A_1545] {strides = array<i32>} : memref<2048xf32, #tpu.memory_space<vmem>>, vector<16xf32>,
      %get3A_1547 = vector.shape_cast %get3A_1546 : vector<16xf32> to vector<16xf32>
      %add3A_1548 = arith.addf %add3A_1420, %get3A_1547 : vector<16xf32>
      %get3A_1549 = arith.constant 1248 : index
      %get3A_1550 = tpu.vector_load %arg10[%get3A_1549] {strides = array<i32>} : memref<2048xf32, #tpu.memory_space<vmem>>, vector<16xf32>,
      %get3A_1551 = vector.shape_cast %get3A_1550 : vector<16xf32> to vector<16xf32>
      %add3A_1552 = arith.addf %add3A_1424, %get3A_1551 : vector<16xf32>
      %get3A_1553 = arith.constant 1264 : index
      %get3A_1554 = tpu.vector_load %arg10[%get3A_1553] {strides = array<i32>} : memref<2048xf32, #tpu.memory_space<vmem>>, vector<16xf32>,
      %get3A_1555 = vector.shape_cast %get3A_1554 : vector<16xf32> to vector<16xf32>
      %add3A_1556 = arith.addf %add3A_1428, %get3A_1555 : vector<16xf32>
      %get3A_1557 = arith.constant 1280 : index
      %get3A_1558 = tpu.vector_load %arg10[%get3A_1557] {strides = array<i32>} : memref<2048xf32, #tpu.memory_space<vmem>>, vector<16xf32>,
      %get3A_1559 = vector.shape_cast %get3A_1558 : vector<16xf32> to vector<16xf32>
      %add3A_1560 = arith.addf %add3A_1432, %get3A_1559 : vector<16xf32>
      %get3A_1561 = arith.constant 1296 : index
      %get3A_1562 = tpu.vector_load %arg10[%get3A_1561] {strides = array<i32>} : memref<2048xf32, #tpu.memory_space<vmem>>, vector<16xf32>,
      %get3A_1563 = vector.shape_cast %get3A_1562 : vector<16xf32> to vector<16xf32>
      %add3A_1564 = arith.addf %add3A_1436, %get3A_1563 : vector<16xf32>
      %get3A_1565 = arith.constant 1312 : index
      %get3A_1566 = tpu.vector_load %arg10[%get3A_1565] {strides = array<i32>} : memref<2048xf32, #tpu.memory_space<vmem>>, vector<16xf32>,
      %get3A_1567 = vector.shape_cast %get3A_1566 : vector<16xf32> to vector<16xf32>
      %add3A_1568 = arith.addf %add3A_1440, %get3A_1567 : vector<16xf32>
      %get3A_1569 = arith.constant 1328 : index
      %get3A_1570 = tpu.vector_load %arg10[%get3A_1569] {strides = array<i32>} : memref<2048xf32, #tpu.memory_space<vmem>>, vector<16xf32>,
      %get3A_1571 = vector.shape_cast %get3A_1570 : vector<16xf32> to vector<16xf32>
      %add3A_1572 = arith.addf %add3A_1444, %get3A_1571 : vector<16xf32>
      %get3A_1573 = arith.constant 1344 : index
      %get3A_1574 = tpu.vector_load %arg10[%get3A_1573] {strides = array<i32>} : memref<2048xf32, #tpu.memory_space<vmem>>, vector<16xf32>,
      %get3A_1575 = vector.shape_cast %get3A_1574 : vector<16xf32> to vector<16xf32>
      %add3A_1576 = arith.addf %add3A_1448, %get3A_1575 : vector<16xf32>
      %get3A_1577 = arith.constant 1360 : index
      %get3A_1578 = tpu.vector_load %arg10[%get3A_1577] {strides = array<i32>} : memref<2048xf32, #tpu.memory_space<vmem>>, vector<16xf32>,
      %get3A_1579 = vector.shape_cast %get3A_1578 : vector<16xf32> to vector<16xf32>
      %add3A_1580 = arith.addf %add3A_1452, %get3A_1579 : vector<16xf32>
      %get3A_1581 = arith.constant 1376 : index
      %get3A_1582 = tpu.vector_load %arg10[%get3A_1581] {strides = array<i32>} : memref<2048xf32, #tpu.memory_space<vmem>>, vector<16xf32>,
      %get3A_1583 = vector.shape_cast %get3A_1582 : vector<16xf32> to vector<16xf32>
      %add3A_1584 = arith.addf %add3A_1456, %get3A_1583 : vector<16xf32>
      %get3A_1585 = arith.constant 1392 : index
      %get3A_1586 = tpu.vector_load %arg10[%get3A_1585] {strides = array<i32>} : memref<2048xf32, #tpu.memory_space<vmem>>, vector<16xf32>,
      %get3A_1587 = vector.shape_cast %get3A_1586 : vector<16xf32> to vector<16xf32>
      %add3A_1588 = arith.addf %add3A_1460, %get3A_1587 : vector<16xf32>
      %get3A_1589 = arith.constant 1408 : index
      %get3A_1590 = tpu.vector_load %arg10[%get3A_1589] {strides = array<i32>} : memref<2048xf32, #tpu.memory_space<vmem>>, vector<16xf32>,
      %get3A_1591 = vector.shape_cast %get3A_1590 : vector<16xf32> to vector<16xf32>
      %add3A_1592 = arith.addf %add3A_1464, %get3A_1591 : vector<16xf32>
      %get3A_1593 = arith.constant 1424 : index
      %get3A_1594 = tpu.vector_load %arg10[%get3A_1593] {strides = array<i32>} : memref<2048xf32, #tpu.memory_space<vmem>>, vector<16xf32>,
      %get3A_1595 = vector.shape_cast %get3A_1594 : vector<16xf32> to vector<16xf32>
      %add3A_1596 = arith.addf %add3A_1468, %get3A_1595 : vector<16xf32>
      %get3A_1597 = arith.constant 1440 : index
      %get3A_1598 = tpu.vector_load %arg10[%get3A_1597] {strides = array<i32>} : memref<2048xf32, #tpu.memory_space<vmem>>, vector<16xf32>,
      %get3A_1599 = vector.shape_cast %get3A_1598 : vector<16xf32> to vector<16xf32>
      %add3A_1600 = arith.addf %add3A_1472, %get3A_1599 : vector<16xf32>
      %get3A_1601 = arith.constant 1456 : index
      %get3A_1602 = tpu.vector_load %arg10[%get3A_1601] {strides = array<i32>} : memref<2048xf32, #tpu.memory_space<vmem>>, vector<16xf32>,
      %get3A_1603 = vector.shape_cast %get3A_1602 : vector<16xf32> to vector<16xf32>
      %add3A_1604 = arith.addf %add3A_1476, %get3A_1603 : vector<16xf32>
      %get3A_1605 = arith.constant 1472 : index
      %get3A_1606 = tpu.vector_load %arg10[%get3A_1605] {strides = array<i32>} : memref<2048xf32, #tpu.memory_space<vmem>>, vector<16xf32>,
      %get3A_1607 = vector.shape_cast %get3A_1606 : vector<16xf32> to vector<16xf32>
      %add3A_1608 = arith.addf %add3A_1480, %get3A_1607 : vector<16xf32>
      %get3A_1609 = arith.constant 1488 : index
      %get3A_1610 = tpu.vector_load %arg10[%get3A_1609] {strides = array<i32>} : memref<2048xf32, #tpu.memory_space<vmem>>, vector<16xf32>,
      %get3A_1611 = vector.shape_cast %get3A_1610 : vector<16xf32> to vector<16xf32>
      %add3A_1612 = arith.addf %add3A_1484, %get3A_1611 : vector<16xf32>
      %get3A_1613 = arith.constant 1504 : index
      %get3A_1614 = tpu.vector_load %arg10[%get3A_1613] {strides = array<i32>} : memref<2048xf32, #tpu.memory_space<vmem>>, vector<16xf32>,
      %get3A_1615 = vector.shape_cast %get3A_1614 : vector<16xf32> to vector<16xf32>
      %add3A_1616 = arith.addf %add3A_1488, %get3A_1615 : vector<16xf32>
      %get3A_1617 = arith.constant 1520 : index
      %get3A_1618 = tpu.vector_load %arg10[%get3A_1617] {strides = array<i32>} : memref<2048xf32, #tpu.memory_space<vmem>>, vector<16xf32>,
      %get3A_1619 = vector.shape_cast %get3A_1618 : vector<16xf32> to vector<16xf32>
      %add3A_1620 = arith.addf %add3A_1492, %get3A_1619 : vector<16xf32>
      %get3A_1621 = arith.constant 1536 : index
      %get3A_1622 = tpu.vector_load %arg10[%get3A_1621] {strides = array<i32>} : memref<2048xf32, #tpu.memory_space<vmem>>, vector<16xf32>,
      %get3A_1623 = vector.shape_cast %get3A_1622 : vector<16xf32> to vector<16xf32>
      %add3A_1624 = arith.addf %add3A_1496, %get3A_1623 : vector<16xf32>
      %get3A_1625 = arith.constant 1552 : index
      %get3A_1626 = tpu.vector_load %arg10[%get3A_1625] {strides = array<i32>} : memref<2048xf32, #tpu.memory_space<vmem>>, vector<16xf32>,
      %get3A_1627 = vector.shape_cast %get3A_1626 : vector<16xf32> to vector<16xf32>
      %add3A_1628 = arith.addf %add3A_1500, %get3A_1627 : vector<16xf32>
      %get3A_1629 = arith.constant 1568 : index
      %get3A_1630 = tpu.vector_load %arg10[%get3A_1629] {strides = array<i32>} : memref<2048xf32, #tpu.memory_space<vmem>>, vector<16xf32>,
      %get3A_1631 = vector.shape_cast %get3A_1630 : vector<16xf32> to vector<16xf32>
      %add3A_1632 = arith.addf %add3A_1504, %get3A_1631 : vector<16xf32>
      %get3A_1633 = arith.constant 1584 : index
      %get3A_1634 = tpu.vector_load %arg10[%get3A_1633] {strides = array<i32>} : memref<2048xf32, #tpu.memory_space<vmem>>, vector<16xf32>,
      %get3A_1635 = vector.shape_cast %get3A_1634 : vector<16xf32> to vector<16xf32>
      %add3A_1636 = arith.addf %add3A_1508, %get3A_1635 : vector<16xf32>
      %get3A_1637 = arith.constant 1600 : index
      %get3A_1638 = tpu.vector_load %arg10[%get3A_1637] {strides = array<i32>} : memref<2048xf32, #tpu.memory_space<vmem>>, vector<16xf32>,
      %get3A_1639 = vector.shape_cast %get3A_1638 : vector<16xf32> to vector<16xf32>
      %add3A_1640 = arith.addf %add3A_1512, %get3A_1639 : vector<16xf32>
      %get3A_1641 = arith.constant 1616 : index
      %get3A_1642 = tpu.vector_load %arg10[%get3A_1641] {strides = array<i32>} : memref<2048xf32, #tpu.memory_space<vmem>>, vector<16xf32>,
      %get3A_1643 = vector.shape_cast %get3A_1642 : vector<16xf32> to vector<16xf32>
      %add3A_1644 = arith.addf %add3A_1516, %get3A_1643 : vector<16xf32>
      %get3A_1645 = arith.constant 1632 : index
      %get3A_1646 = tpu.vector_load %arg10[%get3A_1645] {strides = array<i32>} : memref<2048xf32, #tpu.memory_space<vmem>>, vector<16xf32>,
      %get3A_1647 = vector.shape_cast %get3A_1646 : vector<16xf32> to vector<16xf32>
      %add3A_1648 = arith.addf %add3A_1520, %get3A_1647 : vector<16xf32>
      %get3A_1649 = arith.constant 1648 : index
      %get3A_1650 = tpu.vector_load %arg10[%get3A_1649] {strides = array<i32>} : memref<2048xf32, #tpu.memory_space<vmem>>, vector<16xf32>,
      %get3A_1651 = vector.shape_cast %get3A_1650 : vector<16xf32> to vector<16xf32>
      %add3A_1652 = arith.addf %add3A_1524, %get3A_1651 : vector<16xf32>
      %get3A_1653 = arith.constant 1664 : index
      %get3A_1654 = tpu.vector_load %arg10[%get3A_1653] {strides = array<i32>} : memref<2048xf32, #tpu.memory_space<vmem>>, vector<16xf32>,
      %get3A_1655 = vector.shape_cast %get3A_1654 : vector<16xf32> to vector<16xf32>
      %add3A_1656 = arith.addf %add3A_1528, %get3A_1655 : vector<16xf32>
      %get3A_1657 = arith.constant 1680 : index
      %get3A_1658 = tpu.vector_load %arg10[%get3A_1657] {strides = array<i32>} : memref<2048xf32, #tpu.memory_space<vmem>>, vector<16xf32>,
      %get3A_1659 = vector.shape_cast %get3A_1658 : vector<16xf32> to vector<16xf32>
      %add3A_1660 = arith.addf %add3A_1532, %get3A_1659 : vector<16xf32>
      %get3A_1661 = arith.constant 1696 : index
      %get3A_1662 = tpu.vector_load %arg10[%get3A_1661] {strides = array<i32>} : memref<2048xf32, #tpu.memory_space<vmem>>, vector<16xf32>,
      %get3A_1663 = vector.shape_cast %get3A_1662 : vector<16xf32> to vector<16xf32>
      %add3A_1664 = arith.addf %add3A_1536, %get3A_1663 : vector<16xf32>
      %get3A_1665 = arith.constant 1712 : index
      %get3A_1666 = tpu.vector_load %arg10[%get3A_1665] {strides = array<i32>} : memref<2048xf32, #tpu.memory_space<vmem>>, vector<16xf32>,
      %get3A_1667 = vector.shape_cast %get3A_1666 : vector<16xf32> to vector<16xf32>
      %add3A_1668 = arith.addf %add3A_1540, %get3A_1667 : vector<16xf32>
      %get3A_1669 = arith.constant 1728 : index
      %get3A_1670 = tpu.vector_load %arg10[%get3A_1669] {strides = array<i32>} : memref<2048xf32, #tpu.memory_space<vmem>>, vector<16xf32>,
      %get3A_1671 = vector.shape_cast %get3A_1670 : vector<16xf32> to vector<16xf32>
      %add3A_1672 = arith.addf %add3A_1544, %get3A_1671 : vector<16xf32>
      %get3A_1673 = arith.constant 1744 : index
      %get3A_1674 = tpu.vector_load %arg10[%get3A_1673] {strides = array<i32>} : memref<2048xf32, #tpu.memory_space<vmem>>, vector<16xf32>,
      %get3A_1675 = vector.shape_cast %get3A_1674 : vector<16xf32> to vector<16xf32>
      %add3A_1676 = arith.addf %add3A_1548, %get3A_1675 : vector<16xf32>
      %get3A_1677 = arith.constant 1760 : index
      %get3A_1678 = tpu.vector_load %arg10[%get3A_1677] {strides = array<i32>} : memref<2048xf32, #tpu.memory_space<vmem>>, vector<16xf32>,
      %get3A_1679 = vector.shape_cast %get3A_1678 : vector<16xf32> to vector<16xf32>
      %add3A_1680 = arith.addf %add3A_1552, %get3A_1679 : vector<16xf32>
      %get3A_1681 = arith.constant 1776 : index
      %get3A_1682 = tpu.vector_load %arg10[%get3A_1681] {strides = array<i32>} : memref<2048xf32, #tpu.memory_space<vmem>>, vector<16xf32>,
      %get3A_1683 = vector.shape_cast %get3A_1682 : vector<16xf32> to vector<16xf32>
      %add3A_1684 = arith.addf %add3A_1556, %get3A_1683 : vector<16xf32>
      %get3A_1685 = arith.constant 1792 : index
      %get3A_1686 = tpu.vector_load %arg10[%get3A_1685] {strides = array<i32>} : memref<2048xf32, #tpu.memory_space<vmem>>, vector<16xf32>,
      %get3A_1687 = vector.shape_cast %get3A_1686 : vector<16xf32> to vector<16xf32>
      %add3A_1688 = arith.addf %add3A_1560, %get3A_1687 : vector<16xf32>
      %get3A_1689 = arith.constant 1808 : index
      %get3A_1690 = tpu.vector_load %arg10[%get3A_1689] {strides = array<i32>} : memref<2048xf32, #tpu.memory_space<vmem>>, vector<16xf32>,
      %get3A_1691 = vector.shape_cast %get3A_1690 : vector<16xf32> to vector<16xf32>
      %add3A_1692 = arith.addf %add3A_1564, %get3A_1691 : vector<16xf32>
      %get3A_1693 = arith.constant 1824 : index
      %get3A_1694 = tpu.vector_load %arg10[%get3A_1693] {strides = array<i32>} : memref<2048xf32, #tpu.memory_space<vmem>>, vector<16xf32>,
      %get3A_1695 = vector.shape_cast %get3A_1694 : vector<16xf32> to vector<16xf32>
      %add3A_1696 = arith.addf %add3A_1568, %get3A_1695 : vector<16xf32>
      %get3A_1697 = arith.constant 1840 : index
      %get3A_1698 = tpu.vector_load %arg10[%get3A_1697] {strides = array<i32>} : memref<2048xf32, #tpu.memory_space<vmem>>, vector<16xf32>,
      %get3A_1699 = vector.shape_cast %get3A_1698 : vector<16xf32> to vector<16xf32>
      %add3A_1700 = arith.addf %add3A_1572, %get3A_1699 : vector<16xf32>
      %get3A_1701 = arith.constant 1856 : index
      %get3A_1702 = tpu.vector_load %arg10[%get3A_1701] {strides = array<i32>} : memref<2048xf32, #tpu.memory_space<vmem>>, vector<16xf32>,
      %get3A_1703 = vector.shape_cast %get3A_1702 : vector<16xf32> to vector<16xf32>
      %add3A_1704 = arith.addf %add3A_1576, %get3A_1703 : vector<16xf32>
      %get3A_1705 = arith.constant 1872 : index
      %get3A_1706 = tpu.vector_load %arg10[%get3A_1705] {strides = array<i32>} : memref<2048xf32, #tpu.memory_space<vmem>>, vector<16xf32>,
      %get3A_1707 = vector.shape_cast %get3A_1706 : vector<16xf32> to vector<16xf32>
      %add3A_1708 = arith.addf %add3A_1580, %get3A_1707 : vector<16xf32>
      %get3A_1709 = arith.constant 1888 : index
      %get3A_1710 = tpu.vector_load %arg10[%get3A_1709] {strides = array<i32>} : memref<2048xf32, #tpu.memory_space<vmem>>, vector<16xf32>,
      %get3A_1711 = vector.shape_cast %get3A_1710 : vector<16xf32> to vector<16xf32>
      %add3A_1712 = arith.addf %add3A_1584, %get3A_1711 : vector<16xf32>
      %get3A_1713 = arith.constant 1904 : index
      %get3A_1714 = tpu.vector_load %arg10[%get3A_1713] {strides = array<i32>} : memref<2048xf32, #tpu.memory_space<vmem>>, vector<16xf32>,
      %get3A_1715 = vector.shape_cast %get3A_1714 : vector<16xf32> to vector<16xf32>
      %add3A_1716 = arith.addf %add3A_1588, %get3A_1715 : vector<16xf32>
      %get3A_1717 = arith.constant 1920 : index
      %get3A_1718 = tpu.vector_load %arg10[%get3A_1717] {strides = array<i32>} : memref<2048xf32, #tpu.memory_space<vmem>>, vector<16xf32>,
      %get3A_1719 = vector.shape_cast %get3A_1718 : vector<16xf32> to vector<16xf32>
      %add3A_1720 = arith.addf %add3A_1592, %get3A_1719 : vector<16xf32>
      %get3A_1721 = arith.constant 1936 : index
      %get3A_1722 = tpu.vector_load %arg10[%get3A_1721] {strides = array<i32>} : memref<2048xf32, #tpu.memory_space<vmem>>, vector<16xf32>,
      %get3A_1723 = vector.shape_cast %get3A_1722 : vector<16xf32> to vector<16xf32>
      %add3A_1724 = arith.addf %add3A_1596, %get3A_1723 : vector<16xf32>
      %get3A_1725 = arith.constant 1952 : index
      %get3A_1726 = tpu.vector_load %arg10[%get3A_1725] {strides = array<i32>} : memref<2048xf32, #tpu.memory_space<vmem>>, vector<16xf32>,
      %get3A_1727 = vector.shape_cast %get3A_1726 : vector<16xf32> to vector<16xf32>
      %add3A_1728 = arith.addf %add3A_1600, %get3A_1727 : vector<16xf32>
      %get3A_1729 = arith.constant 1968 : index
      %get3A_1730 = tpu.vector_load %arg10[%get3A_1729] {strides = array<i32>} : memref<2048xf32, #tpu.memory_space<vmem>>, vector<16xf32>,
      %get3A_1731 = vector.shape_cast %get3A_1730 : vector<16xf32> to vector<16xf32>
      %add3A_1732 = arith.addf %add3A_1604, %get3A_1731 : vector<16xf32>
      %get3A_1733 = arith.constant 1984 : index
      %get3A_1734 = tpu.vector_load %arg10[%get3A_1733] {strides = array<i32>} : memref<2048xf32, #tpu.memory_space<vmem>>, vector<16xf32>,
      %get3A_1735 = vector.shape_cast %get3A_1734 : vector<16xf32> to vector<16xf32>
      %add3A_1736 = arith.addf %add3A_1608, %get3A_1735 : vector<16xf32>
      %get3A_1737 = arith.constant 2000 : index
      %get3A_1738 = tpu.vector_load %arg10[%get3A_1737] {strides = array<i32>} : memref<2048xf32, #tpu.memory_space<vmem>>, vector<16xf32>,
      %get3A_1739 = vector.shape_cast %get3A_1738 : vector<16xf32> to vector<16xf32>
      %add3A_1740 = arith.addf %add3A_1612, %get3A_1739 : vector<16xf32>
      %get3A_1741 = arith.constant 2016 : index
      %get3A_1742 = tpu.vector_load %arg10[%get3A_1741] {strides = array<i32>} : memref<2048xf32, #tpu.memory_space<vmem>>, vector<16xf32>,
      %get3A_1743 = vector.shape_cast %get3A_1742 : vector<16xf32> to vector<16xf32>
      %add3A_1744 = arith.addf %add3A_1616, %get3A_1743 : vector<16xf32>
      %get3A_1745 = arith.constant 2032 : index
      %get3A_1746 = tpu.vector_load %arg10[%get3A_1745] {strides = array<i32>} : memref<2048xf32, #tpu.memory_space<vmem>>, vector<16xf32>,
      %get3A_1747 = vector.shape_cast %get3A_1746 : vector<16xf32> to vector<16xf32>
      %add3A_1748 = arith.addf %add3A_1620, %get3A_1747 : vector<16xf32>
      scf.yield %add3A_1624, %add3A_1628, %add3A_1632, %add3A_1636, %add3A_1640, %add3A_1644, %add3A_1648, %add3A_1652, %add3A_1656, %add3A_1660, %add3A_1664, %add3A_1668, %add3A_1672, %add3A_1676, %add3A_1680, %add3A_1684, %add3A_1688, %add3A_1692, %add3A_1696, %add3A_1700, %add3A_1704, %add3A_1708, %add3A_1712, %add3A_1716, %add3A_1720, %add3A_1724, %add3A_1728, %add3A_1732, %add3A_1736, %add3A_1740, %add3A_1744, %add3A_1748 : vector<16xf32>, vector<16xf32>, vector<16xf32>, vector<16xf32>, vector<16xf32>, vector<16xf32>, vector<16xf32>, vector<16xf32>, vector<16xf32>, vector<16xf32>, vector<16xf32>, vector<16xf32>, vector<16xf32>, vector<16xf32>, vector<16xf32>, vector<16xf32>, vector<16xf32>, vector<16xf32>, vector<16xf32>, vector<16xf32>, vector<16xf32>, vector<16xf32>, vector<16xf32>, vector<16xf32>, vector<16xf32>, vector<16xf32>, vector<16xf32>, vector<16xf32>, vector<16xf32>, vector<16xf32>, vector<16xf32>, vector<16xf32>
    }
    %scan3A_80 = arith.constant 25 : i32
    %mul3A_81 = arith.constant 5.000000e-03 : f32
    %mul3A_82 = vector.broadcast %mul3A_81 : f32 to vector<16xf32>
    %mul3A_83 = arith.mulf %scan3A_79#0, %mul3A_82 : vector<16xf32>
    %add3A_84 = arith.addf %mul3A_83, %get3A_4 : vector<16xf32>
    %neg3A = arith.constant 0.000000e+00 : f32
    %neg3A_85 = vector.broadcast %neg3A : f32 to vector<16xf32>
    %neg3A_86 = arith.subf %neg3A_85, %add3A_84 : vector<16xf32>
    %exp3A = math.exp %neg3A_86 : vector<16xf32>
    %add3A_87 = arith.constant 1.000000e+00 : f32
    %add3A_88 = vector.broadcast %add3A_87 : f32 to vector<16xf32>
    %add3A_89 = arith.addf %add3A_88, %exp3A : vector<16xf32>
    %div3A = arith.constant 1.000000e+00 : f32
    %div3A_90 = vector.broadcast %div3A : f32 to vector<16xf32>
    %div3A_91 = arith.divf %div3A_90, %add3A_89 : vector<16xf32>
    %swap3A = arith.constant 0 : index
    %swap3A_92 = tpu.vector_load %arg12[%swap3A] {strides = array<i32>} : memref<512xf32, #tpu.memory_space<vmem>>, vector<16xf32>,
    %swap3A_93 = vector.shape_cast %swap3A_92 : vector<16xf32> to vector<16xf32>
    %swap3A_94 = vector.shape_cast %div3A_91 : vector<16xf32> to vector<16xf32>
    tpu.vector_store %arg12[%swap3A], %swap3A_94 {strides = array<i32>} : memref<512xf32, #tpu.memory_space<vmem>>, vector<16xf32>,
    %mul3A_95 = arith.constant 5.000000e-03 : f32
    %mul3A_96 = vector.broadcast %mul3A_95 : f32 to vector<16xf32>
    %mul3A_97 = arith.mulf %scan3A_79#1, %mul3A_96 : vector<16xf32>
    %add3A_98 = arith.addf %mul3A_97, %get3A_4 : vector<16xf32>
    %neg3A_99 = arith.constant 0.000000e+00 : f32
    %neg3A_100 = vector.broadcast %neg3A_99 : f32 to vector<16xf32>
    %neg3A_101 = arith.subf %neg3A_100, %add3A_98 : vector<16xf32>
    %exp3A_102 = math.exp %neg3A_101 : vector<16xf32>
    %add3A_103 = arith.constant 1.000000e+00 : f32
    %add3A_104 = vector.broadcast %add3A_103 : f32 to vector<16xf32>
    %add3A_105 = arith.addf %add3A_104, %exp3A_102 : vector<16xf32>
    %div3A_106 = arith.constant 1.000000e+00 : f32
    %div3A_107 = vector.broadcast %div3A_106 : f32 to vector<16xf32>
    %div3A_108 = arith.divf %div3A_107, %add3A_105 : vector<16xf32>
    %swap3A_109 = arith.constant 16 : index
    %swap3A_110 = tpu.vector_load %arg12[%swap3A_109] {strides = array<i32>} : memref<512xf32, #tpu.memory_space<vmem>>, vector<16xf32>,
    %swap3A_111 = vector.shape_cast %swap3A_110 : vector<16xf32> to vector<16xf32>
    %swap3A_112 = vector.shape_cast %div3A_108 : vector<16xf32> to vector<16xf32>
    tpu.vector_store %arg12[%swap3A_109], %swap3A_112 {strides = array<i32>} : memref<512xf32, #tpu.memory_space<vmem>>, vector<16xf32>,
    %mul3A_113 = arith.constant 5.000000e-03 : f32
    %mul3A_114 = vector.broadcast %mul3A_113 : f32 to vector<16xf32>
    %mul3A_115 = arith.mulf %scan3A_79#2, %mul3A_114 : vector<16xf32>
    %add3A_116 = arith.addf %mul3A_115, %get3A_4 : vector<16xf32>
    %neg3A_117 = arith.constant 0.000000e+00 : f32
    %neg3A_118 = vector.broadcast %neg3A_117 : f32 to vector<16xf32>
    %neg3A_119 = arith.subf %neg3A_118, %add3A_116 : vector<16xf32>
    %exp3A_120 = math.exp %neg3A_119 : vector<16xf32>
    %add3A_121 = arith.constant 1.000000e+00 : f32
    %add3A_122 = vector.broadcast %add3A_121 : f32 to vector<16xf32>
    %add3A_123 = arith.addf %add3A_122, %exp3A_120 : vector<16xf32>
    %div3A_124 = arith.constant 1.000000e+00 : f32
    %div3A_125 = vector.broadcast %div3A_124 : f32 to vector<16xf32>
    %div3A_126 = arith.divf %div3A_125, %add3A_123 : vector<16xf32>
    %swap3A_127 = arith.constant 32 : index
    %swap3A_128 = tpu.vector_load %arg12[%swap3A_127] {strides = array<i32>} : memref<512xf32, #tpu.memory_space<vmem>>, vector<16xf32>,
    %swap3A_129 = vector.shape_cast %swap3A_128 : vector<16xf32> to vector<16xf32>
    %swap3A_130 = vector.shape_cast %div3A_126 : vector<16xf32> to vector<16xf32>
    tpu.vector_store %arg12[%swap3A_127], %swap3A_130 {strides = array<i32>} : memref<512xf32, #tpu.memory_space<vmem>>, vector<16xf32>,
    %mul3A_131 = arith.constant 5.000000e-03 : f32
    %mul3A_132 = vector.broadcast %mul3A_131 : f32 to vector<16xf32>
    %mul3A_133 = arith.mulf %scan3A_79#3, %mul3A_132 : vector<16xf32>
    %add3A_134 = arith.addf %mul3A_133, %get3A_4 : vector<16xf32>
    %neg3A_135 = arith.constant 0.000000e+00 : f32
    %neg3A_136 = vector.broadcast %neg3A_135 : f32 to vector<16xf32>
    %neg3A_137 = arith.subf %neg3A_136, %add3A_134 : vector<16xf32>
    %exp3A_138 = math.exp %neg3A_137 : vector<16xf32>
    %add3A_139 = arith.constant 1.000000e+00 : f32
    %add3A_140 = vector.broadcast %add3A_139 : f32 to vector<16xf32>
    %add3A_141 = arith.addf %add3A_140, %exp3A_138 : vector<16xf32>
    %div3A_142 = arith.constant 1.000000e+00 : f32
    %div3A_143 = vector.broadcast %div3A_142 : f32 to vector<16xf32>
    %div3A_144 = arith.divf %div3A_143, %add3A_141 : vector<16xf32>
    %swap3A_145 = arith.constant 48 : index
    %swap3A_146 = tpu.vector_load %arg12[%swap3A_145] {strides = array<i32>} : memref<512xf32, #tpu.memory_space<vmem>>, vector<16xf32>,
    %swap3A_147 = vector.shape_cast %swap3A_146 : vector<16xf32> to vector<16xf32>
    %swap3A_148 = vector.shape_cast %div3A_144 : vector<16xf32> to vector<16xf32>
    tpu.vector_store %arg12[%swap3A_145], %swap3A_148 {strides = array<i32>} : memref<512xf32, #tpu.memory_space<vmem>>, vector<16xf32>,
    %mul3A_149 = arith.constant 5.000000e-03 : f32
    %mul3A_150 = vector.broadcast %mul3A_149 : f32 to vector<16xf32>
    %mul3A_151 = arith.mulf %scan3A_79#4, %mul3A_150 : vector<16xf32>
    %add3A_152 = arith.addf %mul3A_151, %get3A_4 : vector<16xf32>
    %neg3A_153 = arith.constant 0.000000e+00 : f32
    %neg3A_154 = vector.broadcast %neg3A_153 : f32 to vector<16xf32>
    %neg3A_155 = arith.subf %neg3A_154, %add3A_152 : vector<16xf32>
    %exp3A_156 = math.exp %neg3A_155 : vector<16xf32>
    %add3A_157 = arith.constant 1.000000e+00 : f32
    %add3A_158 = vector.broadcast %add3A_157 : f32 to vector<16xf32>
    %add3A_159 = arith.addf %add3A_158, %exp3A_156 : vector<16xf32>
    %div3A_160 = arith.constant 1.000000e+00 : f32
    %div3A_161 = vector.broadcast %div3A_160 : f32 to vector<16xf32>
    %div3A_162 = arith.divf %div3A_161, %add3A_159 : vector<16xf32>
    %swap3A_163 = arith.constant 64 : index
    %swap3A_164 = tpu.vector_load %arg12[%swap3A_163] {strides = array<i32>} : memref<512xf32, #tpu.memory_space<vmem>>, vector<16xf32>,
    %swap3A_165 = vector.shape_cast %swap3A_164 : vector<16xf32> to vector<16xf32>
    %swap3A_166 = vector.shape_cast %div3A_162 : vector<16xf32> to vector<16xf32>
    tpu.vector_store %arg12[%swap3A_163], %swap3A_166 {strides = array<i32>} : memref<512xf32, #tpu.memory_space<vmem>>, vector<16xf32>,
    %mul3A_167 = arith.constant 5.000000e-03 : f32
    %mul3A_168 = vector.broadcast %mul3A_167 : f32 to vector<16xf32>
    %mul3A_169 = arith.mulf %scan3A_79#5, %mul3A_168 : vector<16xf32>
    %add3A_170 = arith.addf %mul3A_169, %get3A_4 : vector<16xf32>
    %neg3A_171 = arith.constant 0.000000e+00 : f32
    %neg3A_172 = vector.broadcast %neg3A_171 : f32 to vector<16xf32>
    %neg3A_173 = arith.subf %neg3A_172, %add3A_170 : vector<16xf32>
    %exp3A_174 = math.exp %neg3A_173 : vector<16xf32>
    %add3A_175 = arith.constant 1.000000e+00 : f32
    %add3A_176 = vector.broadcast %add3A_175 : f32 to vector<16xf32>
    %add3A_177 = arith.addf %add3A_176, %exp3A_174 : vector<16xf32>
    %div3A_178 = arith.constant 1.000000e+00 : f32
    %div3A_179 = vector.broadcast %div3A_178 : f32 to vector<16xf32>
    %div3A_180 = arith.divf %div3A_179, %add3A_177 : vector<16xf32>
    %swap3A_181 = arith.constant 80 : index
    %swap3A_182 = tpu.vector_load %arg12[%swap3A_181] {strides = array<i32>} : memref<512xf32, #tpu.memory_space<vmem>>, vector<16xf32>,
    %swap3A_183 = vector.shape_cast %swap3A_182 : vector<16xf32> to vector<16xf32>
    %swap3A_184 = vector.shape_cast %div3A_180 : vector<16xf32> to vector<16xf32>
    tpu.vector_store %arg12[%swap3A_181], %swap3A_184 {strides = array<i32>} : memref<512xf32, #tpu.memory_space<vmem>>, vector<16xf32>,
    %mul3A_185 = arith.constant 5.000000e-03 : f32
    %mul3A_186 = vector.broadcast %mul3A_185 : f32 to vector<16xf32>
    %mul3A_187 = arith.mulf %scan3A_79#6, %mul3A_186 : vector<16xf32>
    %add3A_188 = arith.addf %mul3A_187, %get3A_4 : vector<16xf32>
    %neg3A_189 = arith.constant 0.000000e+00 : f32
    %neg3A_190 = vector.broadcast %neg3A_189 : f32 to vector<16xf32>
    %neg3A_191 = arith.subf %neg3A_190, %add3A_188 : vector<16xf32>
    %exp3A_192 = math.exp %neg3A_191 : vector<16xf32>
    %add3A_193 = arith.constant 1.000000e+00 : f32
    %add3A_194 = vector.broadcast %add3A_193 : f32 to vector<16xf32>
    %add3A_195 = arith.addf %add3A_194, %exp3A_192 : vector<16xf32>
    %div3A_196 = arith.constant 1.000000e+00 : f32
    %div3A_197 = vector.broadcast %div3A_196 : f32 to vector<16xf32>
    %div3A_198 = arith.divf %div3A_197, %add3A_195 : vector<16xf32>
    %swap3A_199 = arith.constant 96 : index
    %swap3A_200 = tpu.vector_load %arg12[%swap3A_199] {strides = array<i32>} : memref<512xf32, #tpu.memory_space<vmem>>, vector<16xf32>,
    %swap3A_201 = vector.shape_cast %swap3A_200 : vector<16xf32> to vector<16xf32>
    %swap3A_202 = vector.shape_cast %div3A_198 : vector<16xf32> to vector<16xf32>
    tpu.vector_store %arg12[%swap3A_199], %swap3A_202 {strides = array<i32>} : memref<512xf32, #tpu.memory_space<vmem>>, vector<16xf32>,
    %mul3A_203 = arith.constant 5.000000e-03 : f32
    %mul3A_204 = vector.broadcast %mul3A_203 : f32 to vector<16xf32>
    %mul3A_205 = arith.mulf %scan3A_79#7, %mul3A_204 : vector<16xf32>
    %add3A_206 = arith.addf %mul3A_205, %get3A_4 : vector<16xf32>
    %neg3A_207 = arith.constant 0.000000e+00 : f32
    %neg3A_208 = vector.broadcast %neg3A_207 : f32 to vector<16xf32>
    %neg3A_209 = arith.subf %neg3A_208, %add3A_206 : vector<16xf32>
    %exp3A_210 = math.exp %neg3A_209 : vector<16xf32>
    %add3A_211 = arith.constant 1.000000e+00 : f32
    %add3A_212 = vector.broadcast %add3A_211 : f32 to vector<16xf32>
    %add3A_213 = arith.addf %add3A_212, %exp3A_210 : vector<16xf32>
    %div3A_214 = arith.constant 1.000000e+00 : f32
    %div3A_215 = vector.broadcast %div3A_214 : f32 to vector<16xf32>
    %div3A_216 = arith.divf %div3A_215, %add3A_213 : vector<16xf32>
    %swap3A_217 = arith.constant 112 : index
    %swap3A_218 = tpu.vector_load %arg12[%swap3A_217] {strides = array<i32>} : memref<512xf32, #tpu.memory_space<vmem>>, vector<16xf32>,
    %swap3A_219 = vector.shape_cast %swap3A_218 : vector<16xf32> to vector<16xf32>
    %swap3A_220 = vector.shape_cast %div3A_216 : vector<16xf32> to vector<16xf32>
    tpu.vector_store %arg12[%swap3A_217], %swap3A_220 {strides = array<i32>} : memref<512xf32, #tpu.memory_space<vmem>>, vector<16xf32>,
    %mul3A_221 = arith.constant 5.000000e-03 : f32
    %mul3A_222 = vector.broadcast %mul3A_221 : f32 to vector<16xf32>
    %mul3A_223 = arith.mulf %scan3A_79#8, %mul3A_222 : vector<16xf32>
    %add3A_224 = arith.addf %mul3A_223, %get3A_4 : vector<16xf32>
    %neg3A_225 = arith.constant 0.000000e+00 : f32
    %neg3A_226 = vector.broadcast %neg3A_225 : f32 to vector<16xf32>
    %neg3A_227 = arith.subf %neg3A_226, %add3A_224 : vector<16xf32>
    %exp3A_228 = math.exp %neg3A_227 : vector<16xf32>
    %add3A_229 = arith.constant 1.000000e+00 : f32
    %add3A_230 = vector.broadcast %add3A_229 : f32 to vector<16xf32>
    %add3A_231 = arith.addf %add3A_230, %exp3A_228 : vector<16xf32>
    %div3A_232 = arith.constant 1.000000e+00 : f32
    %div3A_233 = vector.broadcast %div3A_232 : f32 to vector<16xf32>
    %div3A_234 = arith.divf %div3A_233, %add3A_231 : vector<16xf32>
    %swap3A_235 = arith.constant 128 : index
    %swap3A_236 = tpu.vector_load %arg12[%swap3A_235] {strides = array<i32>} : memref<512xf32, #tpu.memory_space<vmem>>, vector<16xf32>,
    %swap3A_237 = vector.shape_cast %swap3A_236 : vector<16xf32> to vector<16xf32>
    %swap3A_238 = vector.shape_cast %div3A_234 : vector<16xf32> to vector<16xf32>
    tpu.vector_store %arg12[%swap3A_235], %swap3A_238 {strides = array<i32>} : memref<512xf32, #tpu.memory_space<vmem>>, vector<16xf32>,
    %mul3A_239 = arith.constant 5.000000e-03 : f32
    %mul3A_240 = vector.broadcast %mul3A_239 : f32 to vector<16xf32>
    %mul3A_241 = arith.mulf %scan3A_79#9, %mul3A_240 : vector<16xf32>
    %add3A_242 = arith.addf %mul3A_241, %get3A_4 : vector<16xf32>
    %neg3A_243 = arith.constant 0.000000e+00 : f32
    %neg3A_244 = vector.broadcast %neg3A_243 : f32 to vector<16xf32>
    %neg3A_245 = arith.subf %neg3A_244, %add3A_242 : vector<16xf32>
    %exp3A_246 = math.exp %neg3A_245 : vector<16xf32>
    %add3A_247 = arith.constant 1.000000e+00 : f32
    %add3A_248 = vector.broadcast %add3A_247 : f32 to vector<16xf32>
    %add3A_249 = arith.addf %add3A_248, %exp3A_246 : vector<16xf32>
    %div3A_250 = arith.constant 1.000000e+00 : f32
    %div3A_251 = vector.broadcast %div3A_250 : f32 to vector<16xf32>
    %div3A_252 = arith.divf %div3A_251, %add3A_249 : vector<16xf32>
    %swap3A_253 = arith.constant 144 : index
    %swap3A_254 = tpu.vector_load %arg12[%swap3A_253] {strides = array<i32>} : memref<512xf32, #tpu.memory_space<vmem>>, vector<16xf32>,
    %swap3A_255 = vector.shape_cast %swap3A_254 : vector<16xf32> to vector<16xf32>
    %swap3A_256 = vector.shape_cast %div3A_252 : vector<16xf32> to vector<16xf32>
    tpu.vector_store %arg12[%swap3A_253], %swap3A_256 {strides = array<i32>} : memref<512xf32, #tpu.memory_space<vmem>>, vector<16xf32>,
    %mul3A_257 = arith.constant 5.000000e-03 : f32
    %mul3A_258 = vector.broadcast %mul3A_257 : f32 to vector<16xf32>
    %mul3A_259 = arith.mulf %scan3A_79#10, %mul3A_258 : vector<16xf32>
    %add3A_260 = arith.addf %mul3A_259, %get3A_4 : vector<16xf32>
    %neg3A_261 = arith.constant 0.000000e+00 : f32
    %neg3A_262 = vector.broadcast %neg3A_261 : f32 to vector<16xf32>
    %neg3A_263 = arith.subf %neg3A_262, %add3A_260 : vector<16xf32>
    %exp3A_264 = math.exp %neg3A_263 : vector<16xf32>
    %add3A_265 = arith.constant 1.000000e+00 : f32
    %add3A_266 = vector.broadcast %add3A_265 : f32 to vector<16xf32>
    %add3A_267 = arith.addf %add3A_266, %exp3A_264 : vector<16xf32>
    %div3A_268 = arith.constant 1.000000e+00 : f32
    %div3A_269 = vector.broadcast %div3A_268 : f32 to vector<16xf32>
    %div3A_270 = arith.divf %div3A_269, %add3A_267 : vector<16xf32>
    %swap3A_271 = arith.constant 160 : index
    %swap3A_272 = tpu.vector_load %arg12[%swap3A_271] {strides = array<i32>} : memref<512xf32, #tpu.memory_space<vmem>>, vector<16xf32>,
    %swap3A_273 = vector.shape_cast %swap3A_272 : vector<16xf32> to vector<16xf32>
    %swap3A_274 = vector.shape_cast %div3A_270 : vector<16xf32> to vector<16xf32>
    tpu.vector_store %arg12[%swap3A_271], %swap3A_274 {strides = array<i32>} : memref<512xf32, #tpu.memory_space<vmem>>, vector<16xf32>,
    %mul3A_275 = arith.constant 5.000000e-03 : f32
    %mul3A_276 = vector.broadcast %mul3A_275 : f32 to vector<16xf32>
    %mul3A_277 = arith.mulf %scan3A_79#11, %mul3A_276 : vector<16xf32>
    %add3A_278 = arith.addf %mul3A_277, %get3A_4 : vector<16xf32>
    %neg3A_279 = arith.constant 0.000000e+00 : f32
    %neg3A_280 = vector.broadcast %neg3A_279 : f32 to vector<16xf32>
    %neg3A_281 = arith.subf %neg3A_280, %add3A_278 : vector<16xf32>
    %exp3A_282 = math.exp %neg3A_281 : vector<16xf32>
    %add3A_283 = arith.constant 1.000000e+00 : f32
    %add3A_284 = vector.broadcast %add3A_283 : f32 to vector<16xf32>
    %add3A_285 = arith.addf %add3A_284, %exp3A_282 : vector<16xf32>
    %div3A_286 = arith.constant 1.000000e+00 : f32
    %div3A_287 = vector.broadcast %div3A_286 : f32 to vector<16xf32>
    %div3A_288 = arith.divf %div3A_287, %add3A_285 : vector<16xf32>
    %swap3A_289 = arith.constant 176 : index
    %swap3A_290 = tpu.vector_load %arg12[%swap3A_289] {strides = array<i32>} : memref<512xf32, #tpu.memory_space<vmem>>, vector<16xf32>,
    %swap3A_291 = vector.shape_cast %swap3A_290 : vector<16xf32> to vector<16xf32>
    %swap3A_292 = vector.shape_cast %div3A_288 : vector<16xf32> to vector<16xf32>
    tpu.vector_store %arg12[%swap3A_289], %swap3A_292 {strides = array<i32>} : memref<512xf32, #tpu.memory_space<vmem>>, vector<16xf32>,
    %mul3A_293 = arith.constant 5.000000e-03 : f32
    %mul3A_294 = vector.broadcast %mul3A_293 : f32 to vector<16xf32>
    %mul3A_295 = arith.mulf %scan3A_79#12, %mul3A_294 : vector<16xf32>
    %add3A_296 = arith.addf %mul3A_295, %get3A_4 : vector<16xf32>
    %neg3A_297 = arith.constant 0.000000e+00 : f32
    %neg3A_298 = vector.broadcast %neg3A_297 : f32 to vector<16xf32>
    %neg3A_299 = arith.subf %neg3A_298, %add3A_296 : vector<16xf32>
    %exp3A_300 = math.exp %neg3A_299 : vector<16xf32>
    %add3A_301 = arith.constant 1.000000e+00 : f32
    %add3A_302 = vector.broadcast %add3A_301 : f32 to vector<16xf32>
    %add3A_303 = arith.addf %add3A_302, %exp3A_300 : vector<16xf32>
    %div3A_304 = arith.constant 1.000000e+00 : f32
    %div3A_305 = vector.broadcast %div3A_304 : f32 to vector<16xf32>
    %div3A_306 = arith.divf %div3A_305, %add3A_303 : vector<16xf32>
    %swap3A_307 = arith.constant 192 : index
    %swap3A_308 = tpu.vector_load %arg12[%swap3A_307] {strides = array<i32>} : memref<512xf32, #tpu.memory_space<vmem>>, vector<16xf32>,
    %swap3A_309 = vector.shape_cast %swap3A_308 : vector<16xf32> to vector<16xf32>
    %swap3A_310 = vector.shape_cast %div3A_306 : vector<16xf32> to vector<16xf32>
    tpu.vector_store %arg12[%swap3A_307], %swap3A_310 {strides = array<i32>} : memref<512xf32, #tpu.memory_space<vmem>>, vector<16xf32>,
    %mul3A_311 = arith.constant 5.000000e-03 : f32
    %mul3A_312 = vector.broadcast %mul3A_311 : f32 to vector<16xf32>
    %mul3A_313 = arith.mulf %scan3A_79#13, %mul3A_312 : vector<16xf32>
    %add3A_314 = arith.addf %mul3A_313, %get3A_4 : vector<16xf32>
    %neg3A_315 = arith.constant 0.000000e+00 : f32
    %neg3A_316 = vector.broadcast %neg3A_315 : f32 to vector<16xf32>
    %neg3A_317 = arith.subf %neg3A_316, %add3A_314 : vector<16xf32>
    %exp3A_318 = math.exp %neg3A_317 : vector<16xf32>
    %add3A_319 = arith.constant 1.000000e+00 : f32
    %add3A_320 = vector.broadcast %add3A_319 : f32 to vector<16xf32>
    %add3A_321 = arith.addf %add3A_320, %exp3A_318 : vector<16xf32>
    %div3A_322 = arith.constant 1.000000e+00 : f32
    %div3A_323 = vector.broadcast %div3A_322 : f32 to vector<16xf32>
    %div3A_324 = arith.divf %div3A_323, %add3A_321 : vector<16xf32>
    %swap3A_325 = arith.constant 208 : index
    %swap3A_326 = tpu.vector_load %arg12[%swap3A_325] {strides = array<i32>} : memref<512xf32, #tpu.memory_space<vmem>>, vector<16xf32>,
    %swap3A_327 = vector.shape_cast %swap3A_326 : vector<16xf32> to vector<16xf32>
    %swap3A_328 = vector.shape_cast %div3A_324 : vector<16xf32> to vector<16xf32>
    tpu.vector_store %arg12[%swap3A_325], %swap3A_328 {strides = array<i32>} : memref<512xf32, #tpu.memory_space<vmem>>, vector<16xf32>,
    %mul3A_329 = arith.constant 5.000000e-03 : f32
    %mul3A_330 = vector.broadcast %mul3A_329 : f32 to vector<16xf32>
    %mul3A_331 = arith.mulf %scan3A_79#14, %mul3A_330 : vector<16xf32>
    %add3A_332 = arith.addf %mul3A_331, %get3A_4 : vector<16xf32>
    %neg3A_333 = arith.constant 0.000000e+00 : f32
    %neg3A_334 = vector.broadcast %neg3A_333 : f32 to vector<16xf32>
    %neg3A_335 = arith.subf %neg3A_334, %add3A_332 : vector<16xf32>
    %exp3A_336 = math.exp %neg3A_335 : vector<16xf32>
    %add3A_337 = arith.constant 1.000000e+00 : f32
    %add3A_338 = vector.broadcast %add3A_337 : f32 to vector<16xf32>
    %add3A_339 = arith.addf %add3A_338, %exp3A_336 : vector<16xf32>
    %div3A_340 = arith.constant 1.000000e+00 : f32
    %div3A_341 = vector.broadcast %div3A_340 : f32 to vector<16xf32>
    %div3A_342 = arith.divf %div3A_341, %add3A_339 : vector<16xf32>
    %swap3A_343 = arith.constant 224 : index
    %swap3A_344 = tpu.vector_load %arg12[%swap3A_343] {strides = array<i32>} : memref<512xf32, #tpu.memory_space<vmem>>, vector<16xf32>,
    %swap3A_345 = vector.shape_cast %swap3A_344 : vector<16xf32> to vector<16xf32>
    %swap3A_346 = vector.shape_cast %div3A_342 : vector<16xf32> to vector<16xf32>
    tpu.vector_store %arg12[%swap3A_343], %swap3A_346 {strides = array<i32>} : memref<512xf32, #tpu.memory_space<vmem>>, vector<16xf32>,
    %mul3A_347 = arith.constant 5.000000e-03 : f32
    %mul3A_348 = vector.broadcast %mul3A_347 : f32 to vector<16xf32>
    %mul3A_349 = arith.mulf %scan3A_79#15, %mul3A_348 : vector<16xf32>
    %add3A_350 = arith.addf %mul3A_349, %get3A_4 : vector<16xf32>
    %neg3A_351 = arith.constant 0.000000e+00 : f32
    %neg3A_352 = vector.broadcast %neg3A_351 : f32 to vector<16xf32>
    %neg3A_353 = arith.subf %neg3A_352, %add3A_350 : vector<16xf32>
    %exp3A_354 = math.exp %neg3A_353 : vector<16xf32>
    %add3A_355 = arith.constant 1.000000e+00 : f32
    %add3A_356 = vector.broadcast %add3A_355 : f32 to vector<16xf32>
    %add3A_357 = arith.addf %add3A_356, %exp3A_354 : vector<16xf32>
    %div3A_358 = arith.constant 1.000000e+00 : f32
    %div3A_359 = vector.broadcast %div3A_358 : f32 to vector<16xf32>
    %div3A_360 = arith.divf %div3A_359, %add3A_357 : vector<16xf32>
    %swap3A_361 = arith.constant 240 : index
    %swap3A_362 = tpu.vector_load %arg12[%swap3A_361] {strides = array<i32>} : memref<512xf32, #tpu.memory_space<vmem>>, vector<16xf32>,
    %swap3A_363 = vector.shape_cast %swap3A_362 : vector<16xf32> to vector<16xf32>
    %swap3A_364 = vector.shape_cast %div3A_360 : vector<16xf32> to vector<16xf32>
    tpu.vector_store %arg12[%swap3A_361], %swap3A_364 {strides = array<i32>} : memref<512xf32, #tpu.memory_space<vmem>>, vector<16xf32>,
    %mul3A_365 = arith.constant 5.000000e-03 : f32
    %mul3A_366 = vector.broadcast %mul3A_365 : f32 to vector<16xf32>
    %mul3A_367 = arith.mulf %scan3A_79#16, %mul3A_366 : vector<16xf32>
    %add3A_368 = arith.addf %mul3A_367, %get3A_4 : vector<16xf32>
    %neg3A_369 = arith.constant 0.000000e+00 : f32
    %neg3A_370 = vector.broadcast %neg3A_369 : f32 to vector<16xf32>
    %neg3A_371 = arith.subf %neg3A_370, %add3A_368 : vector<16xf32>
    %exp3A_372 = math.exp %neg3A_371 : vector<16xf32>
    %add3A_373 = arith.constant 1.000000e+00 : f32
    %add3A_374 = vector.broadcast %add3A_373 : f32 to vector<16xf32>
    %add3A_375 = arith.addf %add3A_374, %exp3A_372 : vector<16xf32>
    %div3A_376 = arith.constant 1.000000e+00 : f32
    %div3A_377 = vector.broadcast %div3A_376 : f32 to vector<16xf32>
    %div3A_378 = arith.divf %div3A_377, %add3A_375 : vector<16xf32>
    %swap3A_379 = arith.constant 256 : index
    %swap3A_380 = tpu.vector_load %arg12[%swap3A_379] {strides = array<i32>} : memref<512xf32, #tpu.memory_space<vmem>>, vector<16xf32>,
    %swap3A_381 = vector.shape_cast %swap3A_380 : vector<16xf32> to vector<16xf32>
    %swap3A_382 = vector.shape_cast %div3A_378 : vector<16xf32> to vector<16xf32>
    tpu.vector_store %arg12[%swap3A_379], %swap3A_382 {strides = array<i32>} : memref<512xf32, #tpu.memory_space<vmem>>, vector<16xf32>,
    %mul3A_383 = arith.constant 5.000000e-03 : f32
    %mul3A_384 = vector.broadcast %mul3A_383 : f32 to vector<16xf32>
    %mul3A_385 = arith.mulf %scan3A_79#17, %mul3A_384 : vector<16xf32>
    %add3A_386 = arith.addf %mul3A_385, %get3A_4 : vector<16xf32>
    %neg3A_387 = arith.constant 0.000000e+00 : f32
    %neg3A_388 = vector.broadcast %neg3A_387 : f32 to vector<16xf32>
    %neg3A_389 = arith.subf %neg3A_388, %add3A_386 : vector<16xf32>
    %exp3A_390 = math.exp %neg3A_389 : vector<16xf32>
    %add3A_391 = arith.constant 1.000000e+00 : f32
    %add3A_392 = vector.broadcast %add3A_391 : f32 to vector<16xf32>
    %add3A_393 = arith.addf %add3A_392, %exp3A_390 : vector<16xf32>
    %div3A_394 = arith.constant 1.000000e+00 : f32
    %div3A_395 = vector.broadcast %div3A_394 : f32 to vector<16xf32>
    %div3A_396 = arith.divf %div3A_395, %add3A_393 : vector<16xf32>
    %swap3A_397 = arith.constant 272 : index
    %swap3A_398 = tpu.vector_load %arg12[%swap3A_397] {strides = array<i32>} : memref<512xf32, #tpu.memory_space<vmem>>, vector<16xf32>,
    %swap3A_399 = vector.shape_cast %swap3A_398 : vector<16xf32> to vector<16xf32>
    %swap3A_400 = vector.shape_cast %div3A_396 : vector<16xf32> to vector<16xf32>
    tpu.vector_store %arg12[%swap3A_397], %swap3A_400 {strides = array<i32>} : memref<512xf32, #tpu.memory_space<vmem>>, vector<16xf32>,
    %mul3A_401 = arith.constant 5.000000e-03 : f32
    %mul3A_402 = vector.broadcast %mul3A_401 : f32 to vector<16xf32>
    %mul3A_403 = arith.mulf %scan3A_79#18, %mul3A_402 : vector<16xf32>
    %add3A_404 = arith.addf %mul3A_403, %get3A_4 : vector<16xf32>
    %neg3A_405 = arith.constant 0.000000e+00 : f32
    %neg3A_406 = vector.broadcast %neg3A_405 : f32 to vector<16xf32>
    %neg3A_407 = arith.subf %neg3A_406, %add3A_404 : vector<16xf32>
    %exp3A_408 = math.exp %neg3A_407 : vector<16xf32>
    %add3A_409 = arith.constant 1.000000e+00 : f32
    %add3A_410 = vector.broadcast %add3A_409 : f32 to vector<16xf32>
    %add3A_411 = arith.addf %add3A_410, %exp3A_408 : vector<16xf32>
    %div3A_412 = arith.constant 1.000000e+00 : f32
    %div3A_413 = vector.broadcast %div3A_412 : f32 to vector<16xf32>
    %div3A_414 = arith.divf %div3A_413, %add3A_411 : vector<16xf32>
    %swap3A_415 = arith.constant 288 : index
    %swap3A_416 = tpu.vector_load %arg12[%swap3A_415] {strides = array<i32>} : memref<512xf32, #tpu.memory_space<vmem>>, vector<16xf32>,
    %swap3A_417 = vector.shape_cast %swap3A_416 : vector<16xf32> to vector<16xf32>
    %swap3A_418 = vector.shape_cast %div3A_414 : vector<16xf32> to vector<16xf32>
    tpu.vector_store %arg12[%swap3A_415], %swap3A_418 {strides = array<i32>} : memref<512xf32, #tpu.memory_space<vmem>>, vector<16xf32>,
    %mul3A_419 = arith.constant 5.000000e-03 : f32
    %mul3A_420 = vector.broadcast %mul3A_419 : f32 to vector<16xf32>
    %mul3A_421 = arith.mulf %scan3A_79#19, %mul3A_420 : vector<16xf32>
    %add3A_422 = arith.addf %mul3A_421, %get3A_4 : vector<16xf32>
    %neg3A_423 = arith.constant 0.000000e+00 : f32
    %neg3A_424 = vector.broadcast %neg3A_423 : f32 to vector<16xf32>
    %neg3A_425 = arith.subf %neg3A_424, %add3A_422 : vector<16xf32>
    %exp3A_426 = math.exp %neg3A_425 : vector<16xf32>
    %add3A_427 = arith.constant 1.000000e+00 : f32
    %add3A_428 = vector.broadcast %add3A_427 : f32 to vector<16xf32>
    %add3A_429 = arith.addf %add3A_428, %exp3A_426 : vector<16xf32>
    %div3A_430 = arith.constant 1.000000e+00 : f32
    %div3A_431 = vector.broadcast %div3A_430 : f32 to vector<16xf32>
    %div3A_432 = arith.divf %div3A_431, %add3A_429 : vector<16xf32>
    %swap3A_433 = arith.constant 304 : index
    %swap3A_434 = tpu.vector_load %arg12[%swap3A_433] {strides = array<i32>} : memref<512xf32, #tpu.memory_space<vmem>>, vector<16xf32>,
    %swap3A_435 = vector.shape_cast %swap3A_434 : vector<16xf32> to vector<16xf32>
    %swap3A_436 = vector.shape_cast %div3A_432 : vector<16xf32> to vector<16xf32>
    tpu.vector_store %arg12[%swap3A_433], %swap3A_436 {strides = array<i32>} : memref<512xf32, #tpu.memory_space<vmem>>, vector<16xf32>,
    %mul3A_437 = arith.constant 5.000000e-03 : f32
    %mul3A_438 = vector.broadcast %mul3A_437 : f32 to vector<16xf32>
    %mul3A_439 = arith.mulf %scan3A_79#20, %mul3A_438 : vector<16xf32>
    %add3A_440 = arith.addf %mul3A_439, %get3A_4 : vector<16xf32>
    %neg3A_441 = arith.constant 0.000000e+00 : f32
    %neg3A_442 = vector.broadcast %neg3A_441 : f32 to vector<16xf32>
    %neg3A_443 = arith.subf %neg3A_442, %add3A_440 : vector<16xf32>
    %exp3A_444 = math.exp %neg3A_443 : vector<16xf32>
    %add3A_445 = arith.constant 1.000000e+00 : f32
    %add3A_446 = vector.broadcast %add3A_445 : f32 to vector<16xf32>
    %add3A_447 = arith.addf %add3A_446, %exp3A_444 : vector<16xf32>
    %div3A_448 = arith.constant 1.000000e+00 : f32
    %div3A_449 = vector.broadcast %div3A_448 : f32 to vector<16xf32>
    %div3A_450 = arith.divf %div3A_449, %add3A_447 : vector<16xf32>
    %swap3A_451 = arith.constant 320 : index
    %swap3A_452 = tpu.vector_load %arg12[%swap3A_451] {strides = array<i32>} : memref<512xf32, #tpu.memory_space<vmem>>, vector<16xf32>,
    %swap3A_453 = vector.shape_cast %swap3A_452 : vector<16xf32> to vector<16xf32>
    %swap3A_454 = vector.shape_cast %div3A_450 : vector<16xf32> to vector<16xf32>
    tpu.vector_store %arg12[%swap3A_451], %swap3A_454 {strides = array<i32>} : memref<512xf32, #tpu.memory_space<vmem>>, vector<16xf32>,
    %mul3A_455 = arith.constant 5.000000e-03 : f32
    %mul3A_456 = vector.broadcast %mul3A_455 : f32 to vector<16xf32>
    %mul3A_457 = arith.mulf %scan3A_79#21, %mul3A_456 : vector<16xf32>
    %add3A_458 = arith.addf %mul3A_457, %get3A_4 : vector<16xf32>
    %neg3A_459 = arith.constant 0.000000e+00 : f32
    %neg3A_460 = vector.broadcast %neg3A_459 : f32 to vector<16xf32>
    %neg3A_461 = arith.subf %neg3A_460, %add3A_458 : vector<16xf32>
    %exp3A_462 = math.exp %neg3A_461 : vector<16xf32>
    %add3A_463 = arith.constant 1.000000e+00 : f32
    %add3A_464 = vector.broadcast %add3A_463 : f32 to vector<16xf32>
    %add3A_465 = arith.addf %add3A_464, %exp3A_462 : vector<16xf32>
    %div3A_466 = arith.constant 1.000000e+00 : f32
    %div3A_467 = vector.broadcast %div3A_466 : f32 to vector<16xf32>
    %div3A_468 = arith.divf %div3A_467, %add3A_465 : vector<16xf32>
    %swap3A_469 = arith.constant 336 : index
    %swap3A_470 = tpu.vector_load %arg12[%swap3A_469] {strides = array<i32>} : memref<512xf32, #tpu.memory_space<vmem>>, vector<16xf32>,
    %swap3A_471 = vector.shape_cast %swap3A_470 : vector<16xf32> to vector<16xf32>
    %swap3A_472 = vector.shape_cast %div3A_468 : vector<16xf32> to vector<16xf32>
    tpu.vector_store %arg12[%swap3A_469], %swap3A_472 {strides = array<i32>} : memref<512xf32, #tpu.memory_space<vmem>>, vector<16xf32>,
    %mul3A_473 = arith.constant 5.000000e-03 : f32
    %mul3A_474 = vector.broadcast %mul3A_473 : f32 to vector<16xf32>
    %mul3A_475 = arith.mulf %scan3A_79#22, %mul3A_474 : vector<16xf32>
    %add3A_476 = arith.addf %mul3A_475, %get3A_4 : vector<16xf32>
    %neg3A_477 = arith.constant 0.000000e+00 : f32
    %neg3A_478 = vector.broadcast %neg3A_477 : f32 to vector<16xf32>
    %neg3A_479 = arith.subf %neg3A_478, %add3A_476 : vector<16xf32>
    %exp3A_480 = math.exp %neg3A_479 : vector<16xf32>
    %add3A_481 = arith.constant 1.000000e+00 : f32
    %add3A_482 = vector.broadcast %add3A_481 : f32 to vector<16xf32>
    %add3A_483 = arith.addf %add3A_482, %exp3A_480 : vector<16xf32>
    %div3A_484 = arith.constant 1.000000e+00 : f32
    %div3A_485 = vector.broadcast %div3A_484 : f32 to vector<16xf32>
    %div3A_486 = arith.divf %div3A_485, %add3A_483 : vector<16xf32>
    %swap3A_487 = arith.constant 352 : index
    %swap3A_488 = tpu.vector_load %arg12[%swap3A_487] {strides = array<i32>} : memref<512xf32, #tpu.memory_space<vmem>>, vector<16xf32>,
    %swap3A_489 = vector.shape_cast %swap3A_488 : vector<16xf32> to vector<16xf32>
    %swap3A_490 = vector.shape_cast %div3A_486 : vector<16xf32> to vector<16xf32>
    tpu.vector_store %arg12[%swap3A_487], %swap3A_490 {strides = array<i32>} : memref<512xf32, #tpu.memory_space<vmem>>, vector<16xf32>,
    %mul3A_491 = arith.constant 5.000000e-03 : f32
    %mul3A_492 = vector.broadcast %mul3A_491 : f32 to vector<16xf32>
    %mul3A_493 = arith.mulf %scan3A_79#23, %mul3A_492 : vector<16xf32>
    %add3A_494 = arith.addf %mul3A_493, %get3A_4 : vector<16xf32>
    %neg3A_495 = arith.constant 0.000000e+00 : f32
    %neg3A_496 = vector.broadcast %neg3A_495 : f32 to vector<16xf32>
    %neg3A_497 = arith.subf %neg3A_496, %add3A_494 : vector<16xf32>
    %exp3A_498 = math.exp %neg3A_497 : vector<16xf32>
    %add3A_499 = arith.constant 1.000000e+00 : f32
    %add3A_500 = vector.broadcast %add3A_499 : f32 to vector<16xf32>
    %add3A_501 = arith.addf %add3A_500, %exp3A_498 : vector<16xf32>
    %div3A_502 = arith.constant 1.000000e+00 : f32
    %div3A_503 = vector.broadcast %div3A_502 : f32 to vector<16xf32>
    %div3A_504 = arith.divf %div3A_503, %add3A_501 : vector<16xf32>
    %swap3A_505 = arith.constant 368 : index
    %swap3A_506 = tpu.vector_load %arg12[%swap3A_505] {strides = array<i32>} : memref<512xf32, #tpu.memory_space<vmem>>, vector<16xf32>,
    %swap3A_507 = vector.shape_cast %swap3A_506 : vector<16xf32> to vector<16xf32>
    %swap3A_508 = vector.shape_cast %div3A_504 : vector<16xf32> to vector<16xf32>
    tpu.vector_store %arg12[%swap3A_505], %swap3A_508 {strides = array<i32>} : memref<512xf32, #tpu.memory_space<vmem>>, vector<16xf32>,
    %mul3A_509 = arith.constant 5.000000e-03 : f32
    %mul3A_510 = vector.broadcast %mul3A_509 : f32 to vector<16xf32>
    %mul3A_511 = arith.mulf %scan3A_79#24, %mul3A_510 : vector<16xf32>
    %add3A_512 = arith.addf %mul3A_511, %get3A_4 : vector<16xf32>
    %neg3A_513 = arith.constant 0.000000e+00 : f32
    %neg3A_514 = vector.broadcast %neg3A_513 : f32 to vector<16xf32>
    %neg3A_515 = arith.subf %neg3A_514, %add3A_512 : vector<16xf32>
    %exp3A_516 = math.exp %neg3A_515 : vector<16xf32>
    %add3A_517 = arith.constant 1.000000e+00 : f32
    %add3A_518 = vector.broadcast %add3A_517 : f32 to vector<16xf32>
    %add3A_519 = arith.addf %add3A_518, %exp3A_516 : vector<16xf32>
    %div3A_520 = arith.constant 1.000000e+00 : f32
    %div3A_521 = vector.broadcast %div3A_520 : f32 to vector<16xf32>
    %div3A_522 = arith.divf %div3A_521, %add3A_519 : vector<16xf32>
    %swap3A_523 = arith.constant 384 : index
    %swap3A_524 = tpu.vector_load %arg12[%swap3A_523] {strides = array<i32>} : memref<512xf32, #tpu.memory_space<vmem>>, vector<16xf32>,
    %swap3A_525 = vector.shape_cast %swap3A_524 : vector<16xf32> to vector<16xf32>
    %swap3A_526 = vector.shape_cast %div3A_522 : vector<16xf32> to vector<16xf32>
    tpu.vector_store %arg12[%swap3A_523], %swap3A_526 {strides = array<i32>} : memref<512xf32, #tpu.memory_space<vmem>>, vector<16xf32>,
    %mul3A_527 = arith.constant 5.000000e-03 : f32
    %mul3A_528 = vector.broadcast %mul3A_527 : f32 to vector<16xf32>
    %mul3A_529 = arith.mulf %scan3A_79#25, %mul3A_528 : vector<16xf32>
    %add3A_530 = arith.addf %mul3A_529, %get3A_4 : vector<16xf32>
    %neg3A_531 = arith.constant 0.000000e+00 : f32
    %neg3A_532 = vector.broadcast %neg3A_531 : f32 to vector<16xf32>
    %neg3A_533 = arith.subf %neg3A_532, %add3A_530 : vector<16xf32>
    %exp3A_534 = math.exp %neg3A_533 : vector<16xf32>
    %add3A_535 = arith.constant 1.000000e+00 : f32
    %add3A_536 = vector.broadcast %add3A_535 : f32 to vector<16xf32>
    %add3A_537 = arith.addf %add3A_536, %exp3A_534 : vector<16xf32>
    %div3A_538 = arith.constant 1.000000e+00 : f32
    %div3A_539 = vector.broadcast %div3A_538 : f32 to vector<16xf32>
    %div3A_540 = arith.divf %div3A_539, %add3A_537 : vector<16xf32>
    %swap3A_541 = arith.constant 400 : index
    %swap3A_542 = tpu.vector_load %arg12[%swap3A_541] {strides = array<i32>} : memref<512xf32, #tpu.memory_space<vmem>>, vector<16xf32>,
    %swap3A_543 = vector.shape_cast %swap3A_542 : vector<16xf32> to vector<16xf32>
    %swap3A_544 = vector.shape_cast %div3A_540 : vector<16xf32> to vector<16xf32>
    tpu.vector_store %arg12[%swap3A_541], %swap3A_544 {strides = array<i32>} : memref<512xf32, #tpu.memory_space<vmem>>, vector<16xf32>,
    %mul3A_545 = arith.constant 5.000000e-03 : f32
    %mul3A_546 = vector.broadcast %mul3A_545 : f32 to vector<16xf32>
    %mul3A_547 = arith.mulf %scan3A_79#26, %mul3A_546 : vector<16xf32>
    %add3A_548 = arith.addf %mul3A_547, %get3A_4 : vector<16xf32>
    %neg3A_549 = arith.constant 0.000000e+00 : f32
    %neg3A_550 = vector.broadcast %neg3A_549 : f32 to vector<16xf32>
    %neg3A_551 = arith.subf %neg3A_550, %add3A_548 : vector<16xf32>
    %exp3A_552 = math.exp %neg3A_551 : vector<16xf32>
    %add3A_553 = arith.constant 1.000000e+00 : f32
    %add3A_554 = vector.broadcast %add3A_553 : f32 to vector<16xf32>
    %add3A_555 = arith.addf %add3A_554, %exp3A_552 : vector<16xf32>
    %div3A_556 = arith.constant 1.000000e+00 : f32
    %div3A_557 = vector.broadcast %div3A_556 : f32 to vector<16xf32>
    %div3A_558 = arith.divf %div3A_557, %add3A_555 : vector<16xf32>
    %swap3A_559 = arith.constant 416 : index
    %swap3A_560 = tpu.vector_load %arg12[%swap3A_559] {strides = array<i32>} : memref<512xf32, #tpu.memory_space<vmem>>, vector<16xf32>,
    %swap3A_561 = vector.shape_cast %swap3A_560 : vector<16xf32> to vector<16xf32>
    %swap3A_562 = vector.shape_cast %div3A_558 : vector<16xf32> to vector<16xf32>
    tpu.vector_store %arg12[%swap3A_559], %swap3A_562 {strides = array<i32>} : memref<512xf32, #tpu.memory_space<vmem>>, vector<16xf32>,
    %mul3A_563 = arith.constant 5.000000e-03 : f32
    %mul3A_564 = vector.broadcast %mul3A_563 : f32 to vector<16xf32>
    %mul3A_565 = arith.mulf %scan3A_79#27, %mul3A_564 : vector<16xf32>
    %add3A_566 = arith.addf %mul3A_565, %get3A_4 : vector<16xf32>
    %neg3A_567 = arith.constant 0.000000e+00 : f32
    %neg3A_568 = vector.broadcast %neg3A_567 : f32 to vector<16xf32>
    %neg3A_569 = arith.subf %neg3A_568, %add3A_566 : vector<16xf32>
    %exp3A_570 = math.exp %neg3A_569 : vector<16xf32>
    %add3A_571 = arith.constant 1.000000e+00 : f32
    %add3A_572 = vector.broadcast %add3A_571 : f32 to vector<16xf32>
    %add3A_573 = arith.addf %add3A_572, %exp3A_570 : vector<16xf32>
    %div3A_574 = arith.constant 1.000000e+00 : f32
    %div3A_575 = vector.broadcast %div3A_574 : f32 to vector<16xf32>
    %div3A_576 = arith.divf %div3A_575, %add3A_573 : vector<16xf32>
    %swap3A_577 = arith.constant 432 : index
    %swap3A_578 = tpu.vector_load %arg12[%swap3A_577] {strides = array<i32>} : memref<512xf32, #tpu.memory_space<vmem>>, vector<16xf32>,
    %swap3A_579 = vector.shape_cast %swap3A_578 : vector<16xf32> to vector<16xf32>
    %swap3A_580 = vector.shape_cast %div3A_576 : vector<16xf32> to vector<16xf32>
    tpu.vector_store %arg12[%swap3A_577], %swap3A_580 {strides = array<i32>} : memref<512xf32, #tpu.memory_space<vmem>>, vector<16xf32>,
    %mul3A_581 = arith.constant 5.000000e-03 : f32
    %mul3A_582 = vector.broadcast %mul3A_581 : f32 to vector<16xf32>
    %mul3A_583 = arith.mulf %scan3A_79#28, %mul3A_582 : vector<16xf32>
    %add3A_584 = arith.addf %mul3A_583, %get3A_4 : vector<16xf32>
    %neg3A_585 = arith.constant 0.000000e+00 : f32
    %neg3A_586 = vector.broadcast %neg3A_585 : f32 to vector<16xf32>
    %neg3A_587 = arith.subf %neg3A_586, %add3A_584 : vector<16xf32>
    %exp3A_588 = math.exp %neg3A_587 : vector<16xf32>
    %add3A_589 = arith.constant 1.000000e+00 : f32
    %add3A_590 = vector.broadcast %add3A_589 : f32 to vector<16xf32>
    %add3A_591 = arith.addf %add3A_590, %exp3A_588 : vector<16xf32>
    %div3A_592 = arith.constant 1.000000e+00 : f32
    %div3A_593 = vector.broadcast %div3A_592 : f32 to vector<16xf32>
    %div3A_594 = arith.divf %div3A_593, %add3A_591 : vector<16xf32>
    %swap3A_595 = arith.constant 448 : index
    %swap3A_596 = tpu.vector_load %arg12[%swap3A_595] {strides = array<i32>} : memref<512xf32, #tpu.memory_space<vmem>>, vector<16xf32>,
    %swap3A_597 = vector.shape_cast %swap3A_596 : vector<16xf32> to vector<16xf32>
    %swap3A_598 = vector.shape_cast %div3A_594 : vector<16xf32> to vector<16xf32>
    tpu.vector_store %arg12[%swap3A_595], %swap3A_598 {strides = array<i32>} : memref<512xf32, #tpu.memory_space<vmem>>, vector<16xf32>,
    %mul3A_599 = arith.constant 5.000000e-03 : f32
    %mul3A_600 = vector.broadcast %mul3A_599 : f32 to vector<16xf32>
    %mul3A_601 = arith.mulf %scan3A_79#29, %mul3A_600 : vector<16xf32>
    %add3A_602 = arith.addf %mul3A_601, %get3A_4 : vector<16xf32>
    %neg3A_603 = arith.constant 0.000000e+00 : f32
    %neg3A_604 = vector.broadcast %neg3A_603 : f32 to vector<16xf32>
    %neg3A_605 = arith.subf %neg3A_604, %add3A_602 : vector<16xf32>
    %exp3A_606 = math.exp %neg3A_605 : vector<16xf32>
    %add3A_607 = arith.constant 1.000000e+00 : f32
    %add3A_608 = vector.broadcast %add3A_607 : f32 to vector<16xf32>
    %add3A_609 = arith.addf %add3A_608, %exp3A_606 : vector<16xf32>
    %div3A_610 = arith.constant 1.000000e+00 : f32
    %div3A_611 = vector.broadcast %div3A_610 : f32 to vector<16xf32>
    %div3A_612 = arith.divf %div3A_611, %add3A_609 : vector<16xf32>
    %swap3A_613 = arith.constant 464 : index
    %swap3A_614 = tpu.vector_load %arg12[%swap3A_613] {strides = array<i32>} : memref<512xf32, #tpu.memory_space<vmem>>, vector<16xf32>,
    %swap3A_615 = vector.shape_cast %swap3A_614 : vector<16xf32> to vector<16xf32>
    %swap3A_616 = vector.shape_cast %div3A_612 : vector<16xf32> to vector<16xf32>
    tpu.vector_store %arg12[%swap3A_613], %swap3A_616 {strides = array<i32>} : memref<512xf32, #tpu.memory_space<vmem>>, vector<16xf32>,
    %mul3A_617 = arith.constant 5.000000e-03 : f32
    %mul3A_618 = vector.broadcast %mul3A_617 : f32 to vector<16xf32>
    %mul3A_619 = arith.mulf %scan3A_79#30, %mul3A_618 : vector<16xf32>
    %add3A_620 = arith.addf %mul3A_619, %get3A_4 : vector<16xf32>
    %neg3A_621 = arith.constant 0.000000e+00 : f32
    %neg3A_622 = vector.broadcast %neg3A_621 : f32 to vector<16xf32>
    %neg3A_623 = arith.subf %neg3A_622, %add3A_620 : vector<16xf32>
    %exp3A_624 = math.exp %neg3A_623 : vector<16xf32>
    %add3A_625 = arith.constant 1.000000e+00 : f32
    %add3A_626 = vector.broadcast %add3A_625 : f32 to vector<16xf32>
    %add3A_627 = arith.addf %add3A_626, %exp3A_624 : vector<16xf32>
    %div3A_628 = arith.constant 1.000000e+00 : f32
    %div3A_629 = vector.broadcast %div3A_628 : f32 to vector<16xf32>
    %div3A_630 = arith.divf %div3A_629, %add3A_627 : vector<16xf32>
    %swap3A_631 = arith.constant 480 : index
    %swap3A_632 = tpu.vector_load %arg12[%swap3A_631] {strides = array<i32>} : memref<512xf32, #tpu.memory_space<vmem>>, vector<16xf32>,
    %swap3A_633 = vector.shape_cast %swap3A_632 : vector<16xf32> to vector<16xf32>
    %swap3A_634 = vector.shape_cast %div3A_630 : vector<16xf32> to vector<16xf32>
    tpu.vector_store %arg12[%swap3A_631], %swap3A_634 {strides = array<i32>} : memref<512xf32, #tpu.memory_space<vmem>>, vector<16xf32>,
    %mul3A_635 = arith.constant 5.000000e-03 : f32
    %mul3A_636 = vector.broadcast %mul3A_635 : f32 to vector<16xf32>
    %mul3A_637 = arith.mulf %scan3A_79#31, %mul3A_636 : vector<16xf32>
    %add3A_638 = arith.addf %mul3A_637, %get3A_4 : vector<16xf32>
    %neg3A_639 = arith.constant 0.000000e+00 : f32
    %neg3A_640 = vector.broadcast %neg3A_639 : f32 to vector<16xf32>
    %neg3A_641 = arith.subf %neg3A_640, %add3A_638 : vector<16xf32>
    %exp3A_642 = math.exp %neg3A_641 : vector<16xf32>
    %add3A_643 = arith.constant 1.000000e+00 : f32
    %add3A_644 = vector.broadcast %add3A_643 : f32 to vector<16xf32>
    %add3A_645 = arith.addf %add3A_644, %exp3A_642 : vector<16xf32>
    %div3A_646 = arith.constant 1.000000e+00 : f32
    %div3A_647 = vector.broadcast %div3A_646 : f32 to vector<16xf32>
    %div3A_648 = arith.divf %div3A_647, %add3A_645 : vector<16xf32>
    %swap3A_649 = arith.constant 496 : index
    %swap3A_650 = tpu.vector_load %arg12[%swap3A_649] {strides = array<i32>} : memref<512xf32, #tpu.memory_space<vmem>>, vector<16xf32>,
    %swap3A_651 = vector.shape_cast %swap3A_650 : vector<16xf32> to vector<16xf32>
    %swap3A_652 = vector.shape_cast %div3A_648 : vector<16xf32> to vector<16xf32>
    tpu.vector_store %arg12[%swap3A_649], %swap3A_652 {strides = array<i32>} : memref<512xf32, #tpu.memory_space<vmem>>, vector<16xf32>,
    "tpu.region"() ({
      %run_scoped3A = tpu.sem_alloc : memref<!tpu.dma_semaphore, #tpu.memory_space<semaphore_mem>>
      %dma_start3A_653 = tpu.memref_slice %arg5[%mul3A_2] : memref<16384xf32, #tpu.memory_space<hbm>> -> memref<512xf32, #tpu.memory_space<hbm>>
      %dma_start3A_654 = tpu.memref_slice %arg5[%mul3A_2] : memref<16384xf32, #tpu.memory_space<hbm>> -> memref<512xf32, #tpu.memory_space<hbm>>
      tpu.enqueue_dma source(%arg12 : memref<512xf32, #tpu.memory_space<vmem>>) target(%dma_start3A_654 : memref<512xf32, #tpu.memory_space<hbm>>) target_semaphore(%run_scoped3A : memref<!tpu.dma_semaphore, #tpu.memory_space<semaphore_mem>>)
      %dma_wait3A_655 = tpu.memref_slice %arg5[%mul3A_2] : memref<16384xf32, #tpu.memory_space<hbm>> -> memref<512xf32, #tpu.memory_space<hbm>>
      %dma_wait3A_656 = tpu.memref_slice %arg5[%mul3A_2] : memref<16384xf32, #tpu.memory_space<hbm>> -> memref<512xf32, #tpu.memory_space<hbm>>
      tpu.wait_dma2 semaphore(%run_scoped3A : memref<!tpu.dma_semaphore, #tpu.memory_space<semaphore_mem>>) src(%arg12 : memref<512xf32, #tpu.memory_space<vmem>>) dst(%dma_wait3A_656 : memref<512xf32, #tpu.memory_space<hbm>>)
      tpu.yield
    }) : () -> ()
    return
  }
}

module attributes {stable_mosaic.version = 14 : i64} {
  func.func @_tv_body(%arg0: i32, %arg1: memref<16x65536xf32, #tpu.memory_space<vmem>>, %arg2: memref<1x16xf32, #tpu.memory_space<vmem>>, %arg3: memref<65536xf32, #tpu.memory_space<vmem>>) attributes {dimension_semantics = [#tpu.dimension_semantics<arbitrary>], iteration_bounds = array<i64: 16>, scalar_prefetch = 0 : i64, scratch_operands = 0 : i64, tpu.core_type = #tpu.core_type<tc>, window_params = [{transform_indices = @transform_0, window_bounds = array<i64: 16, 65536>}, {pipeline_mode = #tpu.pipeline_mode<synchronous>, transform_indices = @transform_1, window_bounds = array<i64: 1, 16>}, {transform_indices = @transform_2, window_bounds = array<i64: 65536>}]} {
    %get3A = arith.constant 0 : index
    %get3A_0 = arith.constant 0 : index
    %get3A_1 = vector.load %arg2[%get3A, %get3A_0] : memref<1x16xf32, #tpu.memory_space<vmem>>, vector<1x16xf32>
    %get3A_2 = arith.constant 0 : index
    %get3A_3 = arith.constant 0 : index
    %get3A_4 = vector.load %arg1[%get3A_2, %get3A_3] : memref<16x65536xf32, #tpu.memory_space<vmem>>, vector<16x65536xf32>
    %dot_general3A = arith.constant dense<0.000000e+00> : vector<1x65536xf32>
    %dot_general3A_5 = tpu.matmul %get3A_1, %get3A_4, %dot_general3A {dimension_numbers = #tpu.dot_dimension_numbers<[1], [0], [0], [1], [0, 0, 1, 1], [], []>, transpose_lhs_hint = false} : vector<1x16xf32>, vector<16x65536xf32>, vector<1x65536xf32> -> vector<1x65536xf32>
    %squeeze3A = vector.shape_cast %dot_general3A_5 : vector<1x65536xf32> to vector<65536xf32>
    %swap3A = arith.constant 0 : index
    %swap3A_6 = vector.load %arg3[%swap3A] : memref<65536xf32, #tpu.memory_space<vmem>>, vector<65536xf32>
    tpu.vector_store %arg3[%swap3A], %squeeze3A {strides = array<i32>} : memref<65536xf32, #tpu.memory_space<vmem>>, vector<65536xf32>,
    return
  }
  func.func @transform_0(%arg0: i32) -> (i32, i32) {
    %c0_i32 = arith.constant 0 : i32
    %c0_i32_0 = arith.constant 0 : i32
    return %c0_i32, %arg0 : i32, i32
  }
  func.func @transform_1(%arg0: i32) -> (i32, i32) {
    %c0_i32 = arith.constant 0 : i32
    %c0_i32_0 = arith.constant 0 : i32
    %c0_i32_1 = arith.constant 0 : i32
    return %c0_i32, %c0_i32_0 : i32, i32
  }
  func.func @transform_2(%arg0: i32) -> i32 {
    %c0_i32 = arith.constant 0 : i32
    return %arg0 : i32
  }
}

</mosaic_0001>

<sc_bundles>
// kernel: kernel.4.cloned.1.call-start
scs
__scs_entry_jumppad:
0x0: {  	(pc) =	sbr.rel $0x88, $3  }
0x1: {  	(tag) =	ssettag $0x0;
	lr =	simm.s32 $0x1  }
0x2: {  	[smem:$0x3F9B] =	sst lr;
	_ =	strace $0xD0000000  }
0x3: {  	_ = 	snop  }
0x4: {  	_ = 	snop  }
0x5: {  	_ = 	snop  }
0x6: {  	_ = 	snop  }
0x7: {  	_ = 	snop  }
__scs_overlays_trampoline_lowered:
0x8: {  	[smem:$0x3FAA] =	sst s0  }
0x9: {  	[smem:$0x3FAB] =	sst s1  }
0xa: {  	[smem:$0x3FAC] =	sst s2  }
0xb: {  	[smem:$0x3FAD] =	sst s3  }
0xc: {  	[smem:$0x3FAE] =	sst s4  }
0xd: {  	[smem:$0x3FAF] =	sst s5  }
0xe: {  	[smem:$0x3FB0] =	sst s6  }
0xf: {  	[smem:$0x3FB1] =	sst s7  }
0x10: {  	[smem:$0x3FB2] =	sst s8  }
0x11: {  	[smem:$0x3FB3] =	sst s9;
	s0 =	simm.s32 @!p0 $0x0  }
0x12: {  	s1 =	sld [smem:$0x3F99];
	s0 =	simm.s32 @p0 $0x1  }
0x13: {  	[smem:$0x3FB4] =	sst s0;
	s0 =	simm.s32 @!p1 $0x0  }
0x14: {  	s2 =	sld [smem:$0x3F98];
	s0 =	simm.s32 @p1 $0x1  }
0x15: {  	[smem:$0x3FB5] =	sst s0;
	s0 =	simm.s32 @!p2 $0x0  }
0x16: {  	s3 =	sld [smem:$0x3FDB];
	s0 =	simm.s32 @p2 $0x1  }
0x17: {  	s4 =	simm.s32 $0x1BF5;
	[smem:$0x3FB7] =	sst s0  }
0x18: {  	s0 =	sld [smem:$0x3F9A];
	_ =	swait.ge [sflag:s4], $0x0  }
0x19: {  	s7 =	sld [smem:$0x3F9B]  }
0x1a: {  	s8 =	sadd.s32 $0xFFFFE003, lr  }
0x1b: {  	s9 =	sadd.s32 $0xFFFFFEF7, lr;
	s5 =	simm.s32 $0xFFFFFFFF;
	p2 =	slt.u32 s8, $0xFFFFF086  }
0x1c: {  	p1 =	slt.u32 s9, $0xF7A;
	s5 =	simm.s32 @!p2 $0x0  }
0x1d: {  	s5 =	simm.s32 @p1 $0x1;
	p0 =	seq.s32 s7, s2  }
0x1e: {  	s7 =	smul.u32 @!p0 $0xF7A, s2;
	p2 =	seq.s32 @!p0 s5, $0x0  }
0x1f: {  	s9 =	smul.u32 $0xF7A, s1;
	s8 =	simm.s32 @!p0 $0x1BF5;
	p2 =	por !p2, p0  }
0x20: {  	[sflag:s8] =	ssyncset.s32 @!p0 $0xFFFFF086;
	s6 =	sadd.s32 @!p0 s3, s7;
	s7 =	simm.s32 @!p0 $0x108  }
0x21: {  	s3 =	sadd.s32 s3, s9;
	s6 =	sadd.s32 @!p0 $0x88, s6;
	s7 =	simm.s32 @p2 $0x1082  }
0x22: {  	[simem:s7], [sflag:s8] =	dma.local @!p0 [hbm:s6], $0xF7A  }
0x23: {  	s9 =	sor.u32 $0xD0000000, s2;
	s6 =	simm.s32 $0x108;
	_ =	swait.ge @!p0 [sflag:s8], $0x0  }
0x24: {  	s3 =	sadd.s32 $0x88, s3;
	s6 =	simm.s32 @!p1 $0x1082;
	[sflag:s4] =	ssyncset.s32 $0xFFFFF086  }
0x25: {  	[simem:s6], [sflag:s4] =	dma.local [hbm:s3], $0xF7A  }
0x26: {  	[smem:$0x3F9B] =	sst s1;
	(tag) =	ssettag s2;
	_ =	strace s9  }
0x27: {  	s1 =	sld [smem:$0x3FAB]  }
0x28: {  	s2 =	sld [smem:$0x3FAC]  }
0x29: {  	s4 =	sld [smem:$0x3FAE]  }
0x2a: {  	p0 =	seq.s32 s5, $0x0;
	s5 =	sld [smem:$0x3FAF]  }
0x2b: {  	s6 =	sld [smem:$0x3FB0]  }
0x2c: {  	s7 =	sld [smem:$0x3FB1]  }
0x2d: {  	s3 =	simm.s32 $0x108;
	s8 =	sld [smem:$0x3FB2]  }
0x2e: {  	s3 =	simm.s32 @!p0 $0x1082;
	s9 =	sld [smem:$0x3FB3]  }
0x2f: {  	lr =	sadd.s32 s0, s3;
	s0 =	sld [smem:$0x3FAA]  }
0x30: {  	s3 =	sld [smem:$0x3FAD]  }
0x31: {  	[smem:$0x3FB6] =	sst s10  }
0x32: {  	s10 =	sld [smem:$0x3FB4];
	_ =	sdelay $0x3  }
0x33: {  	p0 =	seq.s32 s10, $0x1;
	s10 =	sld [smem:$0x3FB6];
	_ =	sdelay $0x3  }
0x34: {  	[smem:$0x3FB6] =	sst s10  }
0x35: {  	s10 =	sld [smem:$0x3FB5];
	_ =	sdelay $0x3  }
0x36: {  	p1 =	seq.s32 s10, $0x1;
	s10 =	sld [smem:$0x3FB6];
	_ =	sdelay $0x3  }
0x37: {  	[smem:$0x3FB6] =	sst s10  }
0x38: {  	s10 =	sld [smem:$0x3FB7]  }
0x39: {  	_ = 	snop;
	(pc) =	sbr.ind lr, $3  }
0x3a: {  	_ = 	snop  }
0x3b: {  	_ = 	snop  }
0x3c: {  	p2 =	seq.s32 s10, $0x1;
	s10 =	sld [smem:$0x3FB6]  }
0x3d: {  	_ =	shalt  }
0x3e: {  	_ =	shalt  }
0x3f: {  	_ =	shalt  }
0x40: {  	_ =	shalt  }
0x41: {  	_ =	shalt  }
0x42: {  	_ =	shalt  }
0x43: {  	_ =	shalt  }
0x44: {  	_ =	shalt  }
0x45: {  	_ =	shalt  }
0x46: {  	_ =	shalt  }
0x47: {  	_ =	shalt  }
0x48: {  	_ =	shalt  }
0x49: {  	_ =	shalt  }
0x4a: {  	_ =	shalt  }
0x4b: {  	_ =	shalt  }
0x4c: {  	_ =	shalt  }
0x4d: {  	_ =	shalt  }
0x4e: {  	_ =	shalt  }
0x4f: {  	_ =	shalt  }
0x50: {  	_ =	shalt  }
0x51: {  	_ =	shalt  }
0x52: {  	_ =	shalt  }
0x53: {  	_ =	shalt  }
0x54: {  	_ =	shalt  }
0x55: {  	_ =	shalt  }
0x56: {  	_ =	shalt  }
0x57: {  	_ =	shalt  }
0x58: {  	_ =	shalt  }
0x59: {  	_ =	shalt  }
0x5a: {  	_ =	shalt  }
0x5b: {  	_ =	shalt  }
0x5c: {  	_ =	shalt  }
0x5d: {  	_ =	shalt  }
0x5e: {  	_ =	shalt  }
0x5f: {  	_ =	shalt  }
0x60: {  	_ =	shalt  }
0x61: {  	_ =	shalt  }
0x62: {  	_ =	shalt  }
0x63: {  	_ =	shalt  }
0x64: {  	_ =	shalt  }
0x65: {  	_ =	shalt  }
0x66: {  	_ =	shalt  }
0x67: {  	_ =	shalt  }
0x68: {  	_ =	shalt  }
0x69: {  	_ =	shalt  }
0x6a: {  	_ =	shalt  }
0x6b: {  	_ =	shalt  }
0x6c: {  	_ =	shalt  }
0x6d: {  	_ =	shalt  }
0x6e: {  	_ =	shalt  }
0x6f: {  	_ =	shalt  }
0x70: {  	_ =	shalt  }
0x71: {  	_ =	shalt  }
0x72: {  	_ =	shalt  }
0x73: {  	_ =	shalt  }
0x74: {  	_ =	shalt  }
0x75: {  	_ =	shalt  }
0x76: {  	_ =	shalt  }
0x77: {  	_ =	shalt  }
0x78: {  	_ =	shalt  }
0x79: {  	_ =	shalt  }
0x7a: {  	_ =	shalt  }
0x7b: {  	_ =	shalt  }
0x7c: {  	_ =	shalt  }
0x7d: {  	_ =	shalt  }
0x7e: {  	_ =	shalt  }
0x7f: {  	_ =	shalt  }
0x80: {  	_ =	shalt  }
0x81: {  	_ =	shalt  }
0x82: {  	_ =	shalt  }
0x83: {  	_ =	shalt  }
0x84: {  	_ =	shalt  }
0x85: {  	_ =	shalt  }
0x86: {  	_ =	shalt  }
0x87: {  	_ =	shalt  }
.Lfunc_end0:
.L_simem_size_0:
called_computation_lowered:
.L_overlay_start_0:
0x88: {  	s2 =	sld [smem:$0x3FD9]  }
0x89: {  	s3 =	sld [smem:$0x3FFE];
	_ =	sdelay $0x1  }
0x8a: {  	s1 =	srdreg.scid  }
0x8b: {  	s0 =	sand.u32 $0x1, s1  }
0x8c: {  	s17 =	sshll.u32 s0, $0xA;
	s2 =	sadd.s32 s3, s2  }
0x8d: {  	s2 =	sadd.s32 s2, s17  }
0x8e: {  	[smem:$0x3FC2] =	sst s2  }
0x8f: {  	_ = 	snop  }
0x90: {  	s2 =	sld [smem:$0x3FD0];
	(tm) =	ssettm $0x1  }
0x91: {  	s18 =	sld [smem:$0x3FFB];
	_ =	sdelay $0x3  }
0x92: {  	_ =	strace s18  }
0x93: {  	s3 =	sld [smem:$0x3FFC];
	_ =	sdelay $0x3  }
0x94: {  	_ =	strace s3  }
0x95: {  	s3 =	sld [smem:$0x3FFD];
	_ =	sdelay $0x3  }
0x96: {  	_ =	strace s3  }
0x97: {  	_ =	strace $0x8FFFFFFF  }
0x98: {  	s19 =	sld [smem:$0x3FDB];
	_ =	sdelay $0x1  }
0x99: {  	s4 =	simm.s32 $_scs_section_size  }
0x9a: {  	s5 =	simm.s32 $_size__tile_overlayer_lowered;
	s6 =	simm.s32 $_tile_overlayer_lowered  }
0x9b: {  	s22 =	simm.s32 $0x1BFF;
	s21 =	sshll.u32 s6, $0x1;
	s3 =	sadd.s32 s4, s19  }
0x9c: {  	s7 =	simm.s32 $0x0;
	s20 =	sshll.u32 s5, $0x1;
	s5 =	sadd.s32 s21, s3  }
0x9d: {  	[timem:s7], [sflag:s22] =	dma.local [hbm:s5], s20  }
0x9e: {  	_ =	swait.ge [sflag:s22], s20  }
0x9f: {  	s4 =	ssub.s32 $0x0, s20;
	[sflag:s22] =	ssyncset.done $0x0  }
0xa0: {  	[sflag:s22] =	ssyncadd.s32 s4;
	_ =	sdelay $0x1  }
0xa1: {  	s23 =	simm.s32 $0x1B8B  }
0xa2: {  	_ =	swait.ge [sflag:s23], $0x1  }
0xa3: {  	[sflag:s23] =	ssyncset.done $0x0  }
0xa4: {  	s25 =	simm.s32 $0x1B8E;
	s24 =	sld [smem:$0x3FFE];
	[sflag:s23] =	ssyncadd.s32 $0xFFFFFFFF  }
0xa5: {  	s26 =	simm.s32 $execute0_lowered;
	[smem:$0x3FD2] =	sst s25  }
0xa6: {  	s5 =	sshll.u32 s26, $0x1;
	_ =	strace $0x80000046;
	[dreg:$0x1] =	wrdreg $0xFFFFFFFF  }
0xa7: {  	s28 =	simm.s32 $_size_execute0_lowered;
	s3 =	sadd.s32 s3, s5;
	[dreg:$0x0] =	wrdreg $0x0  }
0xa8: {  	s5 =	sshll.u32 s28, $0x1;
	[dreg:$0x2] =	wrdreg s3  }
0xa9: {  	[dreg:$0x3] =	wrdreg s5  }
0xaa: {  	[dreg:$0x4] =	wrdreg $0xC0  }
0xab: {  	_ =	task [dreg:s7], $0x5FFFF  }
0xac: {  	[dreg:$0x1] =	wrdreg $0xFFFFFFFF  }
0xad: {  	[dreg:$0x0] =	wrdreg $0x60  }
0xae: {  	[dreg:$0x2] =	wrdreg s24  }
0xaf: {  	[dreg:$0x3] =	wrdreg s2  }
0xb0: {  	[dreg:$0x4] =	wrdreg $0x0  }
0xb1: {  	[dreg:$0x5] =	wrdreg $0x9  }
0xb2: {  	_ =	task.clear_ibuf [dreg:s7], $0x6FFFF;
	_ =	strace $0x90000046  }
0xb3: {  	s29 =	simm.s32 $0x9;
	_ =	strace $0x80000048  }
0xb4: {  	_ =	swait.ge [sflag:s29], $0x1  }
0xb5: {  	[sflag:s29] =	ssyncadd.s32 $0xFFFFFFFF  }
0xb6: {  	_ =	strace $0x90000048  }
0xb7: {  	_ =	sfence  }
0xb8: {  	s30 =	sld [smem:$0x0];
	_ =	sdelay $0x2  }
0xb9: {  	s31 =	sshll.u32 s1, $0xD;
	s1 =	sshrl.u32 s1, $0x2  }
0xba: {  	s3 =	sand.u32 $0x4000, s31;
	s1 =	sadd.s32 s1, s30  }
0xbb: {  	s0 =	sor.u32 s3, s0;
	s1 =	sshll.u32 s1, $0x11  }
0xbc: {  	s0 =	sor.u32 s1, s0  }
0xbd: {  	s0 =	sadd.s32 $0x8F2B, s0  }
0xbe: {  	[sflag:s0] =	ssyncadd.remote.s32 $0x1  }
0xbf: {  	_ =	sfence.sel $0xFFFF  }
0xc0: {  	[dreg:$0x0] =	wrdreg $0xFFFFFFFF;
	(pc) =	sbr.abs _section_cstart, $3  }
0xc1: {  	[dreg:$0x1] =	wrdreg $0xFFFFFFFF  }
0xc2: {  	_ =	task.clear_ibuf [dreg:s7], $0x2FFFF;
	_ =	strace $0x9FFFFFFF  }
0xc3: {  	(tm) =	ssettm $0x7FFFFFFF  }
tec
execute0_lowered:
.L_overlay_start_1:
0x0: {  	(tag) =	ssettag $0x1  }
0x1: {  	s0 =	rddreg [dreg:$0x0]  }
0x2: {  	s17 =	rddreg [dreg:$0x1]  }
0x3: {  	s1 =	rddreg [dreg:$0x2]  }
0x4: {  	s2 =	simm.s32 $0x0;
	s3 =	srdreg.scid;
	s19 =	stileid.u32  }
0x5: {  	s22 =	simm.s32 $0xF428;
	s29 =	simm.s32 $0x10C28;
	s31 =	simm.s32 $0x1  }
0x6: {  	s28 =	simm.s32 $0x0;
	[smem:$0x7FF] =	sst s2;
	s5 =	sand.u32 $0x1, s3  }
0x7: {  	s3 =	sadd.s32 $0x600, s0;
	s6 =	sshll.u32 s19, $0xA;
	s4 =	sadd.s32 $0x64600, s0  }
0x8: {  	s23 =	sadd.s32 $0x83000, s0;
	s9 =	sadd.s32 $0x1600, s0;
	s10 =	sadd.s32 $0x1E00, s0  }
0x9: {  	p0 =	sne.s32 s19, $0x0;
	_ =	strace $0x80000047;
	[dreg:$0x6] =	wrdreg s4  }
0xa: {  	s7 =	sshll.u32 s5, $0x9;
	s8 =	ssub.s32 $0x2, s5;
	[dreg:$0x7] =	wrdreg s23  }
0xb: {  	[dreg:$0x4] =	wrdreg s29;
	s23 =	simm.s32 $0x2;
	s20 =	sor.u32 s7, s6  }
0xc: {  	s24 =	sshrl.u32 s8, $0x1;
	s7 =	sadd.s32 $0xE00, s0;
	s18 =	sshrl.u32 s20, $0x3  }
0xd: {  	s21 =	ssub.s32 s8, s24;
	s26 =	sor.u32 $0x30000, s20;
	s30 =	sor.u32 $0x20000, s20  }
0xe: {  	s24 =	simm.s32 $0x3;
	s6 =	sadd.s32 s3, s18;
	s25 =	sadd.s32 s18, s7  }
0xf: {  	s11 =	sadd.s32 s18, s9;
	s12 =	sadd.s32 s18, s10;
	s17 =	sadd.s32 s17, s18  }
0x10: {  	s0 =	sshrl.u32 s26, $0x3;
	s18 =	smax.u32 s21, $0x1;
	s21 =	simm.s32 $0x5  }
0x11: {  	s26 =	simm.s32 $0xFC28;
	[dreg:$0x8] =	wrdreg s25;
	s13 =	sadd.s32 $0x2000, s6  }
0x12: {  	s14 =	sadd.s32 $0x2800, s6;
	s15 =	sadd.s32 $0x3000, s6;
	s0 =	sadd.s32 s0, s3  }
0x13: {  	s16 =	sadd.s32 $0x3800, s6;
	[dreg:$0x5] =	wrdreg s0;
	s0 =	simm.s32 $0x800  }
.LBB2_1:
0x14: {  	s4 =	rddreg [dreg:$0x7];
	s5 =	simm.s32 $0x11428  }
0x15: {  	[tilespmem:s5], [sflag:$0x5] =	stream.linear.gather [hbm4b:s4+s2], $0x10, $0x38;
	[tilespmem:$0x11638] =	vst v63  }
0x16: {  	_ =	swait.ge [sflag:s21], $0x10  }
0x17: {  	[sflag:s21] =	ssyncset.done $0x0  }
0x18: {  	[sflag:s21] =	ssyncadd.s32 $0xFFFFFFF0  }
0x19: {  	v0 =	vld [tilespmem:$0x11428];
	[tilespmem:s22], [sflag:$0x1] =	stream.linear.gather [hbm4b:s6+s2], $0x200, $0x38  }
0x1a: {  	s20 =	simm.s32 $0xF628;
	s19 =	rddreg [dreg:$0x8]  }
0x1b: {  	[tilespmem:s20], [sflag:$0x1] =	stream.linear.gather [hbm4b:s19+s2], $0x200, $0x38;
	[tilespmem:$0x11638] =	vst v63  }
0x1c: {  	s25 =	simm.s32 $0xF828  }
0x1d: {  	[tilespmem:s25], [sflag:$0x1] =	stream.linear.gather [hbm4b:s11+s2], $0x200, $0x38;
	[tilespmem:$0x11638] =	vst v63  }
0x1e: {  	s5 =	simm.s32 $0xFA28  }
0x1f: {  	[tilespmem:s5], [sflag:$0x1] =	stream.linear.gather [hbm4b:s12+s2], $0x200, $0x38;
	[tilespmem:$0x11638] =	vst v63  }
0x20: {  	_ = 	snop  }
0x21: {  	[tilespmem:s26], [sflag:$0x2] =	stream.linear.gather [hbm4b:s13+s2], $0x200, $0x38;
	[tilespmem:$0x11638] =	vst v63  }
0x22: {  	s8 =	simm.s32 $0xFE28  }
0x23: {  	[tilespmem:s8], [sflag:$0x2] =	stream.linear.gather [hbm4b:s14+s2], $0x200, $0x38;
	[tilespmem:$0x11638] =	vst v63  }
0x24: {  	s19 =	simm.s32 $0x10028  }
0x25: {  	[tilespmem:s19], [sflag:$0x2] =	stream.linear.gather [hbm4b:s15+s2], $0x200, $0x38;
	[tilespmem:$0x11638] =	vst v63  }
0x26: {  	s20 =	simm.s32 $0x10228  }
0x27: {  	[tilespmem:s20], [sflag:$0x2] =	stream.linear.gather [hbm4b:s16+s2], $0x200, $0x38;
	[tilespmem:$0x11638] =	vst v63  }
0x28: {  	v34 =	vimm.f32 $0.0e+00;
	v35 =	vimm.f32 $0.0e+00;
	s4 =	rddreg [dreg:$0x6];
	[tilespmem:$0x1FFF0] =	vst v0;
	s19 =	sshrl.u32 @!p0 s1, $0x3;
	s20 =	simm.s32 @!p0 $0x1C05  }
0x29: {  	v36 =	vimm.f32 $0.0e+00;
	v37 =	vimm.f32 $0.0e+00;
	v38 =	vimm.f32 $0.0e+00;
	[spmem:s19], [sflag:s20] =	dma.local @!p0 [hbm:s4], $0x1E848  }
0x2a: {  	v39 =	vimm.f32 $0.0e+00;
	v40 =	vimm.f32 $0.0e+00;
	v41 =	vimm.f32 $0.0e+00;
	s19 =	simm.s32 @!p0 $0x5  }
0x2b: {  	v16 =	vimm.f32 $0.0e+00;
	v15 =	vimm.f32 $0.0e+00;
	v42 =	vimm.f32 $0.0e+00;
	_ =	swait.ge @!p0 [sflag:s19], $0x1E848  }
0x2c: {  	v43 =	vimm.f32 $0.0e+00;
	v45 =	vimm.f32 $0.0e+00;
	v46 =	vimm.f32 $0.0e+00;
	[sflag:s19] =	ssyncset.done @!p0 $0x0  }
0x2d: {  	v48 =	vimm.f32 $0.0e+00;
	v17 =	vimm.f32 $0.0e+00;
	v33 =	vimm.f32 $0.0e+00;
	[sflag:s19] =	ssyncadd.s32 @!p0 $0xFFFE17B8  }
0x2e: {  	v18 =	vimm.f32 $0.0e+00;
	v19 =	vimm.f32 $0.0e+00;
	v20 =	vimm.f32 $0.0e+00;
	[bflag:$0x0] =	sbarrier.arrive $0xFFFF  }
0x2f: {  	v21 =	vimm.f32 $0.0e+00;
	v22 =	vimm.f32 $0.0e+00;
	v23 =	vimm.f32 $0.0e+00;
	_ =	swait.ge [sflag:s31], $0x800  }
0x30: {  	v24 =	vimm.f32 $0.0e+00;
	v25 =	vimm.f32 $0.0e+00;
	v26 =	vimm.f32 $0.0e+00;
	s29 =	simm.s32 $0x0;
	[sflag:s31] =	ssyncset.done $0x0  }
0x31: {  	v27 =	vimm.f32 $0.0e+00;
	v28 =	vimm.f32 $0.0e+00;
	v29 =	vimm.f32 $0.0e+00;
	s25 =	simm.s32 $0x10428;
	s19 =	smov.u32 s30;
	[sflag:s31] =	ssyncadd.s32 $0xFFFFF800  }
0x32: {  	v30 =	vimm.f32 $0.0e+00;
	v31 =	vimm.f32 $0.0e+00;
	v32 =	vimm.f32 $0.0e+00;
	[tilespmem:s25], [sflag:$0x3] =	stream.indirect.gather [spmem:s1], $0x1, s22, s0, $0xb8;
	[tilespmem:$0x11638] =	vst v63  }
.LBB2_2:
0x33: {  	[tilespmem:$0x1F640] =	vst v16  }
0x34: {  	_ =	swait.ge [sflag:s23], $0x800  }
0x35: {  	[sflag:s23] =	ssyncset.done $0x0  }
0x36: {  	s20 =	rddreg [dreg:$0x4];
	[sflag:s23] =	ssyncadd.s32 $0xFFFFF800  }
0x37: {  	[tilespmem:s20], [sflag:$0x4] =	stream.indirect.gather [spmem:s1], $0x1, s26, s0, $0xb8;
	[tilespmem:$0x11638] =	vst v63  }
0x38: {  	p1 =	seq.s32 s29, $0x60000;
	_ =	swait.ge [sflag:s24], $0x800  }
0x39: {  	s4 =	sshrl.u32 @!p1 s19, $0x3;
	s25 =	simm.s32 @!p1 $0xF428;
	[sflag:s24] =	ssyncset.done $0x0  }
0x3a: {  	s5 =	sadd.s32 @!p1 s3, s4;
	s20 =	simm.s32 @!p1 $0x0;
	[sflag:s24] =	ssyncadd.s32 $0xFFFFF800  }
0x3b: {  	[tilespmem:s25], [sflag:$0x1] =	stream.linear.gather @!p1 [hbm4b:s5+s20], $0x200, $0x38;
	[tilespmem:$0x11638] =	vst v63  }
0x3c: {  	s8 =	simm.s32 @!p1 $0xF628;
	s5 =	sadd.s32 @!p1 s4, s7  }
0x3d: {  	[tilespmem:s8], [sflag:$0x1] =	stream.linear.gather @!p1 [hbm4b:s5+s20], $0x200, $0x38;
	[tilespmem:$0x11638] =	vst v63  }
0x3e: {  	s5 =	sadd.s32 @!p1 s4, s9;
	s8 =	simm.s32 @!p1 $0xF828  }
0x3f: {  	[tilespmem:s8], [sflag:$0x1] =	stream.linear.gather @!p1 [hbm4b:s5+s20], $0x200, $0x38;
	[tilespmem:$0x11638] =	vst v63  }
0x40: {  	s4 =	sadd.s32 @!p1 s4, s10;
	s5 =	simm.s32 @!p1 $0xFA28  }
0x41: {  	[tilespmem:s5], [sflag:$0x1] =	stream.linear.gather @!p1 [hbm4b:s4+s20], $0x200, $0x38;
	[tilespmem:$0x11638] =	vst v63  }
0x42: {  	v6 =	vld [tilespmem:$0x10628];
	_ =	sdelay $0x4  }
0x43: {  	[tilespmem:$0x1F650] =	vst v6;
	v6 =	vld [tilespmem:$0x10638];
	_ =	sdelay $0x4  }
0x44: {  	[tilespmem:$0x1F660] =	vst v6;
	v6 =	vld [tilespmem:$0x10648];
	_ =	sdelay $0x4  }
0x45: {  	[tilespmem:$0x1F670] =	vst v6;
	v6 =	vmov v43;
	v43 =	vld [tilespmem:$0x10658];
	_ =	sdelay $0x4  }
0x46: {  	[tilespmem:$0x1F680] =	vst v43;
	v43 =	vld [tilespmem:$0x10668];
	_ =	sdelay $0x4  }
0x47: {  	[tilespmem:$0x1F690] =	vst v43;
	v43 =	vld [tilespmem:$0x10678];
	_ =	sdelay $0x4  }
0x48: {  	[tilespmem:$0x1F6A0] =	vst v43;
	v43 =	vld [tilespmem:$0x10688];
	_ =	sdelay $0x4  }
0x49: {  	[tilespmem:$0x1F6B0] =	vst v43;
	v43 =	vld [tilespmem:$0x10698];
	_ =	sdelay $0x4  }
0x4a: {  	[tilespmem:$0x1F6C0] =	vst v43;
	v43 =	vld [tilespmem:$0x106A8];
	_ =	sdelay $0x4  }
0x4b: {  	[tilespmem:$0x1F6D0] =	vst v43;
	v43 =	vld [tilespmem:$0x106B8];
	_ =	sdelay $0x4  }
0x4c: {  	[tilespmem:$0x1F6E0] =	vst v43;
	v43 =	vld [tilespmem:$0x106C8];
	_ =	sdelay $0x4  }
0x4d: {  	[tilespmem:$0x1F6F0] =	vst v43;
	v43 =	vld [tilespmem:$0x106D8];
	_ =	sdelay $0x4  }
0x4e: {  	[tilespmem:$0x1F700] =	vst v43;
	v43 =	vld [tilespmem:$0x106E8];
	_ =	sdelay $0x4  }
0x4f: {  	[tilespmem:$0x1F710] =	vst v43;
	v43 =	vld [tilespmem:$0x106F8];
	_ =	sdelay $0x4  }
0x50: {  	[tilespmem:$0x1F720] =	vst v43;
	v43 =	vld [tilespmem:$0x10708];
	_ =	sdelay $0x4  }
0x51: {  	[tilespmem:$0x1F730] =	vst v43;
	v43 =	vld [tilespmem:$0x10718];
	_ =	sdelay $0x1  }
0x52: {  	v8 =	vld [tilespmem:$0x10428]  }
0x53: {  	v9 =	vld [tilespmem:$0x10438]  }
0x54: {  	v16 =	vld [tilespmem:$0x10448]  }
0x55: {  	[tilespmem:$0x1F740] =	vst v43;
	v43 =	vld [tilespmem:$0x10728]  }
0x56: {  	v7 =	vld [tilespmem:$0x10458]  }
0x57: {  	v5 =	vld [tilespmem:$0x10468]  }
0x58: {  	v0 =	vld [tilespmem:$0x10478]  }
0x59: {  	v12 =	vld [tilespmem:$0x10488]  }
0x5a: {  	[tilespmem:$0x1F750] =	vst v43;
	v43 =	vld [tilespmem:$0x10738]  }
0x5b: {  	v4 =	vld [tilespmem:$0x10498]  }
0x5c: {  	v2 =	vld [tilespmem:$0x104A8]  }
0x5d: {  	v3 =	vld [tilespmem:$0x104B8]  }
0x5e: {  	v63 =	vld [tilespmem:$0x104C8]  }
0x5f: {  	[tilespmem:$0x1F760] =	vst v43;
	v43 =	vld [tilespmem:$0x10748]  }
0x60: {  	v1 =	vld [tilespmem:$0x104D8]  }
0x61: {  	v62 =	vld [tilespmem:$0x104E8]  }
0x62: {  	v57 =	vld [tilespmem:$0x104F8]  }
0x63: {  	v60 =	vld [tilespmem:$0x10508]  }
0x64: {  	[tilespmem:$0x1F770] =	vst v43;
	v43 =	vld [tilespmem:$0x10758]  }
0x65: {  	v61 =	vld [tilespmem:$0x10518]  }
0x66: {  	v10 =	vld [tilespmem:$0x10528]  }
0x67: {  	v59 =	vld [tilespmem:$0x10538]  }
0x68: {  	v11 =	vld [tilespmem:$0x10548]  }
0x69: {  	[tilespmem:$0x1F780] =	vst v43;
	v43 =	vld [tilespmem:$0x10768]  }
0x6a: {  	v58 =	vld [tilespmem:$0x10558]  }
0x6b: {  	v14 =	vld [tilespmem:$0x10568]  }
0x6c: {  	v56 =	vld [tilespmem:$0x10578]  }
0x6d: {  	v54 =	vld [tilespmem:$0x10588]  }
0x6e: {  	[tilespmem:$0x1F790] =	vst v43;
	v43 =	vld [tilespmem:$0x10778]  }
0x6f: {  	v55 =	vld [tilespmem:$0x10598]  }
0x70: {  	v52 =	vld [tilespmem:$0x105A8]  }
0x71: {  	v53 =	vld [tilespmem:$0x105B8]  }
0x72: {  	v50 =	vld [tilespmem:$0x105C8]  }
0x73: {  	[tilespmem:$0x1F7A0] =	vst v43;
	v43 =	vld [tilespmem:$0x10788]  }
0x74: {  	v51 =	vld [tilespmem:$0x105D8]  }
0x75: {  	v13 =	vld [tilespmem:$0x105E8]  }
0x76: {  	v49 =	vld [tilespmem:$0x105F8]  }
0x77: {  	v47 =	vld [tilespmem:$0x10608]  }
0x78: {  	v44 =	vld [tilespmem:$0x10618];
	[tilespmem:$0x1F7B0] =	vst v43  }
0x79: {  	v43 =	vld [tilespmem:$0x10798];
	_ =	sdelay $0x4  }
0x7a: {  	[tilespmem:$0x1F7C0] =	vst v43;
	v43 =	vld [tilespmem:$0x107A8];
	_ =	sdelay $0x4  }
0x7b: {  	[tilespmem:$0x1F7D0] =	vst v43;
	v43 =	vld [tilespmem:$0x107B8];
	_ =	sdelay $0x4  }
0x7c: {  	[tilespmem:$0x1F7E0] =	vst v43;
	v43 =	vld [tilespmem:$0x107C8];
	_ =	sdelay $0x4  }
0x7d: {  	[tilespmem:$0x1F7F0] =	vst v43;
	v43 =	vld [tilespmem:$0x107D8];
	_ =	sdelay $0x4  }
0x7e: {  	[tilespmem:$0x1F800] =	vst v43;
	v43 =	vld [tilespmem:$0x107E8];
	_ =	sdelay $0x4  }
0x7f: {  	[tilespmem:$0x1F810] =	vst v43;
	v43 =	vld [tilespmem:$0x107F8];
	_ =	sdelay $0x4  }
0x80: {  	[tilespmem:$0x1F820] =	vst v43;
	v43 =	vld [tilespmem:$0x10808];
	_ =	sdelay $0x4  }
0x81: {  	[tilespmem:$0x1F830] =	vst v43;
	v43 =	vld [tilespmem:$0x10818];
	_ =	sdelay $0x4  }
0x82: {  	[tilespmem:$0x1F840] =	vst v43;
	v43 =	vld [tilespmem:$0x10828];
	_ =	sdelay $0x4  }
0x83: {  	[tilespmem:$0x1F850] =	vst v43;
	v43 =	vld [tilespmem:$0x10838];
	_ =	sdelay $0x4  }
0x84: {  	[tilespmem:$0x1F860] =	vst v43;
	v43 =	vld [tilespmem:$0x10848];
	_ =	sdelay $0x4  }
0x85: {  	[tilespmem:$0x1F870] =	vst v43;
	v43 =	vld [tilespmem:$0x10858];
	_ =	sdelay $0x4  }
0x86: {  	[tilespmem:$0x1F880] =	vst v43;
	v43 =	vld [tilespmem:$0x10868];
	_ =	sdelay $0x4  }
0x87: {  	[tilespmem:$0x1F890] =	vst v43;
	v43 =	vld [tilespmem:$0x10878];
	_ =	sdelay $0x4  }
0x88: {  	[tilespmem:$0x1F8A0] =	vst v43;
	v43 =	vld [tilespmem:$0x10888];
	_ =	sdelay $0x4  }
0x89: {  	[tilespmem:$0x1F8B0] =	vst v43;
	v43 =	vld [tilespmem:$0x10898];
	_ =	sdelay $0x4  }
0x8a: {  	[tilespmem:$0x1F8C0] =	vst v43;
	v43 =	vld [tilespmem:$0x108A8];
	_ =	sdelay $0x4  }
0x8b: {  	[tilespmem:$0x1F8D0] =	vst v43;
	v43 =	vld [tilespmem:$0x108B8];
	_ =	sdelay $0x4  }
0x8c: {  	[tilespmem:$0x1F8E0] =	vst v43;
	v43 =	vld [tilespmem:$0x108C8];
	_ =	sdelay $0x4  }
0x8d: {  	[tilespmem:$0x1F8F0] =	vst v43;
	v43 =	vld [tilespmem:$0x108D8];
	_ =	sdelay $0x4  }
0x8e: {  	[tilespmem:$0x1F900] =	vst v43;
	v43 =	vld [tilespmem:$0x108E8];
	_ =	sdelay $0x4  }
0x8f: {  	[tilespmem:$0x1F910] =	vst v43;
	v43 =	vld [tilespmem:$0x108F8];
	_ =	sdelay $0x4  }
0x90: {  	[tilespmem:$0x1F920] =	vst v43;
	v43 =	vld [tilespmem:$0x10908];
	_ =	sdelay $0x4  }
0x91: {  	[tilespmem:$0x1F930] =	vst v43;
	v43 =	vld [tilespmem:$0x10918];
	_ =	sdelay $0x4  }
0x92: {  	[tilespmem:$0x1F940] =	vst v43;
	v43 =	vld [tilespmem:$0x10928];
	_ =	sdelay $0x4  }
0x93: {  	[tilespmem:$0x1F950] =	vst v43;
	v43 =	vld [tilespmem:$0x10938];
	_ =	sdelay $0x4  }
0x94: {  	[tilespmem:$0x1F960] =	vst v43;
	v43 =	vld [tilespmem:$0x10948];
	_ =	sdelay $0x4  }
0x95: {  	[tilespmem:$0x1F970] =	vst v43;
	v43 =	vld [tilespmem:$0x10958];
	_ =	sdelay $0x4  }
0x96: {  	[tilespmem:$0x1F980] =	vst v43;
	v43 =	vld [tilespmem:$0x10968];
	_ =	sdelay $0x4  }
0x97: {  	[tilespmem:$0x1F990] =	vst v43;
	v43 =	vld [tilespmem:$0x10978];
	_ =	sdelay $0x4  }
0x98: {  	[tilespmem:$0x1F9A0] =	vst v43;
	v43 =	vld [tilespmem:$0x10988];
	_ =	sdelay $0x4  }
0x99: {  	[tilespmem:$0x1F9B0] =	vst v43;
	v43 =	vld [tilespmem:$0x10998];
	_ =	sdelay $0x4  }
0x9a: {  	[tilespmem:$0x1F9C0] =	vst v43;
	v43 =	vld [tilespmem:$0x109A8];
	_ =	sdelay $0x4  }
0x9b: {  	[tilespmem:$0x1F9D0] =	vst v43;
	v43 =	vld [tilespmem:$0x109B8];
	_ =	sdelay $0x4  }
0x9c: {  	[tilespmem:$0x1F9E0] =	vst v43;
	v43 =	vld [tilespmem:$0x109C8];
	_ =	sdelay $0x4  }
0x9d: {  	[tilespmem:$0x1F9F0] =	vst v43;
	v43 =	vld [tilespmem:$0x109D8];
	_ =	sdelay $0x4  }
0x9e: {  	[tilespmem:$0x1FA00] =	vst v43;
	v43 =	vld [tilespmem:$0x109E8];
	_ =	sdelay $0x4  }
0x9f: {  	[tilespmem:$0x1FA10] =	vst v43;
	v43 =	vld [tilespmem:$0x109F8];
	_ =	sdelay $0x4  }
0xa0: {  	[tilespmem:$0x1FA20] =	vst v43;
	v43 =	vld [tilespmem:$0x10A08];
	_ =	sdelay $0x4  }
0xa1: {  	[tilespmem:$0x1FA30] =	vst v43;
	v43 =	vld [tilespmem:$0x10A18];
	_ =	sdelay $0x4  }
0xa2: {  	[tilespmem:$0x1FA40] =	vst v43;
	v43 =	vld [tilespmem:$0x10A28];
	_ =	sdelay $0x4  }
0xa3: {  	[tilespmem:$0x1FA50] =	vst v43;
	v43 =	vld [tilespmem:$0x10A38];
	_ =	sdelay $0x4  }
0xa4: {  	[tilespmem:$0x1FA60] =	vst v43;
	v43 =	vld [tilespmem:$0x10A48];
	_ =	sdelay $0x4  }
0xa5: {  	[tilespmem:$0x1FA70] =	vst v43;
	v43 =	vld [tilespmem:$0x10A58];
	_ =	sdelay $0x4  }
0xa6: {  	[tilespmem:$0x1FA80] =	vst v43;
	v43 =	vld [tilespmem:$0x10A68];
	_ =	sdelay $0x4  }
0xa7: {  	[tilespmem:$0x1FA90] =	vst v43;
	v43 =	vld [tilespmem:$0x10A78];
	_ =	sdelay $0x4  }
0xa8: {  	[tilespmem:$0x1FAA0] =	vst v43;
	v43 =	vld [tilespmem:$0x10A88];
	_ =	sdelay $0x4  }
0xa9: {  	[tilespmem:$0x1FAB0] =	vst v43;
	v43 =	vld [tilespmem:$0x10A98];
	_ =	sdelay $0x4  }
0xaa: {  	[tilespmem:$0x1FAC0] =	vst v43;
	v43 =	vld [tilespmem:$0x10AA8];
	_ =	sdelay $0x4  }
0xab: {  	[tilespmem:$0x1FAD0] =	vst v43;
	v43 =	vld [tilespmem:$0x10AB8];
	_ =	sdelay $0x4  }
0xac: {  	[tilespmem:$0x1FAE0] =	vst v43;
	v43 =	vld [tilespmem:$0x10AC8];
	_ =	sdelay $0x4  }
0xad: {  	[tilespmem:$0x1FAF0] =	vst v43;
	v43 =	vld [tilespmem:$0x10AD8];
	_ =	sdelay $0x4  }
0xae: {  	[tilespmem:$0x1FB00] =	vst v43;
	v43 =	vld [tilespmem:$0x10AE8];
	_ =	sdelay $0x4  }
0xaf: {  	[tilespmem:$0x1FB10] =	vst v43;
	v43 =	vld [tilespmem:$0x10AF8];
	_ =	sdelay $0x4  }
0xb0: {  	[tilespmem:$0x1FB20] =	vst v43;
	v43 =	vld [tilespmem:$0x10B08];
	_ =	sdelay $0x4  }
0xb1: {  	[tilespmem:$0x1FB30] =	vst v43;
	v43 =	vld [tilespmem:$0x10B18];
	_ =	sdelay $0x4  }
0xb2: {  	[tilespmem:$0x1FB40] =	vst v43;
	v43 =	vld [tilespmem:$0x10B28];
	_ =	sdelay $0x4  }
0xb3: {  	[tilespmem:$0x1FB50] =	vst v43;
	v43 =	vld [tilespmem:$0x10B38];
	_ =	sdelay $0x4  }
0xb4: {  	[tilespmem:$0x1FB60] =	vst v43;
	v43 =	vld [tilespmem:$0x10B48];
	_ =	sdelay $0x4  }
0xb5: {  	[tilespmem:$0x1FB70] =	vst v43;
	v43 =	vld [tilespmem:$0x10B58];
	_ =	sdelay $0x4  }
0xb6: {  	[tilespmem:$0x1FB80] =	vst v43;
	v43 =	vld [tilespmem:$0x10B68];
	_ =	sdelay $0x4  }
0xb7: {  	[tilespmem:$0x1FB90] =	vst v43;
	v43 =	vld [tilespmem:$0x10B78];
	_ =	sdelay $0x4  }
0xb8: {  	[tilespmem:$0x1FBA0] =	vst v43;
	v43 =	vld [tilespmem:$0x10B88];
	_ =	sdelay $0x4  }
0xb9: {  	[tilespmem:$0x1FBB0] =	vst v43;
	v43 =	vld [tilespmem:$0x10B98];
	_ =	sdelay $0x4  }
0xba: {  	[tilespmem:$0x1FBC0] =	vst v43;
	v43 =	vld [tilespmem:$0x10BA8];
	_ =	sdelay $0x4  }
0xbb: {  	[tilespmem:$0x1FBD0] =	vst v43;
	v43 =	vld [tilespmem:$0x10BB8];
	_ =	sdelay $0x4  }
0xbc: {  	[tilespmem:$0x1FBE0] =	vst v43;
	v43 =	vld [tilespmem:$0x10BC8];
	_ =	sdelay $0x4  }
0xbd: {  	[tilespmem:$0x1FBF0] =	vst v43;
	v43 =	vld [tilespmem:$0x10BD8];
	_ =	sdelay $0x4  }
0xbe: {  	[tilespmem:$0x1FC00] =	vst v43;
	v43 =	vld [tilespmem:$0x10BE8];
	_ =	sdelay $0x4  }
0xbf: {  	[tilespmem:$0x1FC10] =	vst v43;
	v43 =	vld [tilespmem:$0x10BF8];
	_ =	sdelay $0x4  }
0xc0: {  	[tilespmem:$0x1FC20] =	vst v43;
	v43 =	vld [tilespmem:$0x10C08];
	_ =	sdelay $0x4  }
0xc1: {  	[tilespmem:$0x1FC30] =	vst v43;
	v43 =	vld [tilespmem:$0x10C18];
	_ =	sdelay $0x4  }
0xc2: {  	s4 =	simm.s32 @p1 $0x4;
	[tilespmem:$0x1FC40] =	vst v43  }
0xc3: {  	_ =	swait.ge @p1 [sflag:s4], $0x800  }
0xc4: {  	[sflag:s4] =	ssyncset.done @p1 $0x0  }
0xc5: {  	[sflag:s4] =	ssyncadd.s32 @p1 $0xFFFFF800;
	s4 =	simm.s32 @!p1 $0x1  }
0xc6: {  	_ =	swait.ge @!p1 [sflag:s4], $0x800  }
0xc7: {  	[sflag:s4] =	ssyncset.done @!p1 $0x0  }
0xc8: {  	s5 =	simm.s32 @!p1 $0x10428;
	[sflag:s4] =	ssyncadd.s32 @!p1 $0xFFFFF800;
	s4 =	simm.s32 @!p1 $0x800  }
0xc9: {  	[tilespmem:s5], [sflag:$0x3] =	stream.indirect.gather @!p1 [spmem:s1], $0x1, s25, s4, $0xb8;
	[tilespmem:$0x11638] =	vst v63  }
0xca: {  	s4 =	simm.s32 @!p1 $0x4  }
0xcb: {  	_ =	swait.ge @!p1 [sflag:s4], $0x800  }
0xcc: {  	s5 =	rddreg [dreg:$0x5];
	[sflag:s4] =	ssyncset.done @!p1 $0x0  }
0xcd: {  	[sflag:s4] =	ssyncadd.s32 @!p1 $0xFFFFF800;
	s4 =	sadd.s32 @!p1 s29, s5;
	s5 =	simm.s32 @!p1 $0xFC28  }
0xce: {  	[tilespmem:s5], [sflag:$0x2] =	stream.linear.gather @!p1 [hbm4b:s4+s20], $0x200, $0x38;
	[tilespmem:$0x11638] =	vst v63  }
0xcf: {  	s8 =	simm.s32 @!p1 $0xFE28;
	s5 =	sadd.s32 @!p1 $0x800, s4  }
0xd0: {  	[tilespmem:s8], [sflag:$0x2] =	stream.linear.gather @!p1 [hbm4b:s5+s20], $0x200, $0x38;
	[tilespmem:$0x11638] =	vst v63  }
0xd1: {  	s5 =	sadd.s32 @!p1 $0x1000, s4;
	s8 =	simm.s32 @!p1 $0x10028  }
0xd2: {  	[tilespmem:s8], [sflag:$0x2] =	stream.linear.gather @!p1 [hbm4b:s5+s20], $0x200, $0x38;
	[tilespmem:$0x11638] =	vst v63  }
0xd3: {  	s4 =	sadd.s32 @!p1 $0x1800, s4;
	s5 =	simm.s32 @!p1 $0x10228  }
0xd4: {  	[tilespmem:s5], [sflag:$0x2] =	stream.linear.gather @!p1 [hbm4b:s4+s20], $0x200, $0x38;
	[tilespmem:$0x11638] =	vst v63  }
0xd5: {  	v43 =	vld [tilespmem:$0x10C28];
	_ =	sdelay $0x4  }
0xd6: {  	[tilespmem:$0x1FC50] =	vst v43;
	v43 =	vld [tilespmem:$0x10C38];
	_ =	sdelay $0x4  }
0xd7: {  	[tilespmem:$0x1FC60] =	vst v43;
	v43 =	vld [tilespmem:$0x10C48];
	_ =	sdelay $0x1  }
0xd8: {  	v53 =	vadd.f32 v53, v40;
	v40 =	vld [tilespmem:$0x1F650]  }
0xd9: {  	v56 =	vadd.f32 v56, v42;
	v42 =	vld [tilespmem:$0x10D18]  }
0xda: {  	v59 =	vadd.f32 v59, v48;
	v48 =	vld [tilespmem:$0x10D38]  }
0xdb: {  	[tilespmem:$0x1FC70] =	vst v43;
	v43 =	vld [tilespmem:$0x10C58]  }
0xdc: {  	v52 =	vadd.f32 v52, v41;
	v41 =	vld [tilespmem:$0x1F660]  }
0xdd: {  	v58 =	vadd.f32 v58, v45;
	v45 =	vld [tilespmem:$0x10D28]  }
0xde: {  	[tilespmem:$0x1FCE0] =	vst v42;
	v42 =	vld [tilespmem:$0x1F670]  }
0xdf: {  	[tilespmem:$0x1FD00] =	vst v48;
	v48 =	vadd.f32 v13, v37;
	v37 =	vld [tilespmem:$0x1F690]  }
0xe0: {  	v8 =	vadd.f32 v8, v32;
	[tilespmem:$0x1FC80] =	vst v43;
	v43 =	vld [tilespmem:$0x10C68]  }
0xe1: {  	v9 =	vadd.f32 v9, v31;
	v30 =	vadd.f32 v16, v30  }
0xe2: {  	v5 =	vadd.f32 v5, v28;
	[tilespmem:$0x1FCF0] =	vst v45;
	v45 =	vadd.f32 v40, v8;
	v40 =	vld [tilespmem:$0x10D98]  }
0xe3: {  	v28 =	vadd.f32 v44, v34;
	v8 =	vadd.f32 v41, v9;
	v41 =	vld [tilespmem:$0x1F6B0]  }
0xe4: {  	v44 =	vadd.f32 v42, v30;
	v42 =	vadd.f32 v37, v5;
	v5 =	vld [tilespmem:$0x1F6C0]  }
0xe5: {  	[tilespmem:$0x1FC90] =	vst v43;
	v43 =	vld [tilespmem:$0x1F640];
	_ =	sdelay $0x1  }
0xe6: {  	v12 =	vadd.f32 v12, v26;
	v4 =	vadd.f32 v4, v25;
	_ =	sdelay $0x1  }
0xe7: {  	[tilespmem:$0x1FD20] =	vst v40;
	v40 =	vadd.f32 v41, v12;
	v41 =	vadd.f32 v5, v4;
	v4 =	vld [tilespmem:$0x1F700]  }
0xe8: {  	v55 =	vadd.f32 v55, v43;
	v43 =	vld [tilespmem:$0x1F680];
	_ =	sdelay $0x1  }
0xe9: {  	v7 =	vadd.f32 v7, v29;
	v2 =	vadd.f32 v2, v24;
	v24 =	vld [tilespmem:$0x1F900]  }
0xea: {  	v1 =	vadd.f32 v1, v21;
	v50 =	vadd.f32 v50, v39;
	v39 =	vld [tilespmem:$0x10D48]  }
0xeb: {  	v51 =	vadd.f32 v51, v38;
	v5 =	vld [tilespmem:$0x1F710]  }
0xec: {  	v1 =	vadd.f32 v4, v1;
	v38 =	vadd.f32 v43, v7;
	v7 =	vld [tilespmem:$0x10DA8];
	_ =	sdelay $0x1  }
0xed: {  	v1 =	vadd.f32 v24, v1;
	v24 =	vld [tilespmem:$0x1F910]  }
0xee: {  	v62 =	vadd.f32 v62, v20;
	[tilespmem:$0x1FD10] =	vst v39;
	v39 =	vld [tilespmem:$0x1F6A0]  }
0xef: {  	v9 =	vld [tilespmem:$0x1F6D0]  }
0xf0: {  	v62 =	vadd.f32 v5, v62;
	[tilespmem:$0x1FD30] =	vst v7;
	v7 =	vld [tilespmem:$0x1F720]  }
0xf1: {  	v0 =	vadd.f32 v0, v27  }
0xf2: {  	v32 =	vadd.f32 v63, v22;
	v62 =	vadd.f32 v24, v62;
	v24 =	vld [tilespmem:$0x1F920]  }
0xf3: {  	v57 =	vadd.f32 v57, v19;
	v61 =	vadd.f32 v61, v33  }
0xf4: {  	v33 =	vadd.f32 v10, v17;
	v63 =	vld [tilespmem:$0x10CF8];
	v43 =	vadd.f32 v39, v0  }
0xf5: {  	v10 =	vld [tilespmem:$0x1F6E0];
	v0 =	vadd.f32 v9, v2;
	v2 =	vadd.f32 v7, v57;
	_ =	sdelay $0x1  }
0xf6: {  	v2 =	vadd.f32 v24, v2;
	v24 =	vld [tilespmem:$0x10ED8]  }
0xf7: {  	v3 =	vadd.f32 v3, v23  }
0xf8: {  	[tilespmem:$0x1FCD0] =	vst v63;
	v63 =	vadd.f32 v11, v46;
	v11 =	vld [tilespmem:$0x10DB8]  }
0xf9: {  	v39 =	vadd.f32 v10, v3;
	v10 =	vld [tilespmem:$0x1F730];
	_ =	sdelay $0x1  }
0xfa: {  	[tilespmem:$0x1FE00] =	vst v24;
	v24 =	vld [tilespmem:$0x1F930]  }
0xfb: {  	v60 =	vadd.f32 v60, v18;
	_ =	sdelay $0x1  }
0xfc: {  	[tilespmem:$0x1FD40] =	vst v11;
	v11 =	vld [tilespmem:$0x1F740];
	v60 =	vadd.f32 v10, v60;
	_ =	sdelay $0x1  }
0xfd: {  	v60 =	vadd.f32 v24, v60;
	v24 =	vld [tilespmem:$0x1F940];
	_ =	sdelay $0x2  }
0xfe: {  	v3 =	vadd.f32 v11, v61;
	_ =	sdelay $0x1  }
0xff: {  	v3 =	vadd.f32 v24, v3;
	v24 =	vld [tilespmem:$0x10EE8];
	_ =	sdelay $0x1  }
0x100: {  	v9 =	vld [tilespmem:$0x10DD8]  }
0x101: {  	v61 =	vld [tilespmem:$0x1F750];
	_ =	sdelay $0x1  }
0x102: {  	[tilespmem:$0x1FE10] =	vst v24;
	v24 =	vld [tilespmem:$0x1F950];
	_ =	sdelay $0x2  }
0x103: {  	[tilespmem:$0x1FD50] =	vst v9;
	v4 =	vadd.f32 v61, v33;
	v9 =	vld [tilespmem:$0x1F760];
	_ =	sdelay $0x1  }
0x104: {  	v4 =	vadd.f32 v24, v4;
	v24 =	vld [tilespmem:$0x1F960];
	_ =	sdelay $0x2  }
0x105: {  	v5 =	vadd.f32 v9, v59;
	_ =	sdelay $0x1  }
0x106: {  	v5 =	vadd.f32 v24, v5;
	v24 =	vld [tilespmem:$0x10EF8];
	_ =	sdelay $0x2  }
0x107: {  	v10 =	vld [tilespmem:$0x1F770];
	_ =	sdelay $0x1  }
0x108: {  	[tilespmem:$0x1FE20] =	vst v24;
	v24 =	vld [tilespmem:$0x1F970];
	_ =	sdelay $0x2  }
0x109: {  	v11 =	vld [tilespmem:$0x1F780];
	v63 =	vadd.f32 v10, v63;
	_ =	sdelay $0x1  }
0x10a: {  	v63 =	vadd.f32 v24, v63;
	v24 =	vld [tilespmem:$0x1F980];
	_ =	sdelay $0x2  }
0x10b: {  	v7 =	vadd.f32 v11, v58;
	_ =	sdelay $0x1  }
0x10c: {  	v7 =	vadd.f32 v24, v7;
	v24 =	vld [tilespmem:$0x10F08];
	_ =	sdelay $0x2  }
0x10d: {  	v58 =	vld [tilespmem:$0x1F790];
	_ =	sdelay $0x1  }
0x10e: {  	[tilespmem:$0x1FE30] =	vst v24;
	v24 =	vld [tilespmem:$0x1F990]  }
0x10f: {  	v6 =	vadd.f32 v14, v6;
	_ =	sdelay $0x1  }
0x110: {  	v59 =	vld [tilespmem:$0x1F7A0];
	v6 =	vadd.f32 v58, v6;
	_ =	sdelay $0x1  }
0x111: {  	v6 =	vadd.f32 v24, v6;
	v24 =	vld [tilespmem:$0x1F9A0];
	_ =	sdelay $0x1  }
0x112: {  	v57 =	vld [tilespmem:$0x10DE8]  }
0x113: {  	v9 =	vadd.f32 v59, v56;
	_ =	sdelay $0x1  }
0x114: {  	v9 =	vadd.f32 v24, v9;
	v24 =	vld [tilespmem:$0x10F18];
	_ =	sdelay $0x1  }
0x115: {  	[tilespmem:$0x1FD60] =	vst v57;
	v57 =	vld [tilespmem:$0x10E08]  }
0x116: {  	v56 =	vld [tilespmem:$0x1F7B0];
	_ =	sdelay $0x1  }
0x117: {  	[tilespmem:$0x1FE40] =	vst v24;
	v24 =	vld [tilespmem:$0x1F9B0]  }
0x118: {  	v54 =	vadd.f32 v54, v15;
	_ =	sdelay $0x1  }
0x119: {  	[tilespmem:$0x1FD70] =	vst v57;
	v10 =	vadd.f32 v56, v54;
	v57 =	vld [tilespmem:$0x1F7C0];
	_ =	sdelay $0x1  }
0x11a: {  	v10 =	vadd.f32 v24, v10;
	v24 =	vld [tilespmem:$0x1F9C0];
	_ =	sdelay $0x2  }
0x11b: {  	v55 =	vadd.f32 v57, v55;
	_ =	sdelay $0x1  }
0x11c: {  	v55 =	vadd.f32 v24, v55;
	v24 =	vld [tilespmem:$0x10F28];
	_ =	sdelay $0x2  }
0x11d: {  	v59 =	vld [tilespmem:$0x1F7D0];
	_ =	sdelay $0x1  }
0x11e: {  	[tilespmem:$0x1FE50] =	vst v24;
	v24 =	vld [tilespmem:$0x1F9D0];
	_ =	sdelay $0x2  }
0x11f: {  	v12 =	vld [tilespmem:$0x1F7E0];
	v11 =	vadd.f32 v59, v52;
	_ =	sdelay $0x1  }
0x120: {  	v11 =	vadd.f32 v24, v11;
	v24 =	vld [tilespmem:$0x1F9E0];
	_ =	sdelay $0x2  }
0x121: {  	v53 =	vadd.f32 v12, v53;
	v12 =	vld [tilespmem:$0x10E38];
	_ =	sdelay $0x1  }
0x122: {  	v53 =	vadd.f32 v24, v53;
	v24 =	vld [tilespmem:$0x10F38];
	_ =	sdelay $0x2  }
0x123: {  	[tilespmem:$0x1FDA0] =	vst v12;
	v12 =	vld [tilespmem:$0x1F7F0];
	_ =	sdelay $0x1  }
0x124: {  	[tilespmem:$0x1FE60] =	vst v24;
	v24 =	vld [tilespmem:$0x1F9F0];
	_ =	sdelay $0x2  }
0x125: {  	v50 =	vadd.f32 v12, v50;
	v12 =	vld [tilespmem:$0x1F800];
	_ =	sdelay $0x1  }
0x126: {  	v50 =	vadd.f32 v24, v50;
	v24 =	vld [tilespmem:$0x1FA00];
	_ =	sdelay $0x2  }
0x127: {  	v13 =	vld [tilespmem:$0x10E48];
	v12 =	vadd.f32 v12, v51;
	_ =	sdelay $0x1  }
0x128: {  	v12 =	vadd.f32 v24, v12;
	v24 =	vld [tilespmem:$0x10F48];
	_ =	sdelay $0x2  }
0x129: {  	[tilespmem:$0x1FDB0] =	vst v13;
	v13 =	vld [tilespmem:$0x1F810];
	_ =	sdelay $0x1  }
0x12a: {  	[tilespmem:$0x1FE70] =	vst v24;
	v24 =	vld [tilespmem:$0x1FA10];
	_ =	sdelay $0x2  }
0x12b: {  	v14 =	vld [tilespmem:$0x1F820];
	v13 =	vadd.f32 v13, v48;
	_ =	sdelay $0x1  }
0x12c: {  	v13 =	vadd.f32 v24, v13;
	v24 =	vld [tilespmem:$0x1FA20]  }
0x12d: {  	v49 =	vadd.f32 v49, v36;
	_ =	sdelay $0x1  }
0x12e: {  	v49 =	vadd.f32 v14, v49;
	v14 =	vld [tilespmem:$0x10E58];
	_ =	sdelay $0x1  }
0x12f: {  	v49 =	vadd.f32 v24, v49;
	v24 =	vld [tilespmem:$0x10F58];
	_ =	sdelay $0x2  }
0x130: {  	[tilespmem:$0x1FDC0] =	vst v14;
	v14 =	vld [tilespmem:$0x1F830];
	_ =	sdelay $0x1  }
0x131: {  	[tilespmem:$0x1FE80] =	vst v24;
	v24 =	vld [tilespmem:$0x1FA30]  }
0x132: {  	v47 =	vadd.f32 v47, v35  }
0x133: {  	v16 =	vld [tilespmem:$0x10CC8]  }
0x134: {  	v47 =	vadd.f32 v14, v47;
	v14 =	vld [tilespmem:$0x1F840];
	_ =	sdelay $0x1  }
0x135: {  	v47 =	vadd.f32 v24, v47;
	v24 =	vld [tilespmem:$0x1FA40];
	_ =	sdelay $0x2  }
0x136: {  	[tilespmem:$0x1FCA0] =	vst v16;
	v16 =	vld [tilespmem:$0x10CD8];
	v14 =	vadd.f32 v14, v28;
	_ =	sdelay $0x1  }
0x137: {  	v14 =	vadd.f32 v24, v14;
	v24 =	vld [tilespmem:$0x10F68];
	_ =	sdelay $0x1  }
0x138: {  	v15 =	vld [tilespmem:$0x1F850]  }
0x139: {  	[tilespmem:$0x1FCB0] =	vst v16;
	v16 =	vld [tilespmem:$0x10CE8];
	_ =	sdelay $0x1  }
0x13a: {  	[tilespmem:$0x1FE90] =	vst v24;
	v24 =	vld [tilespmem:$0x1FA50];
	_ =	sdelay $0x2  }
0x13b: {  	v15 =	vadd.f32 v15, v45;
	[tilespmem:$0x1FCC0] =	vst v16;
	v16 =	vld [tilespmem:$0x1F860];
	_ =	sdelay $0x1  }
0x13c: {  	v15 =	vadd.f32 v24, v15;
	v24 =	vld [tilespmem:$0x1FA60];
	_ =	sdelay $0x2  }
0x13d: {  	v8 =	vadd.f32 v16, v8;
	v16 =	vld [tilespmem:$0x10E78];
	_ =	sdelay $0x1  }
0x13e: {  	v8 =	vadd.f32 v24, v8;
	v24 =	vld [tilespmem:$0x10F78];
	_ =	sdelay $0x2  }
0x13f: {  	[tilespmem:$0x1FDD0] =	vst v16;
	v16 =	vld [tilespmem:$0x1F870];
	_ =	sdelay $0x1  }
0x140: {  	[tilespmem:$0x1FEA0] =	vst v24;
	v24 =	vld [tilespmem:$0x1FA70];
	_ =	sdelay $0x2  }
0x141: {  	v17 =	vld [tilespmem:$0x1F880];
	v16 =	vadd.f32 v16, v44;
	_ =	sdelay $0x1  }
0x142: {  	v16 =	vadd.f32 v24, v16;
	v24 =	vld [tilespmem:$0x1FA80];
	_ =	sdelay $0x2  }
0x143: {  	v17 =	vadd.f32 v17, v38;
	_ =	sdelay $0x1  }
0x144: {  	v17 =	vadd.f32 v24, v17;
	v24 =	vld [tilespmem:$0x10F88];
	_ =	sdelay $0x2  }
0x145: {  	v18 =	vld [tilespmem:$0x1F890];
	_ =	sdelay $0x1  }
0x146: {  	[tilespmem:$0x1FEB0] =	vst v24;
	v24 =	vld [tilespmem:$0x1FA90];
	_ =	sdelay $0x2  }
0x147: {  	v19 =	vld [tilespmem:$0x1F8A0];
	v18 =	vadd.f32 v18, v42;
	_ =	sdelay $0x1  }
0x148: {  	v18 =	vadd.f32 v24, v18;
	v24 =	vld [tilespmem:$0x1FAA0];
	_ =	sdelay $0x2  }
0x149: {  	v20 =	vld [tilespmem:$0x10E98];
	v19 =	vadd.f32 v19, v43;
	_ =	sdelay $0x1  }
0x14a: {  	v19 =	vadd.f32 v24, v19;
	v24 =	vld [tilespmem:$0x10F98];
	_ =	sdelay $0x2  }
0x14b: {  	[tilespmem:$0x1FDE0] =	vst v20;
	v20 =	vld [tilespmem:$0x1F8B0];
	_ =	sdelay $0x1  }
0x14c: {  	[tilespmem:$0x1FEC0] =	vst v24;
	v24 =	vld [tilespmem:$0x1FAB0];
	_ =	sdelay $0x2  }
0x14d: {  	v21 =	vld [tilespmem:$0x1F8C0];
	v20 =	vadd.f32 v20, v40;
	_ =	sdelay $0x1  }
0x14e: {  	v20 =	vadd.f32 v24, v20;
	v24 =	vld [tilespmem:$0x1FAC0];
	_ =	sdelay $0x2  }
0x14f: {  	v22 =	vld [tilespmem:$0x10EA8];
	v21 =	vadd.f32 v21, v41;
	_ =	sdelay $0x1  }
0x150: {  	v21 =	vadd.f32 v24, v21;
	v24 =	vld [tilespmem:$0x10FA8];
	_ =	sdelay $0x2  }
0x151: {  	[tilespmem:$0x1FDF0] =	vst v22;
	v22 =	vld [tilespmem:$0x1F8D0];
	_ =	sdelay $0x1  }
0x152: {  	[tilespmem:$0x1FED0] =	vst v24;
	v24 =	vld [tilespmem:$0x1FAD0];
	_ =	sdelay $0x2  }
0x153: {  	v0 =	vadd.f32 v22, v0;
	v22 =	vld [tilespmem:$0x1F8E0];
	_ =	sdelay $0x1  }
0x154: {  	v0 =	vadd.f32 v24, v0;
	v24 =	vld [tilespmem:$0x1FAE0];
	_ =	sdelay $0x2  }
0x155: {  	v22 =	vadd.f32 v22, v39;
	_ =	sdelay $0x1  }
0x156: {  	v22 =	vadd.f32 v24, v22;
	v24 =	vld [tilespmem:$0x10FB8]  }
0x157: {  	v37 =	vld [tilespmem:$0x1F6F0];
	_ =	sdelay $0x1  }
0x158: {  	v23 =	vld [tilespmem:$0x1F8F0];
	_ =	sdelay $0x1  }
0x159: {  	[tilespmem:$0x1FEE0] =	vst v24;
	v24 =	vld [tilespmem:$0x1FAF0]  }
0x15a: {  	v37 =	vadd.f32 v37, v32;
	_ =	sdelay $0x1  }
0x15b: {  	v23 =	vadd.f32 v23, v37;
	_ =	sdelay $0x1  }
0x15c: {  	v23 =	vadd.f32 v24, v23;
	v24 =	vld [tilespmem:$0x1FB00];
	_ =	sdelay $0x4  }
0x15d: {  	v1 =	vadd.f32 v24, v1;
	v24 =	vld [tilespmem:$0x10FC8];
	_ =	sdelay $0x4  }
0x15e: {  	[tilespmem:$0x1FEF0] =	vst v24;
	v24 =	vld [tilespmem:$0x1FB10];
	_ =	sdelay $0x4  }
0x15f: {  	v62 =	vadd.f32 v24, v62;
	v24 =	vld [tilespmem:$0x1FB20];
	_ =	sdelay $0x4  }
0x160: {  	v2 =	vadd.f32 v24, v2;
	v24 =	vld [tilespmem:$0x10FD8];
	_ =	sdelay $0x4  }
0x161: {  	[tilespmem:$0x1FF00] =	vst v24;
	v24 =	vld [tilespmem:$0x1FB30];
	_ =	sdelay $0x4  }
0x162: {  	v60 =	vadd.f32 v24, v60;
	v24 =	vld [tilespmem:$0x1FB40];
	_ =	sdelay $0x4  }
0x163: {  	v3 =	vadd.f32 v24, v3;
	v24 =	vld [tilespmem:$0x10FE8];
	_ =	sdelay $0x4  }
0x164: {  	[tilespmem:$0x1FF10] =	vst v24;
	v24 =	vld [tilespmem:$0x1FB50];
	_ =	sdelay $0x4  }
0x165: {  	v4 =	vadd.f32 v24, v4;
	v24 =	vld [tilespmem:$0x1FB60];
	_ =	sdelay $0x4  }
0x166: {  	v5 =	vadd.f32 v24, v5;
	v24 =	vld [tilespmem:$0x10FF8];
	_ =	sdelay $0x4  }
0x167: {  	[tilespmem:$0x1FF20] =	vst v24;
	v24 =	vld [tilespmem:$0x1FB70];
	_ =	sdelay $0x4  }
0x168: {  	v63 =	vadd.f32 v24, v63;
	v24 =	vld [tilespmem:$0x1FB80];
	_ =	sdelay $0x4  }
0x169: {  	v7 =	vadd.f32 v24, v7;
	v24 =	vld [tilespmem:$0x11008];
	_ =	sdelay $0x4  }
0x16a: {  	[tilespmem:$0x1FF30] =	vst v24;
	v24 =	vld [tilespmem:$0x1FB90];
	_ =	sdelay $0x4  }
0x16b: {  	v6 =	vadd.f32 v24, v6;
	v24 =	vld [tilespmem:$0x1FBA0];
	_ =	sdelay $0x4  }
0x16c: {  	v9 =	vadd.f32 v24, v9;
	v24 =	vld [tilespmem:$0x11018];
	_ =	sdelay $0x4  }
0x16d: {  	[tilespmem:$0x1FF40] =	vst v24;
	v24 =	vld [tilespmem:$0x1FBB0];
	_ =	sdelay $0x4  }
0x16e: {  	v10 =	vadd.f32 v24, v10;
	v24 =	vld [tilespmem:$0x1FBC0];
	_ =	sdelay $0x4  }
0x16f: {  	v55 =	vadd.f32 v24, v55;
	v24 =	vld [tilespmem:$0x11028];
	_ =	sdelay $0x4  }
0x170: {  	[tilespmem:$0x1FF50] =	vst v24;
	v24 =	vld [tilespmem:$0x1FBD0];
	_ =	sdelay $0x4  }
0x171: {  	v11 =	vadd.f32 v24, v11;
	v24 =	vld [tilespmem:$0x1FBE0];
	_ =	sdelay $0x4  }
0x172: {  	v53 =	vadd.f32 v24, v53;
	v24 =	vld [tilespmem:$0x11038];
	_ =	sdelay $0x4  }
0x173: {  	[tilespmem:$0x1FF60] =	vst v24;
	v24 =	vld [tilespmem:$0x1FBF0];
	_ =	sdelay $0x4  }
0x174: {  	v50 =	vadd.f32 v24, v50;
	v24 =	vld [tilespmem:$0x1FC00];
	_ =	sdelay $0x4  }
0x175: {  	v12 =	vadd.f32 v24, v12;
	v24 =	vld [tilespmem:$0x11048];
	_ =	sdelay $0x4  }
0x176: {  	[tilespmem:$0x1FF70] =	vst v24;
	v24 =	vld [tilespmem:$0x1FC10];
	_ =	sdelay $0x4  }
0x177: {  	v13 =	vadd.f32 v24, v13;
	v24 =	vld [tilespmem:$0x1FC20];
	_ =	sdelay $0x4  }
0x178: {  	v49 =	vadd.f32 v24, v49;
	v24 =	vld [tilespmem:$0x11058];
	_ =	sdelay $0x4  }
0x179: {  	[tilespmem:$0x1FF80] =	vst v24;
	v24 =	vld [tilespmem:$0x1FC30];
	_ =	sdelay $0x4  }
0x17a: {  	v47 =	vadd.f32 v24, v47;
	v24 =	vld [tilespmem:$0x1FC40];
	_ =	sdelay $0x4  }
0x17b: {  	v14 =	vadd.f32 v24, v14;
	v24 =	vld [tilespmem:$0x11068];
	_ =	sdelay $0x4  }
0x17c: {  	[tilespmem:$0x1FF90] =	vst v24;
	v24 =	vld [tilespmem:$0x1FC50];
	_ =	sdelay $0x4  }
0x17d: {  	v15 =	vadd.f32 v24, v15;
	v24 =	vld [tilespmem:$0x1FC60];
	_ =	sdelay $0x4  }
0x17e: {  	v8 =	vadd.f32 v24, v8;
	v24 =	vld [tilespmem:$0x11078];
	_ =	sdelay $0x4  }
0x17f: {  	[tilespmem:$0x1FFA0] =	vst v24;
	v24 =	vld [tilespmem:$0x1FC70];
	_ =	sdelay $0x4  }
0x180: {  	v16 =	vadd.f32 v24, v16;
	v24 =	vld [tilespmem:$0x1FC80];
	_ =	sdelay $0x4  }
0x181: {  	v17 =	vadd.f32 v24, v17;
	v24 =	vld [tilespmem:$0x11088];
	_ =	sdelay $0x4  }
0x182: {  	[tilespmem:$0x1FFB0] =	vst v24;
	v24 =	vld [tilespmem:$0x1FC90];
	_ =	sdelay $0x4  }
0x183: {  	v18 =	vadd.f32 v24, v18;
	v24 =	vld [tilespmem:$0x11098];
	_ =	sdelay $0x4  }
0x184: {  	[tilespmem:$0x1FFC0] =	vst v24;
	v24 =	vld [tilespmem:$0x110A8];
	_ =	sdelay $0x4  }
0x185: {  	[tilespmem:$0x1FFD0] =	vst v24;
	v24 =	vld [tilespmem:$0x110B8];
	_ =	sdelay $0x4  }
0x186: {  	[tilespmem:$0x1FFE0] =	vst v24;
	v24 =	vld [tilespmem:$0x1FCA0];
	_ =	sdelay $0x4  }
0x187: {  	v23 =	vadd.f32 v24, v23;
	v24 =	vld [tilespmem:$0x1FCB0];
	_ =	sdelay $0x4  }
0x188: {  	v1 =	vadd.f32 v24, v1;
	v24 =	vld [tilespmem:$0x1FCC0];
	_ =	sdelay $0x4  }
0x189: {  	v62 =	vadd.f32 v24, v62;
	v24 =	vld [tilespmem:$0x1FCD0];
	_ =	sdelay $0x4  }
0x18a: {  	v2 =	vadd.f32 v24, v2;
	v24 =	vld [tilespmem:$0x1FCE0];
	_ =	sdelay $0x4  }
0x18b: {  	v3 =	vadd.f32 v24, v3;
	v24 =	vld [tilespmem:$0x1FCF0];
	_ =	sdelay $0x4  }
0x18c: {  	v4 =	vadd.f32 v24, v4;
	v24 =	vld [tilespmem:$0x1FD00];
	_ =	sdelay $0x4  }
0x18d: {  	v5 =	vadd.f32 v24, v5;
	v24 =	vld [tilespmem:$0x1FD10];
	_ =	sdelay $0x4  }
0x18e: {  	v63 =	vadd.f32 v24, v63;
	v24 =	vld [tilespmem:$0x1FD20];
	_ =	sdelay $0x4  }
0x18f: {  	v55 =	vadd.f32 v24, v55;
	v24 =	vld [tilespmem:$0x1FD30];
	_ =	sdelay $0x4  }
0x190: {  	v11 =	vadd.f32 v24, v11;
	v24 =	vld [tilespmem:$0x1FD40];
	_ =	sdelay $0x4  }
0x191: {  	v53 =	vadd.f32 v24, v53;
	v24 =	vld [tilespmem:$0x1FD50];
	_ =	sdelay $0x4  }
0x192: {  	v12 =	vadd.f32 v24, v12;
	v24 =	vld [tilespmem:$0x1FD60];
	_ =	sdelay $0x3  }
0x193: {  	v61 =	vld [tilespmem:$0x10E18]  }
0x194: {  	v13 =	vadd.f32 v24, v13;
	v24 =	vld [tilespmem:$0x1FD70];
	_ =	sdelay $0x3  }
0x195: {  	[tilespmem:$0x1FD80] =	vst v61;
	v58 =	vld [tilespmem:$0x10E28]  }
0x196: {  	v47 =	vadd.f32 v24, v47;
	v24 =	vld [tilespmem:$0x1FD80];
	_ =	sdelay $0x3  }
0x197: {  	[tilespmem:$0x1FD90] =	vst v58  }
0x198: {  	v14 =	vadd.f32 v24, v14;
	v24 =	vld [tilespmem:$0x1FD90];
	_ =	sdelay $0x4  }
0x199: {  	v15 =	vadd.f32 v24, v15;
	v24 =	vld [tilespmem:$0x1FDA0];
	_ =	sdelay $0x4  }
0x19a: {  	v8 =	vadd.f32 v24, v8;
	v24 =	vld [tilespmem:$0x1FDB0];
	_ =	sdelay $0x4  }
0x19b: {  	v16 =	vadd.f32 v24, v16;
	v24 =	vld [tilespmem:$0x1FDC0];
	_ =	sdelay $0x2  }
0x19c: {  	v31 =	vld [tilespmem:$0x10C78];
	_ =	sdelay $0x1  }
0x19d: {  	v17 =	vadd.f32 v24, v17;
	v24 =	vld [tilespmem:$0x1FDD0];
	_ =	sdelay $0x2  }
0x19e: {  	v27 =	vld [tilespmem:$0x10C98];
	v19 =	vadd.f32 v31, v19;
	_ =	sdelay $0x1  }
0x19f: {  	v19 =	vadd.f32 v24, v19;
	v24 =	vld [tilespmem:$0x1FDE0];
	_ =	sdelay $0x2  }
0x1a0: {  	v25 =	vld [tilespmem:$0x10CA8];
	v21 =	vadd.f32 v27, v21;
	_ =	sdelay $0x1  }
0x1a1: {  	v21 =	vadd.f32 v24, v21;
	v24 =	vld [tilespmem:$0x1FDF0];
	_ =	sdelay $0x2  }
0x1a2: {  	v0 =	vadd.f32 v25, v0;
	_ =	sdelay $0x1  }
0x1a3: {  	v0 =	vadd.f32 v24, v0;
	v24 =	vld [tilespmem:$0x1FE00];
	_ =	sdelay $0x4  }
0x1a4: {  	v1 =	vadd.f32 v24, v1;
	v24 =	vld [tilespmem:$0x1FE10];
	_ =	sdelay $0x4  }
0x1a5: {  	v62 =	vadd.f32 v24, v62;
	v24 =	vld [tilespmem:$0x1FE20];
	_ =	sdelay $0x2  }
0x1a6: {  	v46 =	vld [tilespmem:$0x10D08];
	_ =	sdelay $0x1  }
0x1a7: {  	v2 =	vadd.f32 v24, v2;
	v24 =	vld [tilespmem:$0x1FE30];
	_ =	sdelay $0x2  }
0x1a8: {  	v60 =	vadd.f32 v46, v60;
	_ =	sdelay $0x1  }
0x1a9: {  	v60 =	vadd.f32 v24, v60;
	v24 =	vld [tilespmem:$0x1FE40];
	_ =	sdelay $0x4  }
0x1aa: {  	v3 =	vadd.f32 v24, v3;
	v24 =	vld [tilespmem:$0x1FE50];
	_ =	sdelay $0x4  }
0x1ab: {  	v4 =	vadd.f32 v24, v4;
	v24 =	vld [tilespmem:$0x1FE60];
	_ =	sdelay $0x4  }
0x1ac: {  	v5 =	vadd.f32 v24, v5;
	v24 =	vld [tilespmem:$0x1FE70];
	_ =	sdelay $0x2  }
0x1ad: {  	v36 =	vld [tilespmem:$0x10D58];
	_ =	sdelay $0x1  }
0x1ae: {  	v63 =	vadd.f32 v24, v63;
	v24 =	vld [tilespmem:$0x1FE80];
	_ =	sdelay $0x2  }
0x1af: {  	v34 =	vld [tilespmem:$0x10D68];
	v7 =	vadd.f32 v36, v7;
	_ =	sdelay $0x1  }
0x1b0: {  	v7 =	vadd.f32 v24, v7;
	v24 =	vld [tilespmem:$0x1FE90];
	_ =	sdelay $0x2  }
0x1b1: {  	v35 =	vld [tilespmem:$0x10D78];
	v6 =	vadd.f32 v34, v6;
	_ =	sdelay $0x1  }
0x1b2: {  	v6 =	vadd.f32 v24, v6;
	v24 =	vld [tilespmem:$0x1FEA0];
	_ =	sdelay $0x2  }
0x1b3: {  	v30 =	vld [tilespmem:$0x10D88];
	v9 =	vadd.f32 v35, v9;
	_ =	sdelay $0x1  }
0x1b4: {  	v9 =	vadd.f32 v24, v9;
	v24 =	vld [tilespmem:$0x1FEB0];
	_ =	sdelay $0x2  }
0x1b5: {  	v10 =	vadd.f32 v30, v10;
	_ =	sdelay $0x1  }
0x1b6: {  	v10 =	vadd.f32 v24, v10;
	v24 =	vld [tilespmem:$0x1FEC0];
	_ =	sdelay $0x4  }
0x1b7: {  	v55 =	vadd.f32 v24, v55;
	v24 =	vld [tilespmem:$0x1FED0];
	_ =	sdelay $0x1  }
0x1b8: {  	v29 =	vld [tilespmem:$0x10C88]  }
0x1b9: {  	v26 =	vld [tilespmem:$0x10CB8]  }
0x1ba: {  	v45 =	vld [tilespmem:$0x11158]  }
0x1bb: {  	v11 =	vadd.f32 v24, v11;
	v24 =	vld [tilespmem:$0x1FEE0]  }
0x1bc: {  	v42 =	vld [tilespmem:$0x11188]  }
0x1bd: {  	v40 =	vld [tilespmem:$0x111A8]  }
0x1be: {  	v32 =	vld [tilespmem:$0x10DC8]  }
0x1bf: {  	v28 =	vld [tilespmem:$0x10E68]  }
0x1c0: {  	v53 =	vadd.f32 v24, v53;
	v24 =	vld [tilespmem:$0x1FEF0]  }
0x1c1: {  	v48 =	vld [tilespmem:$0x11138]  }
0x1c2: {  	v37 =	vld [tilespmem:$0x10EC8]  }
0x1c3: {  	v41 =	vld [tilespmem:$0x11198];
	v50 =	vadd.f32 v32, v50  }
0x1c4: {  	v51 =	vld [tilespmem:$0x11128]  }
0x1c5: {  	v50 =	vadd.f32 v24, v50;
	v24 =	vld [tilespmem:$0x1FF00]  }
0x1c6: {  	v44 =	vld [tilespmem:$0x11168]  }
0x1c7: {  	v38 =	vld [tilespmem:$0x10E88]  }
0x1c8: {  	v43 =	vld [tilespmem:$0x11178]  }
0x1c9: {  	v33 =	vld [tilespmem:$0x10DF8]  }
0x1ca: {  	v12 =	vadd.f32 v24, v12;
	v24 =	vld [tilespmem:$0x1FF10]  }
0x1cb: {  	v39 =	vld [tilespmem:$0x10EB8]  }
0x1cc: {  	v59 =	vld [tilespmem:$0x110C8]  }
0x1cd: {  	v58 =	vld [tilespmem:$0x110D8]  }
0x1ce: {  	v56 =	vld [tilespmem:$0x110F8]  }
0x1cf: {  	v13 =	vadd.f32 v24, v13;
	v24 =	vld [tilespmem:$0x1FF20]  }
0x1d0: {  	v54 =	vld [tilespmem:$0x11108]  }
0x1d1: {  	v52 =	vld [tilespmem:$0x11118]  }
0x1d2: {  	v57 =	vld [tilespmem:$0x110E8];
	v49 =	vadd.f32 v33, v49  }
0x1d3: {  	v31 =	vld [tilespmem:$0x11238]  }
0x1d4: {  	v20 =	vadd.f32 v29, v20;
	v49 =	vadd.f32 v24, v49;
	v24 =	vld [tilespmem:$0x1FF30]  }
0x1d5: {  	v29 =	vld [tilespmem:$0x11258]  }
0x1d6: {  	v20 =	vadd.f32 v38, v20;
	v38 =	vld [tilespmem:$0x111C8]  }
0x1d7: {  	v27 =	vld [tilespmem:$0x11278]  }
0x1d8: {  	v25 =	vld [tilespmem:$0x11298]  }
0x1d9: {  	v22 =	vadd.f32 v26, v22;
	v47 =	vadd.f32 v24, v47;
	v24 =	vld [tilespmem:$0x1FF40]  }
0x1da: {  	v26 =	vld [tilespmem:$0x11288]  }
0x1db: {  	v22 =	vadd.f32 v39, v22;
	v39 =	vld [tilespmem:$0x111B8]  }
0x1dc: {  	v46 =	vld [tilespmem:$0x11148]  }
0x1dd: {  	v61 =	vld [tilespmem:$0x1FFD0]  }
0x1de: {  	v14 =	vadd.f32 v24, v14;
	v24 =	vld [tilespmem:$0x1FF50]  }
0x1df: {  	v36 =	vld [tilespmem:$0x111E8]  }
0x1e0: {  	v34 =	vld [tilespmem:$0x11208]  }
0x1e1: {  	v35 =	vld [tilespmem:$0x111F8]  }
0x1e2: {  	v0 =	vadd.f32 v61, v0;
	v61 =	vld [tilespmem:$0x1FFE0]  }
0x1e3: {  	v15 =	vadd.f32 v24, v15;
	v24 =	vld [tilespmem:$0x1FF60]  }
0x1e4: {  	v30 =	vld [tilespmem:$0x11248]  }
0x1e5: {  	v32 =	vld [tilespmem:$0x11228]  }
0x1e6: {  	v33 =	vld [tilespmem:$0x11218]  }
0x1e7: {  	v22 =	vadd.f32 v61, v22;
	v61 =	vld [tilespmem:$0x112B8]  }
0x1e8: {  	v8 =	vadd.f32 v24, v8;
	v24 =	vld [tilespmem:$0x1FF70]  }
0x1e9: {  	v1 =	vadd.f32 v58, v1;
	v58 =	vld [tilespmem:$0x112C8]  }
0x1ea: {  	v18 =	vadd.f32 v28, v18;
	v28 =	vld [tilespmem:$0x11268];
	v23 =	vadd.f32 v37, v23  }
0x1eb: {  	v37 =	vld [tilespmem:$0x111D8]  }
0x1ec: {  	v59 =	vadd.f32 v59, v23;
	v57 =	vadd.f32 v57, v62;
	v62 =	vld [tilespmem:$0x11358]  }
0x1ed: {  	v16 =	vadd.f32 v24, v16;
	v24 =	vld [tilespmem:$0x1FF80]  }
0x1ee: {  	v23 =	vadd.f32 v61, v22;
	v22 =	vadd.f32 v58, v59;
	v58 =	vld [tilespmem:$0x113C8]  }
0x1ef: {  	v59 =	vld [tilespmem:$0x113D8]  }
0x1f0: {  	v61 =	vld [tilespmem:$0x113F8]  }
0x1f1: {  	v2 =	vadd.f32 v56, v2;
	v6 =	vadd.f32 v44, v6;
	v44 =	vld [tilespmem:$0x11368]  }
0x1f2: {  	v54 =	vadd.f32 v54, v60;
	v17 =	vadd.f32 v24, v17;
	v24 =	vld [tilespmem:$0x1FF90]  }
0x1f3: {  	v56 =	vld [tilespmem:$0x112D8];
	v3 =	vadd.f32 v52, v3;
	v4 =	vadd.f32 v51, v4  }
0x1f4: {  	v60 =	vld [tilespmem:$0x11318];
	v5 =	vadd.f32 v48, v5;
	v46 =	vadd.f32 v46, v63  }
0x1f5: {  	v7 =	vadd.f32 v45, v7;
	v41 =	vadd.f32 v41, v55;
	v55 =	vld [tilespmem:$0x113B8]  }
0x1f6: {  	v51 =	vld [tilespmem:$0x11338];
	v9 =	vadd.f32 v43, v9;
	v43 =	vadd.f32 v44, v6  }
0x1f7: {  	v10 =	vadd.f32 v42, v10;
	v18 =	vadd.f32 v24, v18;
	v24 =	vld [tilespmem:$0x1FFA0]  }
0x1f8: {  	v63 =	vld [tilespmem:$0x11378];
	v39 =	vadd.f32 v39, v53;
	v38 =	vadd.f32 v38, v50  }
0x1f9: {  	v11 =	vadd.f32 v40, v11;
	v12 =	vadd.f32 v37, v12;
	v37 =	vld [tilespmem:$0x11348]  }
0x1fa: {  	v45 =	vld [tilespmem:$0x11308];
	v40 =	vadd.f32 v55, v39;
	v39 =	vadd.f32 v58, v38  }
0x1fb: {  	v14 =	vadd.f32 v33, v14;
	v33 =	vadd.f32 v60, v3;
	v60 =	vld [tilespmem:$0x113E8]  }
0x1fc: {  	v35 =	vadd.f32 v35, v49;
	v19 =	vadd.f32 v24, v19;
	v24 =	vld [tilespmem:$0x1FFB0]  }
0x1fd: {  	v42 =	vld [tilespmem:$0x11328];
	v38 =	vadd.f32 v59, v12;
	v13 =	vadd.f32 v36, v13  }
0x1fe: {  	v53 =	vld [tilespmem:$0x113A8];
	v46 =	vadd.f32 v37, v46;
	v36 =	vadd.f32 v61, v35  }
0x1ff: {  	v34 =	vadd.f32 v34, v47;
	v32 =	vadd.f32 v32, v15;
	v15 =	vld [tilespmem:$0x11388]  }
0x200: {  	v37 =	vadd.f32 v60, v13;
	v30 =	vadd.f32 v30, v16;
	v16 =	vld [tilespmem:$0x11398]  }
0x201: {  	v31 =	vadd.f32 v31, v8;
	v20 =	vadd.f32 v24, v20;
	v24 =	vld [tilespmem:$0x1FFC0]  }
0x202: {  	v48 =	vld [tilespmem:$0x112F8];
	v29 =	vadd.f32 v29, v17;
	v28 =	vadd.f32 v28, v18  }
0x203: {  	v18 =	vadd.f32 v45, v54;
	v45 =	vadd.f32 v62, v7;
	v62 =	vld [tilespmem:$0x11408]  }
0x204: {  	v17 =	vadd.f32 v42, v4;
	v42 =	vadd.f32 v63, v9;
	v63 =	vld [tilespmem:$0x11418]  }
0x205: {  	s29 =	sadd.s32 $0x4000, s29;
	v52 =	vld [tilespmem:$0x112E8];
	v15 =	vadd.f32 v15, v10;
	v16 =	vadd.f32 v16, v41  }
0x206: {  	p1 =	sne.s32 s29, $0x64000;
	v41 =	vadd.f32 v53, v11;
	v21 =	vadd.f32 v24, v21;
	v24 =	vld [tilespmem:$0x112A8]  }
.Ltmp0:
0x207: {  	v27 =	vadd.f32 v27, v19;
	v19 =	vadd.f32 v48, v2;
	(pc) =	sbr.rel @p1 .LBB2_2-.Ltmp0, $4  }
0x208: {  	v48 =	vadd.f32 v51, v5;
	v35 =	vadd.f32 v62, v34  }
0x209: {  	v34 =	vadd.f32 v63, v14;
	v26 =	vadd.f32 v26, v20  }
0x20a: {  	v20 =	vadd.f32 v52, v57;
	v25 =	vadd.f32 v25, v21  }
0x20b: {  	s19 =	sadd.s32 $0x20000, s19;
	v21 =	vadd.f32 v56, v1;
	v24 =	vadd.f32 v24, v0  }
0x20c: {  	v0 =	vmul.f32 $4.999999890e-03, v32;
	v32 =	vld [tilespmem:$0x1FFF0];
	_ =	sdelay $0x4  }
0x20d: {  	v0 =	vadd.f32 v0, v32;
	_ =	sdelay $0x1  }
0x20e: {  	v0 =	vsub.f32 $0.0e+00, v0;
	_ =	sdelay $0x1  }
0x20f: {  	v0 =	vmul.f32 $1.442695020e+00, v0;
	_ =	sdelay $0x1  }
0x210: {  	(erf) = vpow2.f32 v0;
	_ =	sdelay $0x4  }
0x211: {  	v57 =	vmul.f32 $4.999999890e-03, v31;
	_ =	sdelay $0x1  }
0x212: {  	v0 =	vadd.f32 v57, v32;
	_ =	sdelay $0x1  }
0x213: {  	v0 =	vsub.f32 $0.0e+00, v0;
	v1 =	vpop (erf)  }
0x214: {  	v1 =	vadd.f32 $1.000000000e+00, v1  }
0x215: {  	v0 =	vmul.f32 $1.442695020e+00, v0  }
0x216: {  	(erf) = vrcp.f32 v1  }
0x217: {  	(erf) = vpow2.f32 v0;
	_ =	sdelay $0x4  }
0x218: {  	v58 =	vmul.f32 $4.999999890e-03, v30;
	_ =	sdelay $0x1  }
0x219: {  	v0 =	vadd.f32 v58, v32  }
0x21a: {  	v30 =	vpop (erf)  }
0x21b: {  	v0 =	vsub.f32 $0.0e+00, v0;
	v59 =	vpop (erf)  }
0x21c: {  	v1 =	vadd.f32 $1.000000000e+00, v59  }
0x21d: {  	v0 =	vmul.f32 $1.442695020e+00, v0  }
0x21e: {  	(erf) = vrcp.f32 v1  }
0x21f: {  	(erf) = vpow2.f32 v0;
	_ =	sdelay $0x4  }
0x220: {  	v60 =	vmul.f32 $4.999999890e-03, v29;
	_ =	sdelay $0x1  }
0x221: {  	v0 =	vadd.f32 v60, v32  }
0x222: {  	v29 =	vpop (erf)  }
0x223: {  	v0 =	vsub.f32 $0.0e+00, v0;
	v61 =	vpop (erf)  }
0x224: {  	v1 =	vadd.f32 $1.000000000e+00, v61  }
0x225: {  	v0 =	vmul.f32 $1.442695020e+00, v0  }
0x226: {  	(erf) = vrcp.f32 v1  }
0x227: {  	(erf) = vpow2.f32 v0;
	_ =	sdelay $0x4  }
0x228: {  	v62 =	vmul.f32 $4.999999890e-03, v28;
	_ =	sdelay $0x1  }
0x229: {  	v0 =	vadd.f32 v62, v32  }
0x22a: {  	v28 =	vpop (erf)  }
0x22b: {  	v0 =	vsub.f32 $0.0e+00, v0;
	v63 =	vpop (erf)  }
0x22c: {  	v1 =	vadd.f32 $1.000000000e+00, v63  }
0x22d: {  	v0 =	vmul.f32 $1.442695020e+00, v0  }
0x22e: {  	(erf) = vrcp.f32 v1  }
0x22f: {  	(erf) = vpow2.f32 v0;
	_ =	sdelay $0x4  }
0x230: {  	v4 =	vmul.f32 $4.999999890e-03, v27;
	_ =	sdelay $0x1  }
0x231: {  	v0 =	vadd.f32 v4, v32  }
0x232: {  	v27 =	vpop (erf)  }
0x233: {  	v0 =	vsub.f32 $0.0e+00, v0;
	v5 =	vpop (erf)  }
0x234: {  	v1 =	vadd.f32 $1.000000000e+00, v5  }
0x235: {  	v0 =	vmul.f32 $1.442695020e+00, v0  }
0x236: {  	(erf) = vrcp.f32 v1  }
0x237: {  	(erf) = vpow2.f32 v0;
	_ =	sdelay $0x4  }
0x238: {  	v6 =	vmul.f32 $4.999999890e-03, v26;
	_ =	sdelay $0x1  }
0x239: {  	v0 =	vadd.f32 v6, v32  }
0x23a: {  	v26 =	vpop (erf)  }
0x23b: {  	v0 =	vsub.f32 $0.0e+00, v0;
	v7 =	vpop (erf)  }
0x23c: {  	v1 =	vadd.f32 $1.000000000e+00, v7  }
0x23d: {  	v0 =	vmul.f32 $1.442695020e+00, v0  }
0x23e: {  	(erf) = vrcp.f32 v1  }
0x23f: {  	(erf) = vpow2.f32 v0;
	_ =	sdelay $0x4  }
0x240: {  	v8 =	vmul.f32 $4.999999890e-03, v25;
	_ =	sdelay $0x1  }
0x241: {  	v0 =	vadd.f32 v8, v32  }
0x242: {  	v25 =	vpop (erf)  }
0x243: {  	v0 =	vsub.f32 $0.0e+00, v0;
	v9 =	vpop (erf)  }
0x244: {  	v1 =	vadd.f32 $1.000000000e+00, v9  }
0x245: {  	v0 =	vmul.f32 $1.442695020e+00, v0  }
0x246: {  	(erf) = vrcp.f32 v1  }
0x247: {  	(erf) = vpow2.f32 v0;
	_ =	sdelay $0x4  }
0x248: {  	v10 =	vmul.f32 $4.999999890e-03, v24;
	_ =	sdelay $0x1  }
0x249: {  	v0 =	vadd.f32 v10, v32  }
0x24a: {  	v24 =	vpop (erf)  }
0x24b: {  	v0 =	vsub.f32 $0.0e+00, v0;
	v11 =	vpop (erf)  }
0x24c: {  	v1 =	vadd.f32 $1.000000000e+00, v11  }
0x24d: {  	v0 =	vmul.f32 $1.442695020e+00, v0  }
0x24e: {  	(erf) = vrcp.f32 v1  }
0x24f: {  	(erf) = vpow2.f32 v0;
	_ =	sdelay $0x4  }
0x250: {  	v12 =	vmul.f32 $4.999999890e-03, v23;
	_ =	sdelay $0x1  }
0x251: {  	v13 =	vadd.f32 v12, v32  }
0x252: {  	v0 =	vpop (erf)  }
0x253: {  	v1 =	vsub.f32 $0.0e+00, v13;
	v2 =	vpop (erf)  }
0x254: {  	v2 =	vadd.f32 $1.000000000e+00, v2  }
0x255: {  	v1 =	vmul.f32 $1.442695020e+00, v1  }
0x256: {  	(erf) = vrcp.f32 v2  }
0x257: {  	(erf) = vpow2.f32 v1;
	_ =	sdelay $0x4  }
0x258: {  	v14 =	vmul.f32 $4.999999890e-03, v22;
	_ =	sdelay $0x1  }
0x259: {  	v22 =	vadd.f32 v14, v32  }
0x25a: {  	v1 =	vpop (erf)  }
0x25b: {  	v2 =	vsub.f32 $0.0e+00, v22;
	v3 =	vpop (erf)  }
0x25c: {  	v3 =	vadd.f32 $1.000000000e+00, v3  }
0x25d: {  	v2 =	vmul.f32 $1.442695020e+00, v2  }
0x25e: {  	(erf) = vrcp.f32 v3  }
0x25f: {  	(erf) = vpow2.f32 v2;
	_ =	sdelay $0x4  }
0x260: {  	v23 =	vmul.f32 $4.999999890e-03, v21;
	_ =	sdelay $0x1  }
0x261: {  	v2 =	vadd.f32 v23, v32  }
0x262: {  	v6 =	vpop (erf)  }
0x263: {  	v2 =	vsub.f32 $0.0e+00, v2;
	v31 =	vpop (erf)  }
0x264: {  	v3 =	vadd.f32 $1.000000000e+00, v31  }
0x265: {  	v2 =	vmul.f32 $1.442695020e+00, v2  }
0x266: {  	(erf) = vrcp.f32 v3  }
0x267: {  	(erf) = vpow2.f32 v2;
	_ =	sdelay $0x4  }
0x268: {  	v44 =	vmul.f32 $4.999999890e-03, v20;
	_ =	sdelay $0x1  }
0x269: {  	v47 =	vadd.f32 v44, v32  }
0x26a: {  	v2 =	vpop (erf)  }
0x26b: {  	v3 =	vsub.f32 $0.0e+00, v47;
	v4 =	vpop (erf)  }
0x26c: {  	v4 =	vadd.f32 $1.000000000e+00, v4  }
0x26d: {  	v3 =	vmul.f32 $1.442695020e+00, v3  }
0x26e: {  	(erf) = vrcp.f32 v4  }
0x26f: {  	(erf) = vpow2.f32 v3;
	_ =	sdelay $0x4  }
0x270: {  	v49 =	vmul.f32 $4.999999890e-03, v19;
	_ =	sdelay $0x1  }
0x271: {  	v50 =	vadd.f32 v49, v32  }
0x272: {  	v3 =	vpop (erf)  }
0x273: {  	v4 =	vsub.f32 $0.0e+00, v50;
	v5 =	vpop (erf)  }
0x274: {  	v5 =	vadd.f32 $1.000000000e+00, v5  }
0x275: {  	v4 =	vmul.f32 $1.442695020e+00, v4  }
0x276: {  	(erf) = vrcp.f32 v5  }
0x277: {  	(erf) = vpow2.f32 v4;
	_ =	sdelay $0x4  }
0x278: {  	v51 =	vmul.f32 $4.999999890e-03, v18;
	_ =	sdelay $0x1  }
0x279: {  	v52 =	vadd.f32 v51, v32  }
0x27a: {  	v4 =	vpop (erf)  }
0x27b: {  	v5 =	vsub.f32 $0.0e+00, v52;
	v7 =	vpop (erf)  }
0x27c: {  	v7 =	vadd.f32 $1.000000000e+00, v7  }
0x27d: {  	v5 =	vmul.f32 $1.442695020e+00, v5  }
0x27e: {  	(erf) = vrcp.f32 v7  }
0x27f: {  	(erf) = vpow2.f32 v5;
	_ =	sdelay $0x4  }
0x280: {  	v53 =	vmul.f32 $4.999999890e-03, v33;
	_ =	sdelay $0x1  }
0x281: {  	v54 =	vadd.f32 v53, v32  }
0x282: {  	v5 =	vpop (erf)  }
0x283: {  	v7 =	vsub.f32 $0.0e+00, v54;
	v8 =	vpop (erf)  }
0x284: {  	v8 =	vadd.f32 $1.000000000e+00, v8  }
0x285: {  	v7 =	vmul.f32 $1.442695020e+00, v7  }
0x286: {  	(erf) = vrcp.f32 v8  }
0x287: {  	(erf) = vpow2.f32 v7;
	_ =	sdelay $0x4  }
0x288: {  	v55 =	vmul.f32 $4.999999890e-03, v17;
	_ =	sdelay $0x1  }
0x289: {  	v56 =	vadd.f32 v55, v32  }
0x28a: {  	v7 =	vpop (erf)  }
0x28b: {  	v8 =	vsub.f32 $0.0e+00, v56;
	v9 =	vpop (erf)  }
0x28c: {  	v9 =	vadd.f32 $1.000000000e+00, v9  }
0x28d: {  	v8 =	vmul.f32 $1.442695020e+00, v8  }
0x28e: {  	(erf) = vrcp.f32 v9  }
0x28f: {  	(erf) = vpow2.f32 v8;
	_ =	sdelay $0x4  }
0x290: {  	v57 =	vmul.f32 $4.999999890e-03, v48;
	_ =	sdelay $0x1  }
0x291: {  	v58 =	vadd.f32 v57, v32  }
0x292: {  	v8 =	vpop (erf)  }
0x293: {  	v9 =	vsub.f32 $0.0e+00, v58;
	v10 =	vpop (erf)  }
0x294: {  	v10 =	vadd.f32 $1.000000000e+00, v10  }
0x295: {  	v9 =	vmul.f32 $1.442695020e+00, v9  }
0x296: {  	(erf) = vrcp.f32 v10  }
0x297: {  	(erf) = vpow2.f32 v9;
	_ =	sdelay $0x4  }
0x298: {  	v59 =	vmul.f32 $4.999999890e-03, v46;
	_ =	sdelay $0x1  }
0x299: {  	v60 =	vadd.f32 v59, v32  }
0x29a: {  	v9 =	vpop (erf)  }
0x29b: {  	v10 =	vsub.f32 $0.0e+00, v60;
	v11 =	vpop (erf)  }
0x29c: {  	v11 =	vadd.f32 $1.000000000e+00, v11  }
0x29d: {  	v10 =	vmul.f32 $1.442695020e+00, v10  }
0x29e: {  	(erf) = vrcp.f32 v11  }
0x29f: {  	(erf) = vpow2.f32 v10;
	_ =	sdelay $0x4  }
0x2a0: {  	v61 =	vmul.f32 $4.999999890e-03, v45;
	_ =	sdelay $0x1  }
0x2a1: {  	v62 =	vadd.f32 v61, v32  }
0x2a2: {  	v63 =	vpop (erf)  }
0x2a3: {  	v11 =	vsub.f32 $0.0e+00, v62;
	v12 =	vpop (erf)  }
0x2a4: {  	v12 =	vadd.f32 $1.000000000e+00, v12  }
0x2a5: {  	v11 =	vmul.f32 $1.442695020e+00, v11  }
0x2a6: {  	(erf) = vrcp.f32 v12  }
0x2a7: {  	(erf) = vpow2.f32 v11;
	_ =	sdelay $0x4  }
0x2a8: {  	v21 =	vmul.f32 $4.999999890e-03, v43;
	_ =	sdelay $0x1  }
0x2a9: {  	v11 =	vadd.f32 v21, v32  }
0x2aa: {  	v12 =	vpop (erf)  }
0x2ab: {  	v11 =	vsub.f32 $0.0e+00, v11;
	v13 =	vpop (erf)  }
0x2ac: {  	v13 =	vadd.f32 $1.000000000e+00, v13  }
0x2ad: {  	v11 =	vmul.f32 $1.442695020e+00, v11  }
0x2ae: {  	(erf) = vrcp.f32 v13  }
0x2af: {  	(erf) = vpow2.f32 v11;
	_ =	sdelay $0x4  }
0x2b0: {  	v22 =	vmul.f32 $4.999999890e-03, v42;
	_ =	sdelay $0x1  }
0x2b1: {  	v11 =	vadd.f32 v22, v32  }
0x2b2: {  	v13 =	vpop (erf)  }
0x2b3: {  	v11 =	vsub.f32 $0.0e+00, v11;
	v14 =	vpop (erf)  }
0x2b4: {  	v14 =	vadd.f32 $1.000000000e+00, v14  }
0x2b5: {  	v11 =	vmul.f32 $1.442695020e+00, v11  }
0x2b6: {  	(erf) = vrcp.f32 v14  }
0x2b7: {  	(erf) = vpow2.f32 v11;
	_ =	sdelay $0x4  }
0x2b8: {  	v23 =	vmul.f32 $4.999999890e-03, v15;
	_ =	sdelay $0x1  }
0x2b9: {  	v11 =	vadd.f32 v23, v32  }
0x2ba: {  	v14 =	vpop (erf)  }
0x2bb: {  	v11 =	vsub.f32 $0.0e+00, v11;
	v31 =	vpop (erf)  }
0x2bc: {  	v15 =	vadd.f32 $1.000000000e+00, v31  }
0x2bd: {  	v11 =	vmul.f32 $1.442695020e+00, v11  }
0x2be: {  	(erf) = vrcp.f32 v15  }
0x2bf: {  	(erf) = vpow2.f32 v11;
	_ =	sdelay $0x4  }
0x2c0: {  	v33 =	vmul.f32 $4.999999890e-03, v16;
	_ =	sdelay $0x1  }
0x2c1: {  	v11 =	vadd.f32 v33, v32  }
0x2c2: {  	v15 =	vpop (erf)  }
0x2c3: {  	v11 =	vsub.f32 $0.0e+00, v11;
	v42 =	vpop (erf)  }
0x2c4: {  	v16 =	vadd.f32 $1.000000000e+00, v42  }
0x2c5: {  	v11 =	vmul.f32 $1.442695020e+00, v11  }
0x2c6: {  	(erf) = vrcp.f32 v16  }
0x2c7: {  	(erf) = vpow2.f32 v11;
	_ =	sdelay $0x4  }
0x2c8: {  	v43 =	vmul.f32 $4.999999890e-03, v41;
	_ =	sdelay $0x1  }
0x2c9: {  	v11 =	vadd.f32 v43, v32  }
0x2ca: {  	v16 =	vpop (erf)  }
0x2cb: {  	v11 =	vsub.f32 $0.0e+00, v11;
	v44 =	vpop (erf)  }
0x2cc: {  	v17 =	vadd.f32 $1.000000000e+00, v44  }
0x2cd: {  	v11 =	vmul.f32 $1.442695020e+00, v11  }
0x2ce: {  	(erf) = vrcp.f32 v17  }
0x2cf: {  	(erf) = vpow2.f32 v11;
	_ =	sdelay $0x4  }
0x2d0: {  	v45 =	vmul.f32 $4.999999890e-03, v40;
	_ =	sdelay $0x1  }
0x2d1: {  	v11 =	vadd.f32 v45, v32  }
0x2d2: {  	v17 =	vpop (erf)  }
0x2d3: {  	v11 =	vsub.f32 $0.0e+00, v11;
	v46 =	vpop (erf)  }
0x2d4: {  	v18 =	vadd.f32 $1.000000000e+00, v46  }
0x2d5: {  	v11 =	vmul.f32 $1.442695020e+00, v11  }
0x2d6: {  	(erf) = vrcp.f32 v18  }
0x2d7: {  	(erf) = vpow2.f32 v11;
	_ =	sdelay $0x4  }
0x2d8: {  	v47 =	vmul.f32 $4.999999890e-03, v39;
	_ =	sdelay $0x1  }
0x2d9: {  	v11 =	vadd.f32 v47, v32  }
0x2da: {  	v18 =	vpop (erf)  }
0x2db: {  	v11 =	vsub.f32 $0.0e+00, v11;
	v48 =	vpop (erf)  }
0x2dc: {  	v19 =	vadd.f32 $1.000000000e+00, v48  }
0x2dd: {  	v11 =	vmul.f32 $1.442695020e+00, v11  }
0x2de: {  	(erf) = vrcp.f32 v19  }
0x2df: {  	(erf) = vpow2.f32 v11;
	_ =	sdelay $0x4  }
0x2e0: {  	v49 =	vmul.f32 $4.999999890e-03, v38;
	_ =	sdelay $0x1  }
0x2e1: {  	v11 =	vadd.f32 v49, v32  }
0x2e2: {  	v19 =	vpop (erf)  }
0x2e3: {  	v11 =	vsub.f32 $0.0e+00, v11;
	v50 =	vpop (erf)  }
0x2e4: {  	v20 =	vadd.f32 $1.000000000e+00, v50  }
0x2e5: {  	v11 =	vmul.f32 $1.442695020e+00, v11  }
0x2e6: {  	(erf) = vrcp.f32 v20  }
0x2e7: {  	(erf) = vpow2.f32 v11;
	_ =	sdelay $0x4  }
0x2e8: {  	v51 =	vmul.f32 $4.999999890e-03, v37;
	_ =	sdelay $0x1  }
0x2e9: {  	v11 =	vadd.f32 v51, v32  }
0x2ea: {  	v20 =	vpop (erf)  }
0x2eb: {  	v11 =	vsub.f32 $0.0e+00, v11;
	v52 =	vpop (erf)  }
0x2ec: {  	v21 =	vadd.f32 $1.000000000e+00, v52  }
0x2ed: {  	v11 =	vmul.f32 $1.442695020e+00, v11  }
0x2ee: {  	(erf) = vrcp.f32 v21  }
0x2ef: {  	(erf) = vpow2.f32 v11;
	_ =	sdelay $0x4  }
0x2f0: {  	v53 =	vmul.f32 $4.999999890e-03, v36;
	_ =	sdelay $0x1  }
0x2f1: {  	v11 =	vadd.f32 v53, v32  }
0x2f2: {  	v21 =	vpop (erf)  }
0x2f3: {  	v11 =	vsub.f32 $0.0e+00, v11;
	v54 =	vpop (erf)  }
0x2f4: {  	v22 =	vadd.f32 $1.000000000e+00, v54  }
0x2f5: {  	v11 =	vmul.f32 $1.442695020e+00, v11  }
0x2f6: {  	(erf) = vrcp.f32 v22  }
0x2f7: {  	(erf) = vpow2.f32 v11;
	_ =	sdelay $0x4  }
0x2f8: {  	v55 =	vmul.f32 $4.999999890e-03, v35;
	_ =	sdelay $0x1  }
0x2f9: {  	v11 =	vadd.f32 v55, v32  }
0x2fa: {  	v22 =	vpop (erf)  }
0x2fb: {  	v11 =	vsub.f32 $0.0e+00, v11;
	v56 =	vpop (erf)  }
0x2fc: {  	v23 =	vadd.f32 $1.000000000e+00, v56  }
0x2fd: {  	v11 =	vmul.f32 $1.442695020e+00, v11  }
0x2fe: {  	(erf) = vrcp.f32 v23  }
0x2ff: {  	(erf) = vpow2.f32 v11;
	_ =	sdelay $0x3  }
0x300: {  	[tilespmem:$0x11438] =	vst v30  }
0x301: {  	v57 =	vmul.f32 $4.999999890e-03, v34;
	[tilespmem:$0x11448] =	vst v29  }
0x302: {  	[tilespmem:$0x11458] =	vst v28  }
0x303: {  	[tilespmem:$0x11468] =	vst v27;
	v11 =	vadd.f32 v57, v32  }
0x304: {  	[tilespmem:$0x11478] =	vst v26;
	v23 =	vpop (erf)  }
0x305: {  	[tilespmem:$0x11488] =	vst v25;
	v11 =	vsub.f32 $0.0e+00, v11;
	v58 =	vpop (erf)  }
0x306: {  	[tilespmem:$0x11498] =	vst v24;
	v59 =	vadd.f32 $1.000000000e+00, v58  }
0x307: {  	[tilespmem:$0x114A8] =	vst v0;
	v60 =	vmul.f32 $1.442695020e+00, v11  }
0x308: {  	[tilespmem:$0x114B8] =	vst v1;
	(erf) = vrcp.f32 v59  }
0x309: {  	[tilespmem:$0x114C8] =	vst v6;
	(erf) = vpow2.f32 v60  }
0x30a: {  	[tilespmem:$0x114D8] =	vst v2  }
0x30b: {  	[tilespmem:$0x114E8] =	vst v3  }
0x30c: {  	[tilespmem:$0x114F8] =	vst v4  }
0x30d: {  	[tilespmem:$0x11508] =	vst v5  }
0x30e: {  	[tilespmem:$0x11518] =	vst v7  }
0x30f: {  	[tilespmem:$0x11528] =	vst v8  }
0x310: {  	[tilespmem:$0x11538] =	vst v9  }
0x311: {  	[tilespmem:$0x11548] =	vst v63;
	v61 =	vpop (erf)  }
0x312: {  	[tilespmem:$0x11558] =	vst v12;
	v62 =	vpop (erf)  }
0x313: {  	[tilespmem:$0x11568] =	vst v13;
	v1 =	vadd.f32 $1.000000000e+00, v62  }
0x314: {  	[tilespmem:$0x11578] =	vst v14  }
0x315: {  	[tilespmem:$0x11588] =	vst v15;
	(erf) = vrcp.f32 v1  }
0x316: {  	[tilespmem:$0x11598] =	vst v16  }
0x317: {  	[tilespmem:$0x115A8] =	vst v17  }
0x318: {  	[tilespmem:$0x115B8] =	vst v18  }
0x319: {  	[tilespmem:$0x115C8] =	vst v19  }
0x31a: {  	[tilespmem:$0x115D8] =	vst v20  }
0x31b: {  	[tilespmem:$0x115E8] =	vst v21  }
0x31c: {  	[tilespmem:$0x115F8] =	vst v22  }
0x31d: {  	s28 =	sadd.s32 $0x1, s28;
	[tilespmem:$0x11608] =	vst v23  }
0x31e: {  	p1 =	sne.s32 s28, s18;
	[tilespmem:$0x11618] =	vst v61;
	v63 =	vpop (erf)  }
.Ltmp1:
0x31f: {  	s4 =	simm.s32 $0x11438;
	[tilespmem:$0x11628] =	vst v63;
	(pc) =	sbr.rel @p1 .LBB2_1-.Ltmp1, $4  }
0x320: {  	[hbm4b:s17+s2] =	stream.linear.scatter [tilespmem:s4], [sflag:$0x5], $0x200, $0x38;
	[tilespmem:$0x11638] =	vst v63  }
0x321: {  	_ =	swait.ge [sflag:s21], $0x200  }
0x322: {  	[sflag:s21] =	ssyncset.done $0x0  }
0x323: {  	[sflag:s21] =	ssyncadd.s32 $0xFFFFFE00  }
0x324: {  	_ =	sfence.sel $0x180000  }
0x325: {  	[bflag:$0x0] =	sbarrier.arrive $0xFFFF  }
0x326: {  	_ =	strace $0x90000047  }
0x327: {  	[bflag:$0x2] =	sbarrier.arrive $0xFFFF  }
0x328: {  	s0 =	rddreg [dreg:$0x3]  }
0x329: {  	s0 =	sadd.s32 @!p0 $0x100000, s0  }
0x32a: {  	[sflag:s0] =	ssyncadd.tile.s32 @!p0 $0x1;
	_ =	shalt  }
.Lfunc_end2:
_tile_overlayer_lowered:
.L_overlay_start_2:
0x32b: {  	(tag) =	ssettag $0x2  }
0x32c: {  	s0 =	rddreg [dreg:$0x0];
	s2 =	stileid.u32  }
0x32d: {  	s1 =	rddreg [dreg:$0x1];
	p0 =	sne.s32 s2, $0x0  }
0x32e: {  	s3 =	rddreg [dreg:$0x2];
	[bflag:$0x3] =	sbarrier.arrive $0xFFFF;
	s2 =	simm.s32 @!p0 $0x1C05  }
0x32f: {  	[timem:s3], [sflag:s2] =	dma.local @!p0 [hbm:s0], s1  }
0x330: {  	s0 =	simm.s32 @!p0 $0x5  }
0x331: {  	_ =	swait.ge @!p0 [sflag:s0], s1  }
0x332: {  	s1 =	ssub.s32 @!p0 $0x0, s1;
	[sflag:s0] =	ssyncset.done @!p0 $0x0  }
0x333: {  	[sflag:s0] =	ssyncadd.s32 @!p0 s1  }
0x334: {  	[bflag:$0x3] =	sbarrier.arrive $0xFFFF  }
0x335: {  	_ =	shalt  }

</sc_bundles>
